<compile_context>
chip_gen: v7x
topology: tpu7x:2x2x1
jax: 0.10.2.dev20260603
libtpu: 0.0.44.dev20260713+nightly
codegen_flags: <defaults>
</compile_context>

<pallas_src>
import jax
import jax.numpy as jnp
from jax import lax
from jax.experimental import pallas as pl
from jax.experimental.pallas import tpu as pltpu
from jax.experimental.pallas import tpu_sc as plsc

N_NODES = 10000
D = 256
DH = 128
CHUNK = 128
E_PAD = 163840
ROWS_2D = E_PAD // CHUNK
NS = 16
TRASH = 10016
ACC_ROWS = 10112
ZR = ACC_ROWS // NS
CPT = ROWS_2D // NS


NBUF = 3


def _sc_agg_body(x2, src_flat, dst_flat, zrow,
                 agg_out,
                 i0s, i1s, i2s, i0d, i1d, i2d, r0, r1, r2, acc_sh,
                 ia, ib, ic, ga, gb, gc, sa, sb, sc):
    isrc = (i0s, i1s, i2s)
    idst = (i0d, i1d, i2d)
    rows = (r0, r1, r2)
    isem = (ia, ib, ic)
    gsem = (ga, gb, gc)
    ssem = (sa, sb, sc)
    c = lax.axis_index("c")
    s = lax.axis_index("s")
    zo = pl.multiple_of(ZR * s, 8)
    pltpu.sync_copy(zrow, acc_sh.at[pl.ds(zo, ZR)])
    plsc.subcore_barrier()

    sbase = pl.multiple_of(c * E_PAD + CPT * s * CHUNK, 8)
    dbase = pl.multiple_of(CPT * s * CHUNK, 8)

    def idx_start(b, j):
        o = j * CHUNK
        pltpu.async_copy(src_flat.at[pl.ds(sbase + o, CHUNK)], isrc[b], isem[b])
        pltpu.async_copy(dst_flat.at[pl.ds(dbase + o, CHUNK)], idst[b], isem[b])

    def idx_wait(b, j):
        o = j * CHUNK
        pltpu.make_async_copy(src_flat.at[pl.ds(sbase + o, CHUNK)],
                              isrc[b], isem[b]).wait()
        pltpu.make_async_copy(dst_flat.at[pl.ds(dbase + o, CHUNK)],
                              idst[b], isem[b]).wait()

    def gather_start(b):
        pltpu.async_copy(x2.at[isrc[b]], rows[b], gsem[b])

    def gather_wait(b):
        pltpu.make_async_copy(x2.at[isrc[b]], rows[b], gsem[b]).wait()

    def scat_start(b):
        pltpu.async_copy(rows[b], acc_sh.at[idst[b]], ssem[b], add=True)

    def scat_wait(b):
        pltpu.make_async_copy(rows[b], acc_sh.at[idst[b]], ssem[b]).wait()

    for b in range(NBUF):
        idx_start(b, b)
    for b in range(NBUF):
        idx_wait(b, b)
        gather_start(b)

    def outer(g, carry):
        base = g * NBUF
        for b in range(NBUF):
            gather_wait(b)
            scat_start(b)
        for b in range(NBUF):
            scat_wait(b)
            idx_start(b, base + NBUF + b)
        for b in range(NBUF):
            idx_wait(b, base + NBUF + b)
            gather_start(b)
        return carry

    lax.fori_loop(0, CPT // NBUF - 1, outer, 0)

    rem = CPT - (CPT // NBUF - 1) * NBUF - NBUF
    for b in range(NBUF):
        gather_wait(b)
        scat_start(b)
    for b in range(NBUF):
        scat_wait(b)
        if b < rem:
            idx_start(b, CPT - rem + b)
    for b in range(rem):
        idx_wait(b, CPT - rem + b)
        gather_start(b)
    for b in range(rem):
        gather_wait(b)
        scat_start(b)
    for b in range(rem):
        scat_wait(b)
    plsc.subcore_barrier()
    wo = pl.multiple_of(c * ACC_ROWS + zo, 8)
    pltpu.sync_copy(acc_sh.at[pl.ds(zo, ZR)], agg_out.at[pl.ds(wo, ZR)])


HCPT = CPT // 2


def _sc_cnt_body(dst2d, ones_in, zrow, cnt_out, dst_all, ones_v, cnt_sh):
    c = lax.axis_index("c")
    s = lax.axis_index("s")
    zo = pl.multiple_of(ZR * s, 8)
    pltpu.sync_copy(zrow, cnt_sh.at[pl.ds(zo, ZR)])
    ho = pl.multiple_of(c * (ROWS_2D // 2) + HCPT * s, 8)
    pltpu.sync_copy(dst2d.at[pl.ds(ho, HCPT)], dst_all)
    pltpu.sync_copy(ones_in, ones_v)
    plsc.subcore_barrier()

    def body(j, carry):
        pltpu.sync_copy(ones_v, cnt_sh.at[dst_all.at[j]], add=True)
        return carry

    lax.fori_loop(0, HCPT, body, 0)
    plsc.subcore_barrier()
    wo = pl.multiple_of(c * ACC_ROWS + zo, 8)
    pltpu.sync_copy(cnt_sh.at[pl.ds(zo, ZR)], cnt_out.at[pl.ds(wo, ZR)])


_SC_CACHE = {}


def _sc_agg(*args):
    if "agg" not in _SC_CACHE:
        _SC_CACHE["agg"] = pl.kernel(
            _sc_agg_body,
            out_type=jax.ShapeDtypeStruct((2 * ACC_ROWS, DH), jnp.float32),
            mesh=plsc.VectorSubcoreMesh(core_axis_name="c",
                                        subcore_axis_name="s"),
            scratch_types=(
                [pltpu.VMEM((CHUNK,), jnp.int32) for _ in range(2 * NBUF)]
                + [pltpu.VMEM((CHUNK, DH), jnp.float32)
                   for _ in range(NBUF)]
                + [pltpu.VMEM_SHARED((ACC_ROWS, DH), jnp.float32)]
                + [pltpu.SemaphoreType.DMA for _ in range(3 * NBUF)]
            ),
        )
    return _SC_CACHE["agg"](*args)


def _sc_cnt(*args):
    if "cnt" not in _SC_CACHE:
        _SC_CACHE["cnt"] = pl.kernel(
            _sc_cnt_body,
            out_type=jax.ShapeDtypeStruct((2 * ACC_ROWS, DH), jnp.float32),
            mesh=plsc.VectorSubcoreMesh(core_axis_name="c",
                                        subcore_axis_name="s"),
            scratch_types=[
                pltpu.VMEM((HCPT, CHUNK), jnp.int32),
                pltpu.VMEM((CHUNK, DH), jnp.float32),
                pltpu.VMEM_SHARED((ACC_ROWS, DH), jnp.float32),
            ],
        )
    return _SC_CACHE["cnt"](*args)


BR = 1000


def _combine_body_mid(alo, ahi, cn0, cn1, hlo, hhi, wl, wr, b, out):
    dn = (((1,), (0,)), ((), ()))
    a = jnp.concatenate([alo[0], ahi[0]], axis=1)
    hh = jnp.concatenate([hlo[...], hhi[...]], axis=1)
    inv = 1.0 / jnp.maximum(cn0[0, :, 0:1] + cn1[0, :, 0:1], 1.0)
    t = lax.dot_general(a, wl[...], dn, preferred_element_type=jnp.float32)
    t = t * inv + b[...]
    t = t + lax.dot_general(hh, wr[...], dn, preferred_element_type=jnp.float32)
    t = jnp.maximum(t, 0.0)
    out[0, :, :] = t[:, :DH]
    out[1, :, :] = t[:, DH:]


def _combine_body_last(alo, ahi, cn0, cn1, hlo, hhi, wl, wr, b, out):
    dn = (((1,), (0,)), ((), ()))
    a = jnp.concatenate([alo[0], ahi[0]], axis=1)
    hh = jnp.concatenate([hlo[...], hhi[...]], axis=1)
    inv = 1.0 / jnp.maximum(cn0[0, :, 0:1] + cn1[0, :, 0:1], 1.0)
    t = lax.dot_general(a, wl[...], dn, preferred_element_type=jnp.float32)
    t = t * inv + b[...]
    t = t + lax.dot_general(hh, wr[...], dn, preferred_element_type=jnp.float32)
    out[...] = t


def _combine(agg2, cnt, h2, wl, wr, b2d, last):
    in_specs = [
        pl.BlockSpec((1, BR, DH), lambda i: (0, i, 0)),
        pl.BlockSpec((1, BR, DH), lambda i: (1, i, 0)),
        pl.BlockSpec((1, BR, DH), lambda i: (0, i, 0)),
        pl.BlockSpec((1, BR, DH), lambda i: (1, i, 0)),
        pl.BlockSpec((BR, DH), lambda i: (i, 0)),
        pl.BlockSpec((BR, DH), lambda i: (i + 10, 0)),
        pl.BlockSpec((D, D), lambda i: (0, 0)),
        pl.BlockSpec((D, D), lambda i: (0, 0)),
        pl.BlockSpec((1, D), lambda i: (0, 0)),
    ]
    if last:
        out_spec = pl.BlockSpec((BR, D), lambda i: (i, 0))
        out_shape = jax.ShapeDtypeStruct((N_NODES, D), jnp.float32)
        body = _combine_body_last
    else:
        out_spec = pl.BlockSpec((2, BR, DH), lambda i: (0, i, 0))
        out_shape = jax.ShapeDtypeStruct((2, N_NODES, DH), jnp.float32)
        body = _combine_body_mid
    f = pl.pallas_call(
        body,
        grid=(N_NODES // BR,),
        in_specs=in_specs,
        out_specs=out_spec,
        out_shape=out_shape,
    )
    return f(agg2, agg2, cnt, cnt, h2, h2, wl, wr, b2d)


def kernel(x, edge_index, W1_l, b1, W1_r, W2_l, b2, W2_r, W3_l, b3, W3_r):
    src = edge_index[0].astype(jnp.int32)
    dst = edge_index[1].astype(jnp.int32)
    pad = E_PAD - src.shape[0]
    src_p = jnp.concatenate([src, jnp.zeros((pad,), jnp.int32)])
    dst_p = jnp.concatenate([dst, jnp.full((pad,), TRASH, jnp.int32)])
    src0 = src_p.reshape(ROWS_2D, CHUNK)
    dst2d = dst_p.reshape(ROWS_2D, CHUNK)
    ones_in = jnp.ones((CHUNK, DH), jnp.float32)
    zrow = jnp.zeros((ZR, DH), jnp.float32)

    h2 = x.reshape(N_NODES, 2, DH).transpose(1, 0, 2).reshape(2 * N_NODES, DH)
    cnt = _sc_cnt(dst2d, ones_in, zrow).reshape(2, ACC_ROWS, DH)
    out = None
    layers = ((W1_l, b1, W1_r, False),
              (W2_l, b2, W2_r, False),
              (W3_l, b3, W3_r, True))
    src_cat = jnp.concatenate([src_p, src_p + N_NODES])
    for wl, b, wr, last in layers:
        agg2 = _sc_agg(h2, src_cat, dst_p, zrow).reshape(2, ACC_ROWS, DH)
        out = _combine(agg2, cnt, h2, wl, wr, b.reshape(1, D), last)
        if not last:
            h2 = out.reshape(2 * N_NODES, DH)
    return out

# --- scband reference (transcript-rebuilt; emitter-appended) ---
"""Pipeline reference for scband-graph-sageencoder-81011673137261 (READ-ONLY COPY).

The authoritative reference and input builder live on the scoring server;
editing this copy changes nothing except your own understanding.
"""

import jax, jax.numpy as jnp
import numpy as np

N_NODES = 10000
D_IN = 256
D_HID = 256
D_OUT = 256
N_EDGES = 160000


def _sage_conv(x, src, dst, W_l, b_l, W_r, num_nodes):
    # PyG SAGEConv (aggr='mean'): out = lin_l(mean_{j in N(i)} x_j) + lin_r(x_i)
    msgs = jnp.take(x, src, axis=0)                     # gather source features [E, d]
    agg = jax.ops.segment_sum(msgs, dst, num_segments=num_nodes)
    cnt = jax.ops.segment_sum(jnp.ones((msgs.shape[0],), dtype=x.dtype), dst, num_segments=num_nodes)
    agg = agg / jnp.clip(cnt, 1.0, None)[:, None]       # mean aggregation
    return agg @ W_l + b_l + x @ W_r


def setup_inputs(seed: int = 0) -> dict:
    key = jax.random.key(seed)
    ks = jax.random.split(key, 12)
    x = jax.random.normal(ks[0], (N_NODES, D_IN), dtype=jnp.float32)
    edge_index = jax.random.randint(ks[1], (2, N_EDGES), 0, N_NODES, dtype=jnp.int64)

    def glorot(k, shape):
        lim = float(np.sqrt(6.0 / (shape[0] + shape[1])))
        return jax.random.uniform(k, shape, dtype=jnp.float32, minval=-lim, maxval=lim)

    W1_l = glorot(ks[2], (D_IN, D_HID)); b1 = jnp.zeros((D_HID,), dtype=jnp.float32)
    W1_r = glorot(ks[3], (D_IN, D_HID))
    W2_l = glorot(ks[4], (D_HID, D_HID)); b2 = jnp.zeros((D_HID,), dtype=jnp.float32)
    W2_r = glorot(ks[5], (D_HID, D_HID))
    W3_l = glorot(ks[6], (D_HID, D_OUT)); b3 = jnp.zeros((D_OUT,), dtype=jnp.float32)
    W3_r = glorot(ks[7], (D_HID, D_OUT))
    return {"x": x, "edge_index": edge_index,
            "W1_l": W1_l, "b1": b1, "W1_r": W1_r,
            "W2_l": W2_l, "b2": b2, "W2_r": W2_r,
            "W3_l": W3_l, "b3": b3, "W3_r": W3_r}


def reference(x, edge_index, W1_l, b1, W1_r, W2_l, b2, W2_r, W3_l, b3, W3_r):
    src = edge_index[0]
    dst = edge_index[1]
    h = jax.nn.relu(_sage_conv(x, src, dst, W1_l, b1, W1_r, N_NODES))
    h = jax.nn.relu(_sage_conv(h, src, dst, W2_l, b2, W2_r, N_NODES))
    h = _sage_conv(h, src, dst, W3_l, b3, W3_r, N_NODES)
    return h

if __name__ == "__main__":
    import jax
    _d = setup_inputs()
    print(jax.jit(kernel)(*tuple(_d.values())))

</pallas_src>

<mosaic_0001>
#map = affine_map<(d0, d1) -> (0, 0)>
module attributes {stable_mosaic.version = 14 : i64} {
  func.func @_sc_cnt_body(%arg0: i32, %arg1: i32, %arg2: memref<1280x128xi32, #tpu.memory_space<hbm>>, %arg3: memref<128x128xf32, #tpu.memory_space<hbm>>, %arg4: memref<632x128xf32, #tpu.memory_space<hbm>>, %arg5: memref<20224x128xf32, #tpu.memory_space<hbm>>, %arg6: memref<40x128xi32, #tpu.memory_space<vmem>>, %arg7: memref<128x128xf32, #tpu.memory_space<vmem>>, %arg8: memref<10112x128xf32, #tpu.memory_space<vmem_shared>>) attributes {dimension_semantics = [#tpu.dimension_semantics<core_parallel>, #tpu.dimension_semantics<subcore_parallel>], iteration_bounds = array<i64: 2, 16>, scalar_prefetch = 0 : i64, scratch_operands = 3 : i64, tpu.core_type = #tpu.core_type<sc_vector_subcore>, window_params = [{transform_indices = #map}, {transform_indices = #map}, {transform_indices = #map}, {transform_indices = #map}]} {
    %mul3A = arith.constant 632 : i32
    %mul3A_0 = arith.muli %mul3A, %arg1 : i32
    %multiple_of3A = tpu.assume_multiple %mul3A_0, 8 : i32
    "tpu.region"() ({
      %run_scoped3A = tpu.sem_alloc : memref<!tpu.dma_semaphore, #tpu.memory_space<semaphore_mem>>
      %dma_start3A = arith.constant 0 : i32
      %dma_start3A_16 = tpu.memref_slice %arg8[%multiple_of3A, %dma_start3A] : memref<10112x128xf32, #tpu.memory_space<vmem_shared>> -> memref<632x128xf32, #tpu.memory_space<vmem_shared>>
      tpu.enqueue_dma source(%arg4 : memref<632x128xf32, #tpu.memory_space<hbm>>) target(%dma_start3A_16 : memref<632x128xf32, #tpu.memory_space<vmem_shared>>) target_semaphore(%run_scoped3A : memref<!tpu.dma_semaphore, #tpu.memory_space<semaphore_mem>>)
      %dma_wait3A = arith.constant 0 : i32
      %dma_wait3A_17 = tpu.memref_slice %arg8[%multiple_of3A, %dma_wait3A] : memref<10112x128xf32, #tpu.memory_space<vmem_shared>> -> memref<632x128xf32, #tpu.memory_space<vmem_shared>>
      tpu.wait_dma2 semaphore(%run_scoped3A : memref<!tpu.dma_semaphore, #tpu.memory_space<semaphore_mem>>) src(%arg4 : memref<632x128xf32, #tpu.memory_space<hbm>>) dst(%dma_wait3A_17 : memref<632x128xf32, #tpu.memory_space<vmem_shared>>)
      tpu.yield
    }) : () -> ()
    %mul3A_1 = arith.constant 640 : i32
    %mul3A_2 = arith.muli %arg0, %mul3A_1 : i32
    %mul3A_3 = arith.constant 40 : i32
    %mul3A_4 = arith.muli %mul3A_3, %arg1 : i32
    %add3A = arith.addi %mul3A_2, %mul3A_4 : i32
    %multiple_of3A_5 = tpu.assume_multiple %add3A, 8 : i32
    "tpu.region"() ({
      %run_scoped3A = tpu.sem_alloc : memref<!tpu.dma_semaphore, #tpu.memory_space<semaphore_mem>>
      %dma_start3A = arith.constant 0 : i32
      %dma_start3A_16 = tpu.memref_slice %arg2[%multiple_of3A_5, %dma_start3A] : memref<1280x128xi32, #tpu.memory_space<hbm>> -> memref<40x128xi32, #tpu.memory_space<hbm>>
      %dma_start3A_17 = arith.constant 0 : i32
      %dma_start3A_18 = tpu.memref_slice %arg2[%multiple_of3A_5, %dma_start3A_17] : memref<1280x128xi32, #tpu.memory_space<hbm>> -> memref<40x128xi32, #tpu.memory_space<hbm>>
      tpu.enqueue_dma source(%dma_start3A_18 : memref<40x128xi32, #tpu.memory_space<hbm>>) target(%arg6 : memref<40x128xi32, #tpu.memory_space<vmem>>) target_semaphore(%run_scoped3A : memref<!tpu.dma_semaphore, #tpu.memory_space<semaphore_mem>>)
      %dma_wait3A = arith.constant 0 : i32
      %dma_wait3A_19 = tpu.memref_slice %arg2[%multiple_of3A_5, %dma_wait3A] : memref<1280x128xi32, #tpu.memory_space<hbm>> -> memref<40x128xi32, #tpu.memory_space<hbm>>
      %dma_wait3A_20 = arith.constant 0 : i32
      %dma_wait3A_21 = tpu.memref_slice %arg2[%multiple_of3A_5, %dma_wait3A_20] : memref<1280x128xi32, #tpu.memory_space<hbm>> -> memref<40x128xi32, #tpu.memory_space<hbm>>
      tpu.wait_dma2 semaphore(%run_scoped3A : memref<!tpu.dma_semaphore, #tpu.memory_space<semaphore_mem>>) src(%dma_wait3A_21 : memref<40x128xi32, #tpu.memory_space<hbm>>) dst(%arg6 : memref<40x128xi32, #tpu.memory_space<vmem>>)
      tpu.yield
    }) : () -> ()
    "tpu.region"() ({
      %run_scoped3A = tpu.sem_alloc : memref<!tpu.dma_semaphore, #tpu.memory_space<semaphore_mem>>
      tpu.enqueue_dma source(%arg3 : memref<128x128xf32, #tpu.memory_space<hbm>>) target(%arg7 : memref<128x128xf32, #tpu.memory_space<vmem>>) target_semaphore(%run_scoped3A : memref<!tpu.dma_semaphore, #tpu.memory_space<semaphore_mem>>)
      tpu.wait_dma2 semaphore(%run_scoped3A : memref<!tpu.dma_semaphore, #tpu.memory_space<semaphore_mem>>) src(%arg3 : memref<128x128xf32, #tpu.memory_space<hbm>>) dst(%arg7 : memref<128x128xf32, #tpu.memory_space<vmem>>)
      tpu.yield
    }) : () -> ()
    %barrier3A = arith.constant 0 : index
    tpu.barrier barrier_id(%barrier3A)
    %scan3A = arith.constant 0 : i32
    %scan3A_6 = arith.constant 0 : i32
    %scan3A_7 = arith.constant 40 : i32
    %scan3A_8 = arith.addi %scan3A_6, %scan3A_7 : i32
    %scan3A_9 = arith.constant 1 : i32
    scf.for %scan3A_16 = %scan3A_6 to %scan3A_8 step %scan3A_9  : i32 {
      "tpu.region"() ({
        %run_scoped3A = tpu.sem_alloc : memref<!tpu.dma_semaphore, #tpu.memory_space<semaphore_mem>>
        %dma_start3A = arith.constant 0 : i32
        %dma_start3A_17 = tpu.memref_slice %arg6[%scan3A_16, %dma_start3A] : memref<40x128xi32, #tpu.memory_space<vmem>> -> memref<1x128xi32, #tpu.memory_space<vmem>>
        %dma_start3A_18 = tpu.memref_squeeze %dma_start3A_17 : memref<1x128xi32, #tpu.memory_space<vmem>> -> memref<128xi32, #tpu.memory_space<vmem>>
        %dma_start3A_19 = arith.constant 0 : i32
        %dma_start3A_20 = arith.constant 0 : i32
        %dma_start3A_21 = tpu.memref_slice %arg8[%dma_start3A_19, %dma_start3A_20] : memref<10112x128xf32, #tpu.memory_space<vmem_shared>> -> memref<10112x128xf32, #tpu.memory_space<vmem_shared>>
        tpu.enqueue_indirect_dma source(%arg7 : memref<128x128xf32, #tpu.memory_space<vmem>>) target(%dma_start3A_21 : memref<10112x128xf32, #tpu.memory_space<vmem_shared>>) offsets(%dma_start3A_18 : memref<128xi32, #tpu.memory_space<vmem>>) semaphore(%run_scoped3A : memref<!tpu.dma_semaphore, #tpu.memory_space<semaphore_mem>>) {add = true}
        %dma_wait3A = arith.constant 0 : i32
        %dma_wait3A_22 = tpu.memref_slice %arg6[%scan3A_16, %dma_wait3A] : memref<40x128xi32, #tpu.memory_space<vmem>> -> memref<1x128xi32, #tpu.memory_space<vmem>>
        %dma_wait3A_23 = tpu.memref_squeeze %dma_wait3A_22 : memref<1x128xi32, #tpu.memory_space<vmem>> -> memref<128xi32, #tpu.memory_space<vmem>>
        %dma_wait3A_24 = arith.constant 0 : i32
        %dma_wait3A_25 = arith.constant 0 : i32
        %dma_wait3A_26 = tpu.memref_slice %arg8[%dma_wait3A_24, %dma_wait3A_25] : memref<10112x128xf32, #tpu.memory_space<vmem_shared>> -> memref<10112x128xf32, #tpu.memory_space<vmem_shared>>
        tpu.wait_indirect_dma semaphore(%run_scoped3A : memref<!tpu.dma_semaphore, #tpu.memory_space<semaphore_mem>>) src(%arg7 : memref<128x128xf32, #tpu.memory_space<vmem>>) dst(%dma_wait3A_26 : memref<10112x128xf32, #tpu.memory_space<vmem_shared>>)
        tpu.yield
      }) : () -> ()
    }
    %scan3A_10 = arith.constant 40 : i32
    %barrier3A_11 = arith.constant 0 : index
    tpu.barrier barrier_id(%barrier3A_11)
    %mul3A_12 = arith.constant 10112 : i32
    %mul3A_13 = arith.muli %arg0, %mul3A_12 : i32
    %add3A_14 = arith.addi %mul3A_13, %multiple_of3A : i32
    %multiple_of3A_15 = tpu.assume_multiple %add3A_14, 8 : i32
    "tpu.region"() ({
      %run_scoped3A = tpu.sem_alloc : memref<!tpu.dma_semaphore, #tpu.memory_space<semaphore_mem>>
      %dma_start3A = arith.constant 0 : i32
      %dma_start3A_16 = tpu.memref_slice %arg5[%multiple_of3A_15, %dma_start3A] : memref<20224x128xf32, #tpu.memory_space<hbm>> -> memref<632x128xf32, #tpu.memory_space<hbm>>
      %dma_start3A_17 = arith.constant 0 : i32
      %dma_start3A_18 = tpu.memref_slice %arg8[%multiple_of3A, %dma_start3A_17] : memref<10112x128xf32, #tpu.memory_space<vmem_shared>> -> memref<632x128xf32, #tpu.memory_space<vmem_shared>>
      tpu.enqueue_dma source(%dma_start3A_18 : memref<632x128xf32, #tpu.memory_space<vmem_shared>>) target(%dma_start3A_16 : memref<632x128xf32, #tpu.memory_space<hbm>>) target_semaphore(%run_scoped3A : memref<!tpu.dma_semaphore, #tpu.memory_space<semaphore_mem>>)
      %dma_wait3A = arith.constant 0 : i32
      %dma_wait3A_19 = tpu.memref_slice %arg5[%multiple_of3A_15, %dma_wait3A] : memref<20224x128xf32, #tpu.memory_space<hbm>> -> memref<632x128xf32, #tpu.memory_space<hbm>>
      %dma_wait3A_20 = arith.constant 0 : i32
      %dma_wait3A_21 = tpu.memref_slice %arg8[%multiple_of3A, %dma_wait3A_20] : memref<10112x128xf32, #tpu.memory_space<vmem_shared>> -> memref<632x128xf32, #tpu.memory_space<vmem_shared>>
      tpu.wait_dma2 semaphore(%run_scoped3A : memref<!tpu.dma_semaphore, #tpu.memory_space<semaphore_mem>>) src(%dma_wait3A_21 : memref<632x128xf32, #tpu.memory_space<vmem_shared>>) dst(%dma_wait3A_19 : memref<632x128xf32, #tpu.memory_space<hbm>>)
      tpu.yield
    }) : () -> ()
    return
  }
}

#map = affine_map<(d0, d1) -> (0, 0)>
#map1 = affine_map<(d0, d1) -> (0)>
module attributes {stable_mosaic.version = 14 : i64} {
  func.func @_sc_agg_body(%arg0: i32, %arg1: i32, %arg2: memref<20000x128xf32, #tpu.memory_space<hbm>>, %arg3: memref<327680xi32, #tpu.memory_space<hbm>>, %arg4: memref<163840xi32, #tpu.memory_space<hbm>>, %arg5: memref<632x128xf32, #tpu.memory_space<hbm>>, %arg6: memref<20224x128xf32, #tpu.memory_space<hbm>>, %arg7: memref<128xi32, #tpu.memory_space<vmem>>, %arg8: memref<128xi32, #tpu.memory_space<vmem>>, %arg9: memref<128xi32, #tpu.memory_space<vmem>>, %arg10: memref<128xi32, #tpu.memory_space<vmem>>, %arg11: memref<128xi32, #tpu.memory_space<vmem>>, %arg12: memref<128xi32, #tpu.memory_space<vmem>>, %arg13: memref<128x128xf32, #tpu.memory_space<vmem>>, %arg14: memref<128x128xf32, #tpu.memory_space<vmem>>, %arg15: memref<128x128xf32, #tpu.memory_space<vmem>>, %arg16: memref<10112x128xf32, #tpu.memory_space<vmem_shared>>, %arg17: memref<!tpu.dma_semaphore, #tpu.memory_space<semaphore_mem>>, %arg18: memref<!tpu.dma_semaphore, #tpu.memory_space<semaphore_mem>>, %arg19: memref<!tpu.dma_semaphore, #tpu.memory_space<semaphore_mem>>, %arg20: memref<!tpu.dma_semaphore, #tpu.memory_space<semaphore_mem>>, %arg21: memref<!tpu.dma_semaphore, #tpu.memory_space<semaphore_mem>>, %arg22: memref<!tpu.dma_semaphore, #tpu.memory_space<semaphore_mem>>, %arg23: memref<!tpu.dma_semaphore, #tpu.memory_space<semaphore_mem>>, %arg24: memref<!tpu.dma_semaphore, #tpu.memory_space<semaphore_mem>>, %arg25: memref<!tpu.dma_semaphore, #tpu.memory_space<semaphore_mem>>) attributes {dimension_semantics = [#tpu.dimension_semantics<core_parallel>, #tpu.dimension_semantics<subcore_parallel>], iteration_bounds = array<i64: 2, 16>, scalar_prefetch = 0 : i64, scratch_operands = 19 : i64, tpu.core_type = #tpu.core_type<sc_vector_subcore>, window_params = [{transform_indices = #map}, {transform_indices = #map1}, {transform_indices = #map1}, {transform_indices = #map}, {transform_indices = #map}]} {
    %mul3A = arith.constant 632 : i32
    %mul3A_0 = arith.muli %mul3A, %arg1 : i32
    %multiple_of3A = tpu.assume_multiple %mul3A_0, 8 : i32
    "tpu.region"() ({
      %run_scoped3A = tpu.sem_alloc : memref<!tpu.dma_semaphore, #tpu.memory_space<semaphore_mem>>
      %dma_start3A_161 = arith.constant 0 : i32
      %dma_start3A_162 = tpu.memref_slice %arg16[%multiple_of3A, %dma_start3A_161] : memref<10112x128xf32, #tpu.memory_space<vmem_shared>> -> memref<632x128xf32, #tpu.memory_space<vmem_shared>>
      tpu.enqueue_dma source(%arg5 : memref<632x128xf32, #tpu.memory_space<hbm>>) target(%dma_start3A_162 : memref<632x128xf32, #tpu.memory_space<vmem_shared>>) target_semaphore(%run_scoped3A : memref<!tpu.dma_semaphore, #tpu.memory_space<semaphore_mem>>)
      %dma_wait3A_163 = arith.constant 0 : i32
      %dma_wait3A_164 = tpu.memref_slice %arg16[%multiple_of3A, %dma_wait3A_163] : memref<10112x128xf32, #tpu.memory_space<vmem_shared>> -> memref<632x128xf32, #tpu.memory_space<vmem_shared>>
      tpu.wait_dma2 semaphore(%run_scoped3A : memref<!tpu.dma_semaphore, #tpu.memory_space<semaphore_mem>>) src(%arg5 : memref<632x128xf32, #tpu.memory_space<hbm>>) dst(%dma_wait3A_164 : memref<632x128xf32, #tpu.memory_space<vmem_shared>>)
      tpu.yield
    }) : () -> ()
    %barrier3A = arith.constant 0 : index
    tpu.barrier barrier_id(%barrier3A)
    %mul3A_1 = arith.constant 163840 : i32
    %mul3A_2 = arith.muli %arg0, %mul3A_1 : i32
    %mul3A_3 = arith.constant 80 : i32
    %mul3A_4 = arith.muli %mul3A_3, %arg1 : i32
    %mul3A_5 = arith.constant 128 : i32
    %mul3A_6 = arith.muli %mul3A_4, %mul3A_5 : i32
    %add3A = arith.addi %mul3A_2, %mul3A_6 : i32
    %multiple_of3A_7 = tpu.assume_multiple %add3A, 8 : i32
    %mul3A_8 = arith.constant 80 : i32
    %mul3A_9 = arith.muli %mul3A_8, %arg1 : i32
    %mul3A_10 = arith.constant 128 : i32
    %mul3A_11 = arith.muli %mul3A_9, %mul3A_10 : i32
    %multiple_of3A_12 = tpu.assume_multiple %mul3A_11, 8 : i32
    %add3A_13 = arith.constant 0 : i32
    %add3A_14 = arith.addi %multiple_of3A_7, %add3A_13 : i32
    %dma_start3A = tpu.memref_slice %arg3[%add3A_14] : memref<327680xi32, #tpu.memory_space<hbm>> -> memref<128xi32, #tpu.memory_space<hbm>>
    %dma_start3A_15 = tpu.memref_slice %arg3[%add3A_14] : memref<327680xi32, #tpu.memory_space<hbm>> -> memref<128xi32, #tpu.memory_space<hbm>>
    tpu.enqueue_dma source(%dma_start3A_15 : memref<128xi32, #tpu.memory_space<hbm>>) target(%arg7 : memref<128xi32, #tpu.memory_space<vmem>>) target_semaphore(%arg17 : memref<!tpu.dma_semaphore, #tpu.memory_space<semaphore_mem>>)
    %add3A_16 = arith.constant 0 : i32
    %add3A_17 = arith.addi %multiple_of3A_12, %add3A_16 : i32
    %dma_start3A_18 = tpu.memref_slice %arg4[%add3A_17] : memref<163840xi32, #tpu.memory_space<hbm>> -> memref<128xi32, #tpu.memory_space<hbm>>
    %dma_start3A_19 = tpu.memref_slice %arg4[%add3A_17] : memref<163840xi32, #tpu.memory_space<hbm>> -> memref<128xi32, #tpu.memory_space<hbm>>
    tpu.enqueue_dma source(%dma_start3A_19 : memref<128xi32, #tpu.memory_space<hbm>>) target(%arg10 : memref<128xi32, #tpu.memory_space<vmem>>) target_semaphore(%arg17 : memref<!tpu.dma_semaphore, #tpu.memory_space<semaphore_mem>>)
    %add3A_20 = arith.constant 128 : i32
    %add3A_21 = arith.addi %multiple_of3A_7, %add3A_20 : i32
    %dma_start3A_22 = tpu.memref_slice %arg3[%add3A_21] : memref<327680xi32, #tpu.memory_space<hbm>> -> memref<128xi32, #tpu.memory_space<hbm>>
    %dma_start3A_23 = tpu.memref_slice %arg3[%add3A_21] : memref<327680xi32, #tpu.memory_space<hbm>> -> memref<128xi32, #tpu.memory_space<hbm>>
    tpu.enqueue_dma source(%dma_start3A_23 : memref<128xi32, #tpu.memory_space<hbm>>) target(%arg8 : memref<128xi32, #tpu.memory_space<vmem>>) target_semaphore(%arg18 : memref<!tpu.dma_semaphore, #tpu.memory_space<semaphore_mem>>)
    %add3A_24 = arith.constant 128 : i32
    %add3A_25 = arith.addi %multiple_of3A_12, %add3A_24 : i32
    %dma_start3A_26 = tpu.memref_slice %arg4[%add3A_25] : memref<163840xi32, #tpu.memory_space<hbm>> -> memref<128xi32, #tpu.memory_space<hbm>>
    %dma_start3A_27 = tpu.memref_slice %arg4[%add3A_25] : memref<163840xi32, #tpu.memory_space<hbm>> -> memref<128xi32, #tpu.memory_space<hbm>>
    tpu.enqueue_dma source(%dma_start3A_27 : memref<128xi32, #tpu.memory_space<hbm>>) target(%arg11 : memref<128xi32, #tpu.memory_space<vmem>>) target_semaphore(%arg18 : memref<!tpu.dma_semaphore, #tpu.memory_space<semaphore_mem>>)
    %add3A_28 = arith.constant 256 : i32
    %add3A_29 = arith.addi %multiple_of3A_7, %add3A_28 : i32
    %dma_start3A_30 = tpu.memref_slice %arg3[%add3A_29] : memref<327680xi32, #tpu.memory_space<hbm>> -> memref<128xi32, #tpu.memory_space<hbm>>
    %dma_start3A_31 = tpu.memref_slice %arg3[%add3A_29] : memref<327680xi32, #tpu.memory_space<hbm>> -> memref<128xi32, #tpu.memory_space<hbm>>
    tpu.enqueue_dma source(%dma_start3A_31 : memref<128xi32, #tpu.memory_space<hbm>>) target(%arg9 : memref<128xi32, #tpu.memory_space<vmem>>) target_semaphore(%arg19 : memref<!tpu.dma_semaphore, #tpu.memory_space<semaphore_mem>>)
    %add3A_32 = arith.constant 256 : i32
    %add3A_33 = arith.addi %multiple_of3A_12, %add3A_32 : i32
    %dma_start3A_34 = tpu.memref_slice %arg4[%add3A_33] : memref<163840xi32, #tpu.memory_space<hbm>> -> memref<128xi32, #tpu.memory_space<hbm>>
    %dma_start3A_35 = tpu.memref_slice %arg4[%add3A_33] : memref<163840xi32, #tpu.memory_space<hbm>> -> memref<128xi32, #tpu.memory_space<hbm>>
    tpu.enqueue_dma source(%dma_start3A_35 : memref<128xi32, #tpu.memory_space<hbm>>) target(%arg12 : memref<128xi32, #tpu.memory_space<vmem>>) target_semaphore(%arg19 : memref<!tpu.dma_semaphore, #tpu.memory_space<semaphore_mem>>)
    %add3A_36 = arith.constant 0 : i32
    %add3A_37 = arith.addi %multiple_of3A_7, %add3A_36 : i32
    %dma_wait3A = tpu.memref_slice %arg3[%add3A_37] : memref<327680xi32, #tpu.memory_space<hbm>> -> memref<128xi32, #tpu.memory_space<hbm>>
    %dma_wait3A_38 = tpu.memref_slice %arg3[%add3A_37] : memref<327680xi32, #tpu.memory_space<hbm>> -> memref<128xi32, #tpu.memory_space<hbm>>
    tpu.wait_dma2 semaphore(%arg17 : memref<!tpu.dma_semaphore, #tpu.memory_space<semaphore_mem>>) src(%dma_wait3A_38 : memref<128xi32, #tpu.memory_space<hbm>>) dst(%arg7 : memref<128xi32, #tpu.memory_space<vmem>>)
    %add3A_39 = arith.constant 0 : i32
    %add3A_40 = arith.addi %multiple_of3A_12, %add3A_39 : i32
    %dma_wait3A_41 = tpu.memref_slice %arg4[%add3A_40] : memref<163840xi32, #tpu.memory_space<hbm>> -> memref<128xi32, #tpu.memory_space<hbm>>
    %dma_wait3A_42 = tpu.memref_slice %arg4[%add3A_40] : memref<163840xi32, #tpu.memory_space<hbm>> -> memref<128xi32, #tpu.memory_space<hbm>>
    tpu.wait_dma2 semaphore(%arg17 : memref<!tpu.dma_semaphore, #tpu.memory_space<semaphore_mem>>) src(%dma_wait3A_42 : memref<128xi32, #tpu.memory_space<hbm>>) dst(%arg10 : memref<128xi32, #tpu.memory_space<vmem>>)
    %dma_start3A_43 = arith.constant 0 : i32
    %dma_start3A_44 = arith.constant 0 : i32
    %dma_start3A_45 = tpu.memref_slice %arg2[%dma_start3A_43, %dma_start3A_44] : memref<20000x128xf32, #tpu.memory_space<hbm>> -> memref<20000x128xf32, #tpu.memory_space<hbm>>
    tpu.enqueue_indirect_dma source(%dma_start3A_45 : memref<20000x128xf32, #tpu.memory_space<hbm>>) target(%arg13 : memref<128x128xf32, #tpu.memory_space<vmem>>) offsets(%arg7 : memref<128xi32, #tpu.memory_space<vmem>>) semaphore(%arg20 : memref<!tpu.dma_semaphore, #tpu.memory_space<semaphore_mem>>)
    %add3A_46 = arith.constant 128 : i32
    %add3A_47 = arith.addi %multiple_of3A_7, %add3A_46 : i32
    %dma_wait3A_48 = tpu.memref_slice %arg3[%add3A_47] : memref<327680xi32, #tpu.memory_space<hbm>> -> memref<128xi32, #tpu.memory_space<hbm>>
    %dma_wait3A_49 = tpu.memref_slice %arg3[%add3A_47] : memref<327680xi32, #tpu.memory_space<hbm>> -> memref<128xi32, #tpu.memory_space<hbm>>
    tpu.wait_dma2 semaphore(%arg18 : memref<!tpu.dma_semaphore, #tpu.memory_space<semaphore_mem>>) src(%dma_wait3A_49 : memref<128xi32, #tpu.memory_space<hbm>>) dst(%arg8 : memref<128xi32, #tpu.memory_space<vmem>>)
    %add3A_50 = arith.constant 128 : i32
    %add3A_51 = arith.addi %multiple_of3A_12, %add3A_50 : i32
    %dma_wait3A_52 = tpu.memref_slice %arg4[%add3A_51] : memref<163840xi32, #tpu.memory_space<hbm>> -> memref<128xi32, #tpu.memory_space<hbm>>
    %dma_wait3A_53 = tpu.memref_slice %arg4[%add3A_51] : memref<163840xi32, #tpu.memory_space<hbm>> -> memref<128xi32, #tpu.memory_space<hbm>>
    tpu.wait_dma2 semaphore(%arg18 : memref<!tpu.dma_semaphore, #tpu.memory_space<semaphore_mem>>) src(%dma_wait3A_53 : memref<128xi32, #tpu.memory_space<hbm>>) dst(%arg11 : memref<128xi32, #tpu.memory_space<vmem>>)
    %dma_start3A_54 = arith.constant 0 : i32
    %dma_start3A_55 = arith.constant 0 : i32
    %dma_start3A_56 = tpu.memref_slice %arg2[%dma_start3A_54, %dma_start3A_55] : memref<20000x128xf32, #tpu.memory_space<hbm>> -> memref<20000x128xf32, #tpu.memory_space<hbm>>
    tpu.enqueue_indirect_dma source(%dma_start3A_56 : memref<20000x128xf32, #tpu.memory_space<hbm>>) target(%arg14 : memref<128x128xf32, #tpu.memory_space<vmem>>) offsets(%arg8 : memref<128xi32, #tpu.memory_space<vmem>>) semaphore(%arg21 : memref<!tpu.dma_semaphore, #tpu.memory_space<semaphore_mem>>)
    %add3A_57 = arith.constant 256 : i32
    %add3A_58 = arith.addi %multiple_of3A_7, %add3A_57 : i32
    %dma_wait3A_59 = tpu.memref_slice %arg3[%add3A_58] : memref<327680xi32, #tpu.memory_space<hbm>> -> memref<128xi32, #tpu.memory_space<hbm>>
    %dma_wait3A_60 = tpu.memref_slice %arg3[%add3A_58] : memref<327680xi32, #tpu.memory_space<hbm>> -> memref<128xi32, #tpu.memory_space<hbm>>
    tpu.wait_dma2 semaphore(%arg19 : memref<!tpu.dma_semaphore, #tpu.memory_space<semaphore_mem>>) src(%dma_wait3A_60 : memref<128xi32, #tpu.memory_space<hbm>>) dst(%arg9 : memref<128xi32, #tpu.memory_space<vmem>>)
    %add3A_61 = arith.constant 256 : i32
    %add3A_62 = arith.addi %multiple_of3A_12, %add3A_61 : i32
    %dma_wait3A_63 = tpu.memref_slice %arg4[%add3A_62] : memref<163840xi32, #tpu.memory_space<hbm>> -> memref<128xi32, #tpu.memory_space<hbm>>
    %dma_wait3A_64 = tpu.memref_slice %arg4[%add3A_62] : memref<163840xi32, #tpu.memory_space<hbm>> -> memref<128xi32, #tpu.memory_space<hbm>>
    tpu.wait_dma2 semaphore(%arg19 : memref<!tpu.dma_semaphore, #tpu.memory_space<semaphore_mem>>) src(%dma_wait3A_64 : memref<128xi32, #tpu.memory_space<hbm>>) dst(%arg12 : memref<128xi32, #tpu.memory_space<vmem>>)
    %dma_start3A_65 = arith.constant 0 : i32
    %dma_start3A_66 = arith.constant 0 : i32
    %dma_start3A_67 = tpu.memref_slice %arg2[%dma_start3A_65, %dma_start3A_66] : memref<20000x128xf32, #tpu.memory_space<hbm>> -> memref<20000x128xf32, #tpu.memory_space<hbm>>
    tpu.enqueue_indirect_dma source(%dma_start3A_67 : memref<20000x128xf32, #tpu.memory_space<hbm>>) target(%arg15 : memref<128x128xf32, #tpu.memory_space<vmem>>) offsets(%arg9 : memref<128xi32, #tpu.memory_space<vmem>>) semaphore(%arg22 : memref<!tpu.dma_semaphore, #tpu.memory_space<semaphore_mem>>)
    %scan3A = arith.constant 0 : i32
    %scan3A_68 = arith.constant 0 : i32
    %scan3A_69 = arith.constant 25 : i32
    %scan3A_70 = arith.addi %scan3A_68, %scan3A_69 : i32
    %scan3A_71 = arith.constant 1 : i32
    scf.for %scan3A_161 = %scan3A_68 to %scan3A_70 step %scan3A_71  : i32 {
      %mul3A_162 = arith.constant 3 : i32
      %mul3A_163 = arith.muli %scan3A_161, %mul3A_162 : i32
      %dma_wait3A_164 = arith.constant 0 : i32
      %dma_wait3A_165 = arith.constant 0 : i32
      %dma_wait3A_166 = tpu.memref_slice %arg2[%dma_wait3A_164, %dma_wait3A_165] : memref<20000x128xf32, #tpu.memory_space<hbm>> -> memref<20000x128xf32, #tpu.memory_space<hbm>>
      tpu.wait_indirect_dma semaphore(%arg20 : memref<!tpu.dma_semaphore, #tpu.memory_space<semaphore_mem>>) src(%dma_wait3A_166 : memref<20000x128xf32, #tpu.memory_space<hbm>>) dst(%arg13 : memref<128x128xf32, #tpu.memory_space<vmem>>)
      %dma_start3A_167 = arith.constant 0 : i32
      %dma_start3A_168 = arith.constant 0 : i32
      %dma_start3A_169 = tpu.memref_slice %arg16[%dma_start3A_167, %dma_start3A_168] : memref<10112x128xf32, #tpu.memory_space<vmem_shared>> -> memref<10112x128xf32, #tpu.memory_space<vmem_shared>>
      tpu.enqueue_indirect_dma source(%arg13 : memref<128x128xf32, #tpu.memory_space<vmem>>) target(%dma_start3A_169 : memref<10112x128xf32, #tpu.memory_space<vmem_shared>>) offsets(%arg10 : memref<128xi32, #tpu.memory_space<vmem>>) semaphore(%arg23 : memref<!tpu.dma_semaphore, #tpu.memory_space<semaphore_mem>>) {add = true}
      %dma_wait3A_170 = arith.constant 0 : i32
      %dma_wait3A_171 = arith.constant 0 : i32
      %dma_wait3A_172 = tpu.memref_slice %arg2[%dma_wait3A_170, %dma_wait3A_171] : memref<20000x128xf32, #tpu.memory_space<hbm>> -> memref<20000x128xf32, #tpu.memory_space<hbm>>
      tpu.wait_indirect_dma semaphore(%arg21 : memref<!tpu.dma_semaphore, #tpu.memory_space<semaphore_mem>>) src(%dma_wait3A_172 : memref<20000x128xf32, #tpu.memory_space<hbm>>) dst(%arg14 : memref<128x128xf32, #tpu.memory_space<vmem>>)
      %dma_start3A_173 = arith.constant 0 : i32
      %dma_start3A_174 = arith.constant 0 : i32
      %dma_start3A_175 = tpu.memref_slice %arg16[%dma_start3A_173, %dma_start3A_174] : memref<10112x128xf32, #tpu.memory_space<vmem_shared>> -> memref<10112x128xf32, #tpu.memory_space<vmem_shared>>
      tpu.enqueue_indirect_dma source(%arg14 : memref<128x128xf32, #tpu.memory_space<vmem>>) target(%dma_start3A_175 : memref<10112x128xf32, #tpu.memory_space<vmem_shared>>) offsets(%arg11 : memref<128xi32, #tpu.memory_space<vmem>>) semaphore(%arg24 : memref<!tpu.dma_semaphore, #tpu.memory_space<semaphore_mem>>) {add = true}
      %dma_wait3A_176 = arith.constant 0 : i32
      %dma_wait3A_177 = arith.constant 0 : i32
      %dma_wait3A_178 = tpu.memref_slice %arg2[%dma_wait3A_176, %dma_wait3A_177] : memref<20000x128xf32, #tpu.memory_space<hbm>> -> memref<20000x128xf32, #tpu.memory_space<hbm>>
      tpu.wait_indirect_dma semaphore(%arg22 : memref<!tpu.dma_semaphore, #tpu.memory_space<semaphore_mem>>) src(%dma_wait3A_178 : memref<20000x128xf32, #tpu.memory_space<hbm>>) dst(%arg15 : memref<128x128xf32, #tpu.memory_space<vmem>>)
      %dma_start3A_179 = arith.constant 0 : i32
      %dma_start3A_180 = arith.constant 0 : i32
      %dma_start3A_181 = tpu.memref_slice %arg16[%dma_start3A_179, %dma_start3A_180] : memref<10112x128xf32, #tpu.memory_space<vmem_shared>> -> memref<10112x128xf32, #tpu.memory_space<vmem_shared>>
      tpu.enqueue_indirect_dma source(%arg15 : memref<128x128xf32, #tpu.memory_space<vmem>>) target(%dma_start3A_181 : memref<10112x128xf32, #tpu.memory_space<vmem_shared>>) offsets(%arg12 : memref<128xi32, #tpu.memory_space<vmem>>) semaphore(%arg25 : memref<!tpu.dma_semaphore, #tpu.memory_space<semaphore_mem>>) {add = true}
      %dma_wait3A_182 = arith.constant 0 : i32
      %dma_wait3A_183 = arith.constant 0 : i32
      %dma_wait3A_184 = tpu.memref_slice %arg16[%dma_wait3A_182, %dma_wait3A_183] : memref<10112x128xf32, #tpu.memory_space<vmem_shared>> -> memref<10112x128xf32, #tpu.memory_space<vmem_shared>>
      tpu.wait_indirect_dma semaphore(%arg23 : memref<!tpu.dma_semaphore, #tpu.memory_space<semaphore_mem>>) src(%arg13 : memref<128x128xf32, #tpu.memory_space<vmem>>) dst(%dma_wait3A_184 : memref<10112x128xf32, #tpu.memory_space<vmem_shared>>)
      %add3A_185 = arith.constant 3 : i32
      %add3A_186 = arith.addi %mul3A_163, %add3A_185 : i32
      %add3A_187 = arith.constant 0 : i32
      %add3A_188 = arith.addi %add3A_186, %add3A_187 : i32
      %mul3A_189 = arith.constant 128 : i32
      %mul3A_190 = arith.muli %add3A_188, %mul3A_189 : i32
      %add3A_191 = arith.addi %multiple_of3A_7, %mul3A_190 : i32
      %dma_start3A_192 = tpu.memref_slice %arg3[%add3A_191] : memref<327680xi32, #tpu.memory_space<hbm>> -> memref<128xi32, #tpu.memory_space<hbm>>
      %dma_start3A_193 = tpu.memref_slice %arg3[%add3A_191] : memref<327680xi32, #tpu.memory_space<hbm>> -> memref<128xi32, #tpu.memory_space<hbm>>
      tpu.enqueue_dma source(%dma_start3A_193 : memref<128xi32, #tpu.memory_space<hbm>>) target(%arg7 : memref<128xi32, #tpu.memory_space<vmem>>) target_semaphore(%arg17 : memref<!tpu.dma_semaphore, #tpu.memory_space<semaphore_mem>>)
      %add3A_194 = arith.addi %multiple_of3A_12, %mul3A_190 : i32
      %dma_start3A_195 = tpu.memref_slice %arg4[%add3A_194] : memref<163840xi32, #tpu.memory_space<hbm>> -> memref<128xi32, #tpu.memory_space<hbm>>
      %dma_start3A_196 = tpu.memref_slice %arg4[%add3A_194] : memref<163840xi32, #tpu.memory_space<hbm>> -> memref<128xi32, #tpu.memory_space<hbm>>
      tpu.enqueue_dma source(%dma_start3A_196 : memref<128xi32, #tpu.memory_space<hbm>>) target(%arg10 : memref<128xi32, #tpu.memory_space<vmem>>) target_semaphore(%arg17 : memref<!tpu.dma_semaphore, #tpu.memory_space<semaphore_mem>>)
      %dma_wait3A_197 = arith.constant 0 : i32
      %dma_wait3A_198 = arith.constant 0 : i32
      %dma_wait3A_199 = tpu.memref_slice %arg16[%dma_wait3A_197, %dma_wait3A_198] : memref<10112x128xf32, #tpu.memory_space<vmem_shared>> -> memref<10112x128xf32, #tpu.memory_space<vmem_shared>>
      tpu.wait_indirect_dma semaphore(%arg24 : memref<!tpu.dma_semaphore, #tpu.memory_space<semaphore_mem>>) src(%arg14 : memref<128x128xf32, #tpu.memory_space<vmem>>) dst(%dma_wait3A_199 : memref<10112x128xf32, #tpu.memory_space<vmem_shared>>)
      %add3A_200 = arith.constant 3 : i32
      %add3A_201 = arith.addi %mul3A_163, %add3A_200 : i32
      %add3A_202 = arith.constant 1 : i32
      %add3A_203 = arith.addi %add3A_201, %add3A_202 : i32
      %mul3A_204 = arith.constant 128 : i32
      %mul3A_205 = arith.muli %add3A_203, %mul3A_204 : i32
      %add3A_206 = arith.addi %multiple_of3A_7, %mul3A_205 : i32
      %dma_start3A_207 = tpu.memref_slice %arg3[%add3A_206] : memref<327680xi32, #tpu.memory_space<hbm>> -> memref<128xi32, #tpu.memory_space<hbm>>
      %dma_start3A_208 = tpu.memref_slice %arg3[%add3A_206] : memref<327680xi32, #tpu.memory_space<hbm>> -> memref<128xi32, #tpu.memory_space<hbm>>
      tpu.enqueue_dma source(%dma_start3A_208 : memref<128xi32, #tpu.memory_space<hbm>>) target(%arg8 : memref<128xi32, #tpu.memory_space<vmem>>) target_semaphore(%arg18 : memref<!tpu.dma_semaphore, #tpu.memory_space<semaphore_mem>>)
      %add3A_209 = arith.addi %multiple_of3A_12, %mul3A_205 : i32
      %dma_start3A_210 = tpu.memref_slice %arg4[%add3A_209] : memref<163840xi32, #tpu.memory_space<hbm>> -> memref<128xi32, #tpu.memory_space<hbm>>
      %dma_start3A_211 = tpu.memref_slice %arg4[%add3A_209] : memref<163840xi32, #tpu.memory_space<hbm>> -> memref<128xi32, #tpu.memory_space<hbm>>
      tpu.enqueue_dma source(%dma_start3A_211 : memref<128xi32, #tpu.memory_space<hbm>>) target(%arg11 : memref<128xi32, #tpu.memory_space<vmem>>) target_semaphore(%arg18 : memref<!tpu.dma_semaphore, #tpu.memory_space<semaphore_mem>>)
      %dma_wait3A_212 = arith.constant 0 : i32
      %dma_wait3A_213 = arith.constant 0 : i32
      %dma_wait3A_214 = tpu.memref_slice %arg16[%dma_wait3A_212, %dma_wait3A_213] : memref<10112x128xf32, #tpu.memory_space<vmem_shared>> -> memref<10112x128xf32, #tpu.memory_space<vmem_shared>>
      tpu.wait_indirect_dma semaphore(%arg25 : memref<!tpu.dma_semaphore, #tpu.memory_space<semaphore_mem>>) src(%arg15 : memref<128x128xf32, #tpu.memory_space<vmem>>) dst(%dma_wait3A_214 : memref<10112x128xf32, #tpu.memory_space<vmem_shared>>)
      %add3A_215 = arith.constant 3 : i32
      %add3A_216 = arith.addi %mul3A_163, %add3A_215 : i32
      %add3A_217 = arith.constant 2 : i32
      %add3A_218 = arith.addi %add3A_216, %add3A_217 : i32
      %mul3A_219 = arith.constant 128 : i32
      %mul3A_220 = arith.muli %add3A_218, %mul3A_219 : i32
      %add3A_221 = arith.addi %multiple_of3A_7, %mul3A_220 : i32
      %dma_start3A_222 = tpu.memref_slice %arg3[%add3A_221] : memref<327680xi32, #tpu.memory_space<hbm>> -> memref<128xi32, #tpu.memory_space<hbm>>
      %dma_start3A_223 = tpu.memref_slice %arg3[%add3A_221] : memref<327680xi32, #tpu.memory_space<hbm>> -> memref<128xi32, #tpu.memory_space<hbm>>
      tpu.enqueue_dma source(%dma_start3A_223 : memref<128xi32, #tpu.memory_space<hbm>>) target(%arg9 : memref<128xi32, #tpu.memory_space<vmem>>) target_semaphore(%arg19 : memref<!tpu.dma_semaphore, #tpu.memory_space<semaphore_mem>>)
      %add3A_224 = arith.addi %multiple_of3A_12, %mul3A_220 : i32
      %dma_start3A_225 = tpu.memref_slice %arg4[%add3A_224] : memref<163840xi32, #tpu.memory_space<hbm>> -> memref<128xi32, #tpu.memory_space<hbm>>
      %dma_start3A_226 = tpu.memref_slice %arg4[%add3A_224] : memref<163840xi32, #tpu.memory_space<hbm>> -> memref<128xi32, #tpu.memory_space<hbm>>
      tpu.enqueue_dma source(%dma_start3A_226 : memref<128xi32, #tpu.memory_space<hbm>>) target(%arg12 : memref<128xi32, #tpu.memory_space<vmem>>) target_semaphore(%arg19 : memref<!tpu.dma_semaphore, #tpu.memory_space<semaphore_mem>>)
      %add3A_227 = arith.constant 3 : i32
      %add3A_228 = arith.addi %mul3A_163, %add3A_227 : i32
      %add3A_229 = arith.constant 0 : i32
      %add3A_230 = arith.addi %add3A_228, %add3A_229 : i32
      %mul3A_231 = arith.constant 128 : i32
      %mul3A_232 = arith.muli %add3A_230, %mul3A_231 : i32
      %add3A_233 = arith.addi %multiple_of3A_7, %mul3A_232 : i32
      %dma_wait3A_234 = tpu.memref_slice %arg3[%add3A_233] : memref<327680xi32, #tpu.memory_space<hbm>> -> memref<128xi32, #tpu.memory_space<hbm>>
      %dma_wait3A_235 = tpu.memref_slice %arg3[%add3A_233] : memref<327680xi32, #tpu.memory_space<hbm>> -> memref<128xi32, #tpu.memory_space<hbm>>
      tpu.wait_dma2 semaphore(%arg17 : memref<!tpu.dma_semaphore, #tpu.memory_space<semaphore_mem>>) src(%dma_wait3A_235 : memref<128xi32, #tpu.memory_space<hbm>>) dst(%arg7 : memref<128xi32, #tpu.memory_space<vmem>>)
      %add3A_236 = arith.addi %multiple_of3A_12, %mul3A_232 : i32
      %dma_wait3A_237 = tpu.memref_slice %arg4[%add3A_236] : memref<163840xi32, #tpu.memory_space<hbm>> -> memref<128xi32, #tpu.memory_space<hbm>>
      %dma_wait3A_238 = tpu.memref_slice %arg4[%add3A_236] : memref<163840xi32, #tpu.memory_space<hbm>> -> memref<128xi32, #tpu.memory_space<hbm>>
      tpu.wait_dma2 semaphore(%arg17 : memref<!tpu.dma_semaphore, #tpu.memory_space<semaphore_mem>>) src(%dma_wait3A_238 : memref<128xi32, #tpu.memory_space<hbm>>) dst(%arg10 : memref<128xi32, #tpu.memory_space<vmem>>)
      %dma_start3A_239 = arith.constant 0 : i32
      %dma_start3A_240 = arith.constant 0 : i32
      %dma_start3A_241 = tpu.memref_slice %arg2[%dma_start3A_239, %dma_start3A_240] : memref<20000x128xf32, #tpu.memory_space<hbm>> -> memref<20000x128xf32, #tpu.memory_space<hbm>>
      tpu.enqueue_indirect_dma source(%dma_start3A_241 : memref<20000x128xf32, #tpu.memory_space<hbm>>) target(%arg13 : memref<128x128xf32, #tpu.memory_space<vmem>>) offsets(%arg7 : memref<128xi32, #tpu.memory_space<vmem>>) semaphore(%arg20 : memref<!tpu.dma_semaphore, #tpu.memory_space<semaphore_mem>>)
      %add3A_242 = arith.constant 3 : i32
      %add3A_243 = arith.addi %mul3A_163, %add3A_242 : i32
      %add3A_244 = arith.constant 1 : i32
      %add3A_245 = arith.addi %add3A_243, %add3A_244 : i32
      %mul3A_246 = arith.constant 128 : i32
      %mul3A_247 = arith.muli %add3A_245, %mul3A_246 : i32
      %add3A_248 = arith.addi %multiple_of3A_7, %mul3A_247 : i32
      %dma_wait3A_249 = tpu.memref_slice %arg3[%add3A_248] : memref<327680xi32, #tpu.memory_space<hbm>> -> memref<128xi32, #tpu.memory_space<hbm>>
      %dma_wait3A_250 = tpu.memref_slice %arg3[%add3A_248] : memref<327680xi32, #tpu.memory_space<hbm>> -> memref<128xi32, #tpu.memory_space<hbm>>
      tpu.wait_dma2 semaphore(%arg18 : memref<!tpu.dma_semaphore, #tpu.memory_space<semaphore_mem>>) src(%dma_wait3A_250 : memref<128xi32, #tpu.memory_space<hbm>>) dst(%arg8 : memref<128xi32, #tpu.memory_space<vmem>>)
      %add3A_251 = arith.addi %multiple_of3A_12, %mul3A_247 : i32
      %dma_wait3A_252 = tpu.memref_slice %arg4[%add3A_251] : memref<163840xi32, #tpu.memory_space<hbm>> -> memref<128xi32, #tpu.memory_space<hbm>>
      %dma_wait3A_253 = tpu.memref_slice %arg4[%add3A_251] : memref<163840xi32, #tpu.memory_space<hbm>> -> memref<128xi32, #tpu.memory_space<hbm>>
      tpu.wait_dma2 semaphore(%arg18 : memref<!tpu.dma_semaphore, #tpu.memory_space<semaphore_mem>>) src(%dma_wait3A_253 : memref<128xi32, #tpu.memory_space<hbm>>) dst(%arg11 : memref<128xi32, #tpu.memory_space<vmem>>)
      %dma_start3A_254 = arith.constant 0 : i32
      %dma_start3A_255 = arith.constant 0 : i32
      %dma_start3A_256 = tpu.memref_slice %arg2[%dma_start3A_254, %dma_start3A_255] : memref<20000x128xf32, #tpu.memory_space<hbm>> -> memref<20000x128xf32, #tpu.memory_space<hbm>>
      tpu.enqueue_indirect_dma source(%dma_start3A_256 : memref<20000x128xf32, #tpu.memory_space<hbm>>) target(%arg14 : memref<128x128xf32, #tpu.memory_space<vmem>>) offsets(%arg8 : memref<128xi32, #tpu.memory_space<vmem>>) semaphore(%arg21 : memref<!tpu.dma_semaphore, #tpu.memory_space<semaphore_mem>>)
      %add3A_257 = arith.constant 3 : i32
      %add3A_258 = arith.addi %mul3A_163, %add3A_257 : i32
      %add3A_259 = arith.constant 2 : i32
      %add3A_260 = arith.addi %add3A_258, %add3A_259 : i32
      %mul3A_261 = arith.constant 128 : i32
      %mul3A_262 = arith.muli %add3A_260, %mul3A_261 : i32
      %add3A_263 = arith.addi %multiple_of3A_7, %mul3A_262 : i32
      %dma_wait3A_264 = tpu.memref_slice %arg3[%add3A_263] : memref<327680xi32, #tpu.memory_space<hbm>> -> memref<128xi32, #tpu.memory_space<hbm>>
      %dma_wait3A_265 = tpu.memref_slice %arg3[%add3A_263] : memref<327680xi32, #tpu.memory_space<hbm>> -> memref<128xi32, #tpu.memory_space<hbm>>
      tpu.wait_dma2 semaphore(%arg19 : memref<!tpu.dma_semaphore, #tpu.memory_space<semaphore_mem>>) src(%dma_wait3A_265 : memref<128xi32, #tpu.memory_space<hbm>>) dst(%arg9 : memref<128xi32, #tpu.memory_space<vmem>>)
      %add3A_266 = arith.addi %multiple_of3A_12, %mul3A_262 : i32
      %dma_wait3A_267 = tpu.memref_slice %arg4[%add3A_266] : memref<163840xi32, #tpu.memory_space<hbm>> -> memref<128xi32, #tpu.memory_space<hbm>>
      %dma_wait3A_268 = tpu.memref_slice %arg4[%add3A_266] : memref<163840xi32, #tpu.memory_space<hbm>> -> memref<128xi32, #tpu.memory_space<hbm>>
      tpu.wait_dma2 semaphore(%arg19 : memref<!tpu.dma_semaphore, #tpu.memory_space<semaphore_mem>>) src(%dma_wait3A_268 : memref<128xi32, #tpu.memory_space<hbm>>) dst(%arg12 : memref<128xi32, #tpu.memory_space<vmem>>)
      %dma_start3A_269 = arith.constant 0 : i32
      %dma_start3A_270 = arith.constant 0 : i32
      %dma_start3A_271 = tpu.memref_slice %arg2[%dma_start3A_269, %dma_start3A_270] : memref<20000x128xf32, #tpu.memory_space<hbm>> -> memref<20000x128xf32, #tpu.memory_space<hbm>>
      tpu.enqueue_indirect_dma source(%dma_start3A_271 : memref<20000x128xf32, #tpu.memory_space<hbm>>) target(%arg15 : memref<128x128xf32, #tpu.memory_space<vmem>>) offsets(%arg9 : memref<128xi32, #tpu.memory_space<vmem>>) semaphore(%arg22 : memref<!tpu.dma_semaphore, #tpu.memory_space<semaphore_mem>>)
    }
    %scan3A_72 = arith.constant 25 : i32
    %dma_wait3A_73 = arith.constant 0 : i32
    %dma_wait3A_74 = arith.constant 0 : i32
    %dma_wait3A_75 = tpu.memref_slice %arg2[%dma_wait3A_73, %dma_wait3A_74] : memref<20000x128xf32, #tpu.memory_space<hbm>> -> memref<20000x128xf32, #tpu.memory_space<hbm>>
    tpu.wait_indirect_dma semaphore(%arg20 : memref<!tpu.dma_semaphore, #tpu.memory_space<semaphore_mem>>) src(%dma_wait3A_75 : memref<20000x128xf32, #tpu.memory_space<hbm>>) dst(%arg13 : memref<128x128xf32, #tpu.memory_space<vmem>>)
    %dma_start3A_76 = arith.constant 0 : i32
    %dma_start3A_77 = arith.constant 0 : i32
    %dma_start3A_78 = tpu.memref_slice %arg16[%dma_start3A_76, %dma_start3A_77] : memref<10112x128xf32, #tpu.memory_space<vmem_shared>> -> memref<10112x128xf32, #tpu.memory_space<vmem_shared>>
    tpu.enqueue_indirect_dma source(%arg13 : memref<128x128xf32, #tpu.memory_space<vmem>>) target(%dma_start3A_78 : memref<10112x128xf32, #tpu.memory_space<vmem_shared>>) offsets(%arg10 : memref<128xi32, #tpu.memory_space<vmem>>) semaphore(%arg23 : memref<!tpu.dma_semaphore, #tpu.memory_space<semaphore_mem>>) {add = true}
    %dma_wait3A_79 = arith.constant 0 : i32
    %dma_wait3A_80 = arith.constant 0 : i32
    %dma_wait3A_81 = tpu.memref_slice %arg2[%dma_wait3A_79, %dma_wait3A_80] : memref<20000x128xf32, #tpu.memory_space<hbm>> -> memref<20000x128xf32, #tpu.memory_space<hbm>>
    tpu.wait_indirect_dma semaphore(%arg21 : memref<!tpu.dma_semaphore, #tpu.memory_space<semaphore_mem>>) src(%dma_wait3A_81 : memref<20000x128xf32, #tpu.memory_space<hbm>>) dst(%arg14 : memref<128x128xf32, #tpu.memory_space<vmem>>)
    %dma_start3A_82 = arith.constant 0 : i32
    %dma_start3A_83 = arith.constant 0 : i32
    %dma_start3A_84 = tpu.memref_slice %arg16[%dma_start3A_82, %dma_start3A_83] : memref<10112x128xf32, #tpu.memory_space<vmem_shared>> -> memref<10112x128xf32, #tpu.memory_space<vmem_shared>>
    tpu.enqueue_indirect_dma source(%arg14 : memref<128x128xf32, #tpu.memory_space<vmem>>) target(%dma_start3A_84 : memref<10112x128xf32, #tpu.memory_space<vmem_shared>>) offsets(%arg11 : memref<128xi32, #tpu.memory_space<vmem>>) semaphore(%arg24 : memref<!tpu.dma_semaphore, #tpu.memory_space<semaphore_mem>>) {add = true}
    %dma_wait3A_85 = arith.constant 0 : i32
    %dma_wait3A_86 = arith.constant 0 : i32
    %dma_wait3A_87 = tpu.memref_slice %arg2[%dma_wait3A_85, %dma_wait3A_86] : memref<20000x128xf32, #tpu.memory_space<hbm>> -> memref<20000x128xf32, #tpu.memory_space<hbm>>
    tpu.wait_indirect_dma semaphore(%arg22 : memref<!tpu.dma_semaphore, #tpu.memory_space<semaphore_mem>>) src(%dma_wait3A_87 : memref<20000x128xf32, #tpu.memory_space<hbm>>) dst(%arg15 : memref<128x128xf32, #tpu.memory_space<vmem>>)
    %dma_start3A_88 = arith.constant 0 : i32
    %dma_start3A_89 = arith.constant 0 : i32
    %dma_start3A_90 = tpu.memref_slice %arg16[%dma_start3A_88, %dma_start3A_89] : memref<10112x128xf32, #tpu.memory_space<vmem_shared>> -> memref<10112x128xf32, #tpu.memory_space<vmem_shared>>
    tpu.enqueue_indirect_dma source(%arg15 : memref<128x128xf32, #tpu.memory_space<vmem>>) target(%dma_start3A_90 : memref<10112x128xf32, #tpu.memory_space<vmem_shared>>) offsets(%arg12 : memref<128xi32, #tpu.memory_space<vmem>>) semaphore(%arg25 : memref<!tpu.dma_semaphore, #tpu.memory_space<semaphore_mem>>) {add = true}
    %dma_wait3A_91 = arith.constant 0 : i32
    %dma_wait3A_92 = arith.constant 0 : i32
    %dma_wait3A_93 = tpu.memref_slice %arg16[%dma_wait3A_91, %dma_wait3A_92] : memref<10112x128xf32, #tpu.memory_space<vmem_shared>> -> memref<10112x128xf32, #tpu.memory_space<vmem_shared>>
    tpu.wait_indirect_dma semaphore(%arg23 : memref<!tpu.dma_semaphore, #tpu.memory_space<semaphore_mem>>) src(%arg13 : memref<128x128xf32, #tpu.memory_space<vmem>>) dst(%dma_wait3A_93 : memref<10112x128xf32, #tpu.memory_space<vmem_shared>>)
    %add3A_94 = arith.constant 9984 : i32
    %add3A_95 = arith.addi %multiple_of3A_7, %add3A_94 : i32
    %dma_start3A_96 = tpu.memref_slice %arg3[%add3A_95] : memref<327680xi32, #tpu.memory_space<hbm>> -> memref<128xi32, #tpu.memory_space<hbm>>
    %dma_start3A_97 = tpu.memref_slice %arg3[%add3A_95] : memref<327680xi32, #tpu.memory_space<hbm>> -> memref<128xi32, #tpu.memory_space<hbm>>
    tpu.enqueue_dma source(%dma_start3A_97 : memref<128xi32, #tpu.memory_space<hbm>>) target(%arg7 : memref<128xi32, #tpu.memory_space<vmem>>) target_semaphore(%arg17 : memref<!tpu.dma_semaphore, #tpu.memory_space<semaphore_mem>>)
    %add3A_98 = arith.constant 9984 : i32
    %add3A_99 = arith.addi %multiple_of3A_12, %add3A_98 : i32
    %dma_start3A_100 = tpu.memref_slice %arg4[%add3A_99] : memref<163840xi32, #tpu.memory_space<hbm>> -> memref<128xi32, #tpu.memory_space<hbm>>
    %dma_start3A_101 = tpu.memref_slice %arg4[%add3A_99] : memref<163840xi32, #tpu.memory_space<hbm>> -> memref<128xi32, #tpu.memory_space<hbm>>
    tpu.enqueue_dma source(%dma_start3A_101 : memref<128xi32, #tpu.memory_space<hbm>>) target(%arg10 : memref<128xi32, #tpu.memory_space<vmem>>) target_semaphore(%arg17 : memref<!tpu.dma_semaphore, #tpu.memory_space<semaphore_mem>>)
    %dma_wait3A_102 = arith.constant 0 : i32
    %dma_wait3A_103 = arith.constant 0 : i32
    %dma_wait3A_104 = tpu.memref_slice %arg16[%dma_wait3A_102, %dma_wait3A_103] : memref<10112x128xf32, #tpu.memory_space<vmem_shared>> -> memref<10112x128xf32, #tpu.memory_space<vmem_shared>>
    tpu.wait_indirect_dma semaphore(%arg24 : memref<!tpu.dma_semaphore, #tpu.memory_space<semaphore_mem>>) src(%arg14 : memref<128x128xf32, #tpu.memory_space<vmem>>) dst(%dma_wait3A_104 : memref<10112x128xf32, #tpu.memory_space<vmem_shared>>)
    %add3A_105 = arith.constant 10112 : i32
    %add3A_106 = arith.addi %multiple_of3A_7, %add3A_105 : i32
    %dma_start3A_107 = tpu.memref_slice %arg3[%add3A_106] : memref<327680xi32, #tpu.memory_space<hbm>> -> memref<128xi32, #tpu.memory_space<hbm>>
    %dma_start3A_108 = tpu.memref_slice %arg3[%add3A_106] : memref<327680xi32, #tpu.memory_space<hbm>> -> memref<128xi32, #tpu.memory_space<hbm>>
    tpu.enqueue_dma source(%dma_start3A_108 : memref<128xi32, #tpu.memory_space<hbm>>) target(%arg8 : memref<128xi32, #tpu.memory_space<vmem>>) target_semaphore(%arg18 : memref<!tpu.dma_semaphore, #tpu.memory_space<semaphore_mem>>)
    %add3A_109 = arith.constant 10112 : i32
    %add3A_110 = arith.addi %multiple_of3A_12, %add3A_109 : i32
    %dma_start3A_111 = tpu.memref_slice %arg4[%add3A_110] : memref<163840xi32, #tpu.memory_space<hbm>> -> memref<128xi32, #tpu.memory_space<hbm>>
    %dma_start3A_112 = tpu.memref_slice %arg4[%add3A_110] : memref<163840xi32, #tpu.memory_space<hbm>> -> memref<128xi32, #tpu.memory_space<hbm>>
    tpu.enqueue_dma source(%dma_start3A_112 : memref<128xi32, #tpu.memory_space<hbm>>) target(%arg11 : memref<128xi32, #tpu.memory_space<vmem>>) target_semaphore(%arg18 : memref<!tpu.dma_semaphore, #tpu.memory_space<semaphore_mem>>)
    %dma_wait3A_113 = arith.constant 0 : i32
    %dma_wait3A_114 = arith.constant 0 : i32
    %dma_wait3A_115 = tpu.memref_slice %arg16[%dma_wait3A_113, %dma_wait3A_114] : memref<10112x128xf32, #tpu.memory_space<vmem_shared>> -> memref<10112x128xf32, #tpu.memory_space<vmem_shared>>
    tpu.wait_indirect_dma semaphore(%arg25 : memref<!tpu.dma_semaphore, #tpu.memory_space<semaphore_mem>>) src(%arg15 : memref<128x128xf32, #tpu.memory_space<vmem>>) dst(%dma_wait3A_115 : memref<10112x128xf32, #tpu.memory_space<vmem_shared>>)
    %add3A_116 = arith.constant 9984 : i32
    %add3A_117 = arith.addi %multiple_of3A_7, %add3A_116 : i32
    %dma_wait3A_118 = tpu.memref_slice %arg3[%add3A_117] : memref<327680xi32, #tpu.memory_space<hbm>> -> memref<128xi32, #tpu.memory_space<hbm>>
    %dma_wait3A_119 = tpu.memref_slice %arg3[%add3A_117] : memref<327680xi32, #tpu.memory_space<hbm>> -> memref<128xi32, #tpu.memory_space<hbm>>
    tpu.wait_dma2 semaphore(%arg17 : memref<!tpu.dma_semaphore, #tpu.memory_space<semaphore_mem>>) src(%dma_wait3A_119 : memref<128xi32, #tpu.memory_space<hbm>>) dst(%arg7 : memref<128xi32, #tpu.memory_space<vmem>>)
    %add3A_120 = arith.constant 9984 : i32
    %add3A_121 = arith.addi %multiple_of3A_12, %add3A_120 : i32
    %dma_wait3A_122 = tpu.memref_slice %arg4[%add3A_121] : memref<163840xi32, #tpu.memory_space<hbm>> -> memref<128xi32, #tpu.memory_space<hbm>>
    %dma_wait3A_123 = tpu.memref_slice %arg4[%add3A_121] : memref<163840xi32, #tpu.memory_space<hbm>> -> memref<128xi32, #tpu.memory_space<hbm>>
    tpu.wait_dma2 semaphore(%arg17 : memref<!tpu.dma_semaphore, #tpu.memory_space<semaphore_mem>>) src(%dma_wait3A_123 : memref<128xi32, #tpu.memory_space<hbm>>) dst(%arg10 : memref<128xi32, #tpu.memory_space<vmem>>)
    %dma_start3A_124 = arith.constant 0 : i32
    %dma_start3A_125 = arith.constant 0 : i32
    %dma_start3A_126 = tpu.memref_slice %arg2[%dma_start3A_124, %dma_start3A_125] : memref<20000x128xf32, #tpu.memory_space<hbm>> -> memref<20000x128xf32, #tpu.memory_space<hbm>>
    tpu.enqueue_indirect_dma source(%dma_start3A_126 : memref<20000x128xf32, #tpu.memory_space<hbm>>) target(%arg13 : memref<128x128xf32, #tpu.memory_space<vmem>>) offsets(%arg7 : memref<128xi32, #tpu.memory_space<vmem>>) semaphore(%arg20 : memref<!tpu.dma_semaphore, #tpu.memory_space<semaphore_mem>>)
    %add3A_127 = arith.constant 10112 : i32
    %add3A_128 = arith.addi %multiple_of3A_7, %add3A_127 : i32
    %dma_wait3A_129 = tpu.memref_slice %arg3[%add3A_128] : memref<327680xi32, #tpu.memory_space<hbm>> -> memref<128xi32, #tpu.memory_space<hbm>>
    %dma_wait3A_130 = tpu.memref_slice %arg3[%add3A_128] : memref<327680xi32, #tpu.memory_space<hbm>> -> memref<128xi32, #tpu.memory_space<hbm>>
    tpu.wait_dma2 semaphore(%arg18 : memref<!tpu.dma_semaphore, #tpu.memory_space<semaphore_mem>>) src(%dma_wait3A_130 : memref<128xi32, #tpu.memory_space<hbm>>) dst(%arg8 : memref<128xi32, #tpu.memory_space<vmem>>)
    %add3A_131 = arith.constant 10112 : i32
    %add3A_132 = arith.addi %multiple_of3A_12, %add3A_131 : i32
    %dma_wait3A_133 = tpu.memref_slice %arg4[%add3A_132] : memref<163840xi32, #tpu.memory_space<hbm>> -> memref<128xi32, #tpu.memory_space<hbm>>
    %dma_wait3A_134 = tpu.memref_slice %arg4[%add3A_132] : memref<163840xi32, #tpu.memory_space<hbm>> -> memref<128xi32, #tpu.memory_space<hbm>>
    tpu.wait_dma2 semaphore(%arg18 : memref<!tpu.dma_semaphore, #tpu.memory_space<semaphore_mem>>) src(%dma_wait3A_134 : memref<128xi32, #tpu.memory_space<hbm>>) dst(%arg11 : memref<128xi32, #tpu.memory_space<vmem>>)
    %dma_start3A_135 = arith.constant 0 : i32
    %dma_start3A_136 = arith.constant 0 : i32
    %dma_start3A_137 = tpu.memref_slice %arg2[%dma_start3A_135, %dma_start3A_136] : memref<20000x128xf32, #tpu.memory_space<hbm>> -> memref<20000x128xf32, #tpu.memory_space<hbm>>
    tpu.enqueue_indirect_dma source(%dma_start3A_137 : memref<20000x128xf32, #tpu.memory_space<hbm>>) target(%arg14 : memref<128x128xf32, #tpu.memory_space<vmem>>) offsets(%arg8 : memref<128xi32, #tpu.memory_space<vmem>>) semaphore(%arg21 : memref<!tpu.dma_semaphore, #tpu.memory_space<semaphore_mem>>)
    %dma_wait3A_138 = arith.constant 0 : i32
    %dma_wait3A_139 = arith.constant 0 : i32
    %dma_wait3A_140 = tpu.memref_slice %arg2[%dma_wait3A_138, %dma_wait3A_139] : memref<20000x128xf32, #tpu.memory_space<hbm>> -> memref<20000x128xf32, #tpu.memory_space<hbm>>
    tpu.wait_indirect_dma semaphore(%arg20 : memref<!tpu.dma_semaphore, #tpu.memory_space<semaphore_mem>>) src(%dma_wait3A_140 : memref<20000x128xf32, #tpu.memory_space<hbm>>) dst(%arg13 : memref<128x128xf32, #tpu.memory_space<vmem>>)
    %dma_start3A_141 = arith.constant 0 : i32
    %dma_start3A_142 = arith.constant 0 : i32
    %dma_start3A_143 = tpu.memref_slice %arg16[%dma_start3A_141, %dma_start3A_142] : memref<10112x128xf32, #tpu.memory_space<vmem_shared>> -> memref<10112x128xf32, #tpu.memory_space<vmem_shared>>
    tpu.enqueue_indirect_dma source(%arg13 : memref<128x128xf32, #tpu.memory_space<vmem>>) target(%dma_start3A_143 : memref<10112x128xf32, #tpu.memory_space<vmem_shared>>) offsets(%arg10 : memref<128xi32, #tpu.memory_space<vmem>>) semaphore(%arg23 : memref<!tpu.dma_semaphore, #tpu.memory_space<semaphore_mem>>) {add = true}
    %dma_wait3A_144 = arith.constant 0 : i32
    %dma_wait3A_145 = arith.constant 0 : i32
    %dma_wait3A_146 = tpu.memref_slice %arg2[%dma_wait3A_144, %dma_wait3A_145] : memref<20000x128xf32, #tpu.memory_space<hbm>> -> memref<20000x128xf32, #tpu.memory_space<hbm>>
    tpu.wait_indirect_dma semaphore(%arg21 : memref<!tpu.dma_semaphore, #tpu.memory_space<semaphore_mem>>) src(%dma_wait3A_146 : memref<20000x128xf32, #tpu.memory_space<hbm>>) dst(%arg14 : memref<128x128xf32, #tpu.memory_space<vmem>>)
    %dma_start3A_147 = arith.constant 0 : i32
    %dma_start3A_148 = arith.constant 0 : i32
    %dma_start3A_149 = tpu.memref_slice %arg16[%dma_start3A_147, %dma_start3A_148] : memref<10112x128xf32, #tpu.memory_space<vmem_shared>> -> memref<10112x128xf32, #tpu.memory_space<vmem_shared>>
    tpu.enqueue_indirect_dma source(%arg14 : memref<128x128xf32, #tpu.memory_space<vmem>>) target(%dma_start3A_149 : memref<10112x128xf32, #tpu.memory_space<vmem_shared>>) offsets(%arg11 : memref<128xi32, #tpu.memory_space<vmem>>) semaphore(%arg24 : memref<!tpu.dma_semaphore, #tpu.memory_space<semaphore_mem>>) {add = true}
    %dma_wait3A_150 = arith.constant 0 : i32
    %dma_wait3A_151 = arith.constant 0 : i32
    %dma_wait3A_152 = tpu.memref_slice %arg16[%dma_wait3A_150, %dma_wait3A_151] : memref<10112x128xf32, #tpu.memory_space<vmem_shared>> -> memref<10112x128xf32, #tpu.memory_space<vmem_shared>>
    tpu.wait_indirect_dma semaphore(%arg23 : memref<!tpu.dma_semaphore, #tpu.memory_space<semaphore_mem>>) src(%arg13 : memref<128x128xf32, #tpu.memory_space<vmem>>) dst(%dma_wait3A_152 : memref<10112x128xf32, #tpu.memory_space<vmem_shared>>)
    %dma_wait3A_153 = arith.constant 0 : i32
    %dma_wait3A_154 = arith.constant 0 : i32
    %dma_wait3A_155 = tpu.memref_slice %arg16[%dma_wait3A_153, %dma_wait3A_154] : memref<10112x128xf32, #tpu.memory_space<vmem_shared>> -> memref<10112x128xf32, #tpu.memory_space<vmem_shared>>
    tpu.wait_indirect_dma semaphore(%arg24 : memref<!tpu.dma_semaphore, #tpu.memory_space<semaphore_mem>>) src(%arg14 : memref<128x128xf32, #tpu.memory_space<vmem>>) dst(%dma_wait3A_155 : memref<10112x128xf32, #tpu.memory_space<vmem_shared>>)
    %barrier3A_156 = arith.constant 0 : index
    tpu.barrier barrier_id(%barrier3A_156)
    %mul3A_157 = arith.constant 10112 : i32
    %mul3A_158 = arith.muli %arg0, %mul3A_157 : i32
    %add3A_159 = arith.addi %mul3A_158, %multiple_of3A : i32
    %multiple_of3A_160 = tpu.assume_multiple %add3A_159, 8 : i32
    "tpu.region"() ({
      %run_scoped3A = tpu.sem_alloc : memref<!tpu.dma_semaphore, #tpu.memory_space<semaphore_mem>>
      %dma_start3A_161 = arith.constant 0 : i32
      %dma_start3A_162 = tpu.memref_slice %arg6[%multiple_of3A_160, %dma_start3A_161] : memref<20224x128xf32, #tpu.memory_space<hbm>> -> memref<632x128xf32, #tpu.memory_space<hbm>>
      %dma_start3A_163 = arith.constant 0 : i32
      %dma_start3A_164 = tpu.memref_slice %arg16[%multiple_of3A, %dma_start3A_163] : memref<10112x128xf32, #tpu.memory_space<vmem_shared>> -> memref<632x128xf32, #tpu.memory_space<vmem_shared>>
      tpu.enqueue_dma source(%dma_start3A_164 : memref<632x128xf32, #tpu.memory_space<vmem_shared>>) target(%dma_start3A_162 : memref<632x128xf32, #tpu.memory_space<hbm>>) target_semaphore(%run_scoped3A : memref<!tpu.dma_semaphore, #tpu.memory_space<semaphore_mem>>)
      %dma_wait3A_165 = arith.constant 0 : i32
      %dma_wait3A_166 = tpu.memref_slice %arg6[%multiple_of3A_160, %dma_wait3A_165] : memref<20224x128xf32, #tpu.memory_space<hbm>> -> memref<632x128xf32, #tpu.memory_space<hbm>>
      %dma_wait3A_167 = arith.constant 0 : i32
      %dma_wait3A_168 = tpu.memref_slice %arg16[%multiple_of3A, %dma_wait3A_167] : memref<10112x128xf32, #tpu.memory_space<vmem_shared>> -> memref<632x128xf32, #tpu.memory_space<vmem_shared>>
      tpu.wait_dma2 semaphore(%run_scoped3A : memref<!tpu.dma_semaphore, #tpu.memory_space<semaphore_mem>>) src(%dma_wait3A_168 : memref<632x128xf32, #tpu.memory_space<vmem_shared>>) dst(%dma_wait3A_166 : memref<632x128xf32, #tpu.memory_space<hbm>>)
      tpu.yield
    }) : () -> ()
    return
  }
}

#map = affine_map<(d0, d1) -> (0, 0)>
#map1 = affine_map<(d0, d1) -> (0)>
module attributes {stable_mosaic.version = 14 : i64} {
  func.func @_sc_agg_body(%arg0: i32, %arg1: i32, %arg2: memref<20000x128xf32, #tpu.memory_space<hbm>>, %arg3: memref<327680xi32, #tpu.memory_space<hbm>>, %arg4: memref<163840xi32, #tpu.memory_space<hbm>>, %arg5: memref<632x128xf32, #tpu.memory_space<hbm>>, %arg6: memref<20224x128xf32, #tpu.memory_space<hbm>>, %arg7: memref<128xi32, #tpu.memory_space<vmem>>, %arg8: memref<128xi32, #tpu.memory_space<vmem>>, %arg9: memref<128xi32, #tpu.memory_space<vmem>>, %arg10: memref<128xi32, #tpu.memory_space<vmem>>, %arg11: memref<128xi32, #tpu.memory_space<vmem>>, %arg12: memref<128xi32, #tpu.memory_space<vmem>>, %arg13: memref<128x128xf32, #tpu.memory_space<vmem>>, %arg14: memref<128x128xf32, #tpu.memory_space<vmem>>, %arg15: memref<128x128xf32, #tpu.memory_space<vmem>>, %arg16: memref<10112x128xf32, #tpu.memory_space<vmem_shared>>, %arg17: memref<!tpu.dma_semaphore, #tpu.memory_space<semaphore_mem>>, %arg18: memref<!tpu.dma_semaphore, #tpu.memory_space<semaphore_mem>>, %arg19: memref<!tpu.dma_semaphore, #tpu.memory_space<semaphore_mem>>, %arg20: memref<!tpu.dma_semaphore, #tpu.memory_space<semaphore_mem>>, %arg21: memref<!tpu.dma_semaphore, #tpu.memory_space<semaphore_mem>>, %arg22: memref<!tpu.dma_semaphore, #tpu.memory_space<semaphore_mem>>, %arg23: memref<!tpu.dma_semaphore, #tpu.memory_space<semaphore_mem>>, %arg24: memref<!tpu.dma_semaphore, #tpu.memory_space<semaphore_mem>>, %arg25: memref<!tpu.dma_semaphore, #tpu.memory_space<semaphore_mem>>) attributes {dimension_semantics = [#tpu.dimension_semantics<core_parallel>, #tpu.dimension_semantics<subcore_parallel>], iteration_bounds = array<i64: 2, 16>, scalar_prefetch = 0 : i64, scratch_operands = 19 : i64, tpu.core_type = #tpu.core_type<sc_vector_subcore>, window_params = [{transform_indices = #map}, {transform_indices = #map1}, {transform_indices = #map1}, {transform_indices = #map}, {transform_indices = #map}]} {
    %mul3A = arith.constant 632 : i32
    %mul3A_0 = arith.muli %mul3A, %arg1 : i32
    %multiple_of3A = tpu.assume_multiple %mul3A_0, 8 : i32
    "tpu.region"() ({
      %run_scoped3A = tpu.sem_alloc : memref<!tpu.dma_semaphore, #tpu.memory_space<semaphore_mem>>
      %dma_start3A_161 = arith.constant 0 : i32
      %dma_start3A_162 = tpu.memref_slice %arg16[%multiple_of3A, %dma_start3A_161] : memref<10112x128xf32, #tpu.memory_space<vmem_shared>> -> memref<632x128xf32, #tpu.memory_space<vmem_shared>>
      tpu.enqueue_dma source(%arg5 : memref<632x128xf32, #tpu.memory_space<hbm>>) target(%dma_start3A_162 : memref<632x128xf32, #tpu.memory_space<vmem_shared>>) target_semaphore(%run_scoped3A : memref<!tpu.dma_semaphore, #tpu.memory_space<semaphore_mem>>)
      %dma_wait3A_163 = arith.constant 0 : i32
      %dma_wait3A_164 = tpu.memref_slice %arg16[%multiple_of3A, %dma_wait3A_163] : memref<10112x128xf32, #tpu.memory_space<vmem_shared>> -> memref<632x128xf32, #tpu.memory_space<vmem_shared>>
      tpu.wait_dma2 semaphore(%run_scoped3A : memref<!tpu.dma_semaphore, #tpu.memory_space<semaphore_mem>>) src(%arg5 : memref<632x128xf32, #tpu.memory_space<hbm>>) dst(%dma_wait3A_164 : memref<632x128xf32, #tpu.memory_space<vmem_shared>>)
      tpu.yield
    }) : () -> ()
    %barrier3A = arith.constant 0 : index
    tpu.barrier barrier_id(%barrier3A)
    %mul3A_1 = arith.constant 163840 : i32
    %mul3A_2 = arith.muli %arg0, %mul3A_1 : i32
    %mul3A_3 = arith.constant 80 : i32
    %mul3A_4 = arith.muli %mul3A_3, %arg1 : i32
    %mul3A_5 = arith.constant 128 : i32
    %mul3A_6 = arith.muli %mul3A_4, %mul3A_5 : i32
    %add3A = arith.addi %mul3A_2, %mul3A_6 : i32
    %multiple_of3A_7 = tpu.assume_multiple %add3A, 8 : i32
    %mul3A_8 = arith.constant 80 : i32
    %mul3A_9 = arith.muli %mul3A_8, %arg1 : i32
    %mul3A_10 = arith.constant 128 : i32
    %mul3A_11 = arith.muli %mul3A_9, %mul3A_10 : i32
    %multiple_of3A_12 = tpu.assume_multiple %mul3A_11, 8 : i32
    %add3A_13 = arith.constant 0 : i32
    %add3A_14 = arith.addi %multiple_of3A_7, %add3A_13 : i32
    %dma_start3A = tpu.memref_slice %arg3[%add3A_14] : memref<327680xi32, #tpu.memory_space<hbm>> -> memref<128xi32, #tpu.memory_space<hbm>>
    %dma_start3A_15 = tpu.memref_slice %arg3[%add3A_14] : memref<327680xi32, #tpu.memory_space<hbm>> -> memref<128xi32, #tpu.memory_space<hbm>>
    tpu.enqueue_dma source(%dma_start3A_15 : memref<128xi32, #tpu.memory_space<hbm>>) target(%arg7 : memref<128xi32, #tpu.memory_space<vmem>>) target_semaphore(%arg17 : memref<!tpu.dma_semaphore, #tpu.memory_space<semaphore_mem>>)
    %add3A_16 = arith.constant 0 : i32
    %add3A_17 = arith.addi %multiple_of3A_12, %add3A_16 : i32
    %dma_start3A_18 = tpu.memref_slice %arg4[%add3A_17] : memref<163840xi32, #tpu.memory_space<hbm>> -> memref<128xi32, #tpu.memory_space<hbm>>
    %dma_start3A_19 = tpu.memref_slice %arg4[%add3A_17] : memref<163840xi32, #tpu.memory_space<hbm>> -> memref<128xi32, #tpu.memory_space<hbm>>
    tpu.enqueue_dma source(%dma_start3A_19 : memref<128xi32, #tpu.memory_space<hbm>>) target(%arg10 : memref<128xi32, #tpu.memory_space<vmem>>) target_semaphore(%arg17 : memref<!tpu.dma_semaphore, #tpu.memory_space<semaphore_mem>>)
    %add3A_20 = arith.constant 128 : i32
    %add3A_21 = arith.addi %multiple_of3A_7, %add3A_20 : i32
    %dma_start3A_22 = tpu.memref_slice %arg3[%add3A_21] : memref<327680xi32, #tpu.memory_space<hbm>> -> memref<128xi32, #tpu.memory_space<hbm>>
    %dma_start3A_23 = tpu.memref_slice %arg3[%add3A_21] : memref<327680xi32, #tpu.memory_space<hbm>> -> memref<128xi32, #tpu.memory_space<hbm>>
    tpu.enqueue_dma source(%dma_start3A_23 : memref<128xi32, #tpu.memory_space<hbm>>) target(%arg8 : memref<128xi32, #tpu.memory_space<vmem>>) target_semaphore(%arg18 : memref<!tpu.dma_semaphore, #tpu.memory_space<semaphore_mem>>)
    %add3A_24 = arith.constant 128 : i32
    %add3A_25 = arith.addi %multiple_of3A_12, %add3A_24 : i32
    %dma_start3A_26 = tpu.memref_slice %arg4[%add3A_25] : memref<163840xi32, #tpu.memory_space<hbm>> -> memref<128xi32, #tpu.memory_space<hbm>>
    %dma_start3A_27 = tpu.memref_slice %arg4[%add3A_25] : memref<163840xi32, #tpu.memory_space<hbm>> -> memref<128xi32, #tpu.memory_space<hbm>>
    tpu.enqueue_dma source(%dma_start3A_27 : memref<128xi32, #tpu.memory_space<hbm>>) target(%arg11 : memref<128xi32, #tpu.memory_space<vmem>>) target_semaphore(%arg18 : memref<!tpu.dma_semaphore, #tpu.memory_space<semaphore_mem>>)
    %add3A_28 = arith.constant 256 : i32
    %add3A_29 = arith.addi %multiple_of3A_7, %add3A_28 : i32
    %dma_start3A_30 = tpu.memref_slice %arg3[%add3A_29] : memref<327680xi32, #tpu.memory_space<hbm>> -> memref<128xi32, #tpu.memory_space<hbm>>
    %dma_start3A_31 = tpu.memref_slice %arg3[%add3A_29] : memref<327680xi32, #tpu.memory_space<hbm>> -> memref<128xi32, #tpu.memory_space<hbm>>
    tpu.enqueue_dma source(%dma_start3A_31 : memref<128xi32, #tpu.memory_space<hbm>>) target(%arg9 : memref<128xi32, #tpu.memory_space<vmem>>) target_semaphore(%arg19 : memref<!tpu.dma_semaphore, #tpu.memory_space<semaphore_mem>>)
    %add3A_32 = arith.constant 256 : i32
    %add3A_33 = arith.addi %multiple_of3A_12, %add3A_32 : i32
    %dma_start3A_34 = tpu.memref_slice %arg4[%add3A_33] : memref<163840xi32, #tpu.memory_space<hbm>> -> memref<128xi32, #tpu.memory_space<hbm>>
    %dma_start3A_35 = tpu.memref_slice %arg4[%add3A_33] : memref<163840xi32, #tpu.memory_space<hbm>> -> memref<128xi32, #tpu.memory_space<hbm>>
    tpu.enqueue_dma source(%dma_start3A_35 : memref<128xi32, #tpu.memory_space<hbm>>) target(%arg12 : memref<128xi32, #tpu.memory_space<vmem>>) target_semaphore(%arg19 : memref<!tpu.dma_semaphore, #tpu.memory_space<semaphore_mem>>)
    %add3A_36 = arith.constant 0 : i32
    %add3A_37 = arith.addi %multiple_of3A_7, %add3A_36 : i32
    %dma_wait3A = tpu.memref_slice %arg3[%add3A_37] : memref<327680xi32, #tpu.memory_space<hbm>> -> memref<128xi32, #tpu.memory_space<hbm>>
    %dma_wait3A_38 = tpu.memref_slice %arg3[%add3A_37] : memref<327680xi32, #tpu.memory_space<hbm>> -> memref<128xi32, #tpu.memory_space<hbm>>
    tpu.wait_dma2 semaphore(%arg17 : memref<!tpu.dma_semaphore, #tpu.memory_space<semaphore_mem>>) src(%dma_wait3A_38 : memref<128xi32, #tpu.memory_space<hbm>>) dst(%arg7 : memref<128xi32, #tpu.memory_space<vmem>>)
    %add3A_39 = arith.constant 0 : i32
    %add3A_40 = arith.addi %multiple_of3A_12, %add3A_39 : i32
    %dma_wait3A_41 = tpu.memref_slice %arg4[%add3A_40] : memref<163840xi32, #tpu.memory_space<hbm>> -> memref<128xi32, #tpu.memory_space<hbm>>
    %dma_wait3A_42 = tpu.memref_slice %arg4[%add3A_40] : memref<163840xi32, #tpu.memory_space<hbm>> -> memref<128xi32, #tpu.memory_space<hbm>>
    tpu.wait_dma2 semaphore(%arg17 : memref<!tpu.dma_semaphore, #tpu.memory_space<semaphore_mem>>) src(%dma_wait3A_42 : memref<128xi32, #tpu.memory_space<hbm>>) dst(%arg10 : memref<128xi32, #tpu.memory_space<vmem>>)
    %dma_start3A_43 = arith.constant 0 : i32
    %dma_start3A_44 = arith.constant 0 : i32
    %dma_start3A_45 = tpu.memref_slice %arg2[%dma_start3A_43, %dma_start3A_44] : memref<20000x128xf32, #tpu.memory_space<hbm>> -> memref<20000x128xf32, #tpu.memory_space<hbm>>
    tpu.enqueue_indirect_dma source(%dma_start3A_45 : memref<20000x128xf32, #tpu.memory_space<hbm>>) target(%arg13 : memref<128x128xf32, #tpu.memory_space<vmem>>) offsets(%arg7 : memref<128xi32, #tpu.memory_space<vmem>>) semaphore(%arg20 : memref<!tpu.dma_semaphore, #tpu.memory_space<semaphore_mem>>)
    %add3A_46 = arith.constant 128 : i32
    %add3A_47 = arith.addi %multiple_of3A_7, %add3A_46 : i32
    %dma_wait3A_48 = tpu.memref_slice %arg3[%add3A_47] : memref<327680xi32, #tpu.memory_space<hbm>> -> memref<128xi32, #tpu.memory_space<hbm>>
    %dma_wait3A_49 = tpu.memref_slice %arg3[%add3A_47] : memref<327680xi32, #tpu.memory_space<hbm>> -> memref<128xi32, #tpu.memory_space<hbm>>
    tpu.wait_dma2 semaphore(%arg18 : memref<!tpu.dma_semaphore, #tpu.memory_space<semaphore_mem>>) src(%dma_wait3A_49 : memref<128xi32, #tpu.memory_space<hbm>>) dst(%arg8 : memref<128xi32, #tpu.memory_space<vmem>>)
    %add3A_50 = arith.constant 128 : i32
    %add3A_51 = arith.addi %multiple_of3A_12, %add3A_50 : i32
    %dma_wait3A_52 = tpu.memref_slice %arg4[%add3A_51] : memref<163840xi32, #tpu.memory_space<hbm>> -> memref<128xi32, #tpu.memory_space<hbm>>
    %dma_wait3A_53 = tpu.memref_slice %arg4[%add3A_51] : memref<163840xi32, #tpu.memory_space<hbm>> -> memref<128xi32, #tpu.memory_space<hbm>>
    tpu.wait_dma2 semaphore(%arg18 : memref<!tpu.dma_semaphore, #tpu.memory_space<semaphore_mem>>) src(%dma_wait3A_53 : memref<128xi32, #tpu.memory_space<hbm>>) dst(%arg11 : memref<128xi32, #tpu.memory_space<vmem>>)
    %dma_start3A_54 = arith.constant 0 : i32
    %dma_start3A_55 = arith.constant 0 : i32
    %dma_start3A_56 = tpu.memref_slice %arg2[%dma_start3A_54, %dma_start3A_55] : memref<20000x128xf32, #tpu.memory_space<hbm>> -> memref<20000x128xf32, #tpu.memory_space<hbm>>
    tpu.enqueue_indirect_dma source(%dma_start3A_56 : memref<20000x128xf32, #tpu.memory_space<hbm>>) target(%arg14 : memref<128x128xf32, #tpu.memory_space<vmem>>) offsets(%arg8 : memref<128xi32, #tpu.memory_space<vmem>>) semaphore(%arg21 : memref<!tpu.dma_semaphore, #tpu.memory_space<semaphore_mem>>)
    %add3A_57 = arith.constant 256 : i32
    %add3A_58 = arith.addi %multiple_of3A_7, %add3A_57 : i32
    %dma_wait3A_59 = tpu.memref_slice %arg3[%add3A_58] : memref<327680xi32, #tpu.memory_space<hbm>> -> memref<128xi32, #tpu.memory_space<hbm>>
    %dma_wait3A_60 = tpu.memref_slice %arg3[%add3A_58] : memref<327680xi32, #tpu.memory_space<hbm>> -> memref<128xi32, #tpu.memory_space<hbm>>
    tpu.wait_dma2 semaphore(%arg19 : memref<!tpu.dma_semaphore, #tpu.memory_space<semaphore_mem>>) src(%dma_wait3A_60 : memref<128xi32, #tpu.memory_space<hbm>>) dst(%arg9 : memref<128xi32, #tpu.memory_space<vmem>>)
    %add3A_61 = arith.constant 256 : i32
    %add3A_62 = arith.addi %multiple_of3A_12, %add3A_61 : i32
    %dma_wait3A_63 = tpu.memref_slice %arg4[%add3A_62] : memref<163840xi32, #tpu.memory_space<hbm>> -> memref<128xi32, #tpu.memory_space<hbm>>
    %dma_wait3A_64 = tpu.memref_slice %arg4[%add3A_62] : memref<163840xi32, #tpu.memory_space<hbm>> -> memref<128xi32, #tpu.memory_space<hbm>>
    tpu.wait_dma2 semaphore(%arg19 : memref<!tpu.dma_semaphore, #tpu.memory_space<semaphore_mem>>) src(%dma_wait3A_64 : memref<128xi32, #tpu.memory_space<hbm>>) dst(%arg12 : memref<128xi32, #tpu.memory_space<vmem>>)
    %dma_start3A_65 = arith.constant 0 : i32
    %dma_start3A_66 = arith.constant 0 : i32
    %dma_start3A_67 = tpu.memref_slice %arg2[%dma_start3A_65, %dma_start3A_66] : memref<20000x128xf32, #tpu.memory_space<hbm>> -> memref<20000x128xf32, #tpu.memory_space<hbm>>
    tpu.enqueue_indirect_dma source(%dma_start3A_67 : memref<20000x128xf32, #tpu.memory_space<hbm>>) target(%arg15 : memref<128x128xf32, #tpu.memory_space<vmem>>) offsets(%arg9 : memref<128xi32, #tpu.memory_space<vmem>>) semaphore(%arg22 : memref<!tpu.dma_semaphore, #tpu.memory_space<semaphore_mem>>)
    %scan3A = arith.constant 0 : i32
    %scan3A_68 = arith.constant 0 : i32
    %scan3A_69 = arith.constant 25 : i32
    %scan3A_70 = arith.addi %scan3A_68, %scan3A_69 : i32
    %scan3A_71 = arith.constant 1 : i32
    scf.for %scan3A_161 = %scan3A_68 to %scan3A_70 step %scan3A_71  : i32 {
      %mul3A_162 = arith.constant 3 : i32
      %mul3A_163 = arith.muli %scan3A_161, %mul3A_162 : i32
      %dma_wait3A_164 = arith.constant 0 : i32
      %dma_wait3A_165 = arith.constant 0 : i32
      %dma_wait3A_166 = tpu.memref_slice %arg2[%dma_wait3A_164, %dma_wait3A_165] : memref<20000x128xf32, #tpu.memory_space<hbm>> -> memref<20000x128xf32, #tpu.memory_space<hbm>>
      tpu.wait_indirect_dma semaphore(%arg20 : memref<!tpu.dma_semaphore, #tpu.memory_space<semaphore_mem>>) src(%dma_wait3A_166 : memref<20000x128xf32, #tpu.memory_space<hbm>>) dst(%arg13 : memref<128x128xf32, #tpu.memory_space<vmem>>)
      %dma_start3A_167 = arith.constant 0 : i32
      %dma_start3A_168 = arith.constant 0 : i32
      %dma_start3A_169 = tpu.memref_slice %arg16[%dma_start3A_167, %dma_start3A_168] : memref<10112x128xf32, #tpu.memory_space<vmem_shared>> -> memref<10112x128xf32, #tpu.memory_space<vmem_shared>>
      tpu.enqueue_indirect_dma source(%arg13 : memref<128x128xf32, #tpu.memory_space<vmem>>) target(%dma_start3A_169 : memref<10112x128xf32, #tpu.memory_space<vmem_shared>>) offsets(%arg10 : memref<128xi32, #tpu.memory_space<vmem>>) semaphore(%arg23 : memref<!tpu.dma_semaphore, #tpu.memory_space<semaphore_mem>>) {add = true}
      %dma_wait3A_170 = arith.constant 0 : i32
      %dma_wait3A_171 = arith.constant 0 : i32
      %dma_wait3A_172 = tpu.memref_slice %arg2[%dma_wait3A_170, %dma_wait3A_171] : memref<20000x128xf32, #tpu.memory_space<hbm>> -> memref<20000x128xf32, #tpu.memory_space<hbm>>
      tpu.wait_indirect_dma semaphore(%arg21 : memref<!tpu.dma_semaphore, #tpu.memory_space<semaphore_mem>>) src(%dma_wait3A_172 : memref<20000x128xf32, #tpu.memory_space<hbm>>) dst(%arg14 : memref<128x128xf32, #tpu.memory_space<vmem>>)
      %dma_start3A_173 = arith.constant 0 : i32
      %dma_start3A_174 = arith.constant 0 : i32
      %dma_start3A_175 = tpu.memref_slice %arg16[%dma_start3A_173, %dma_start3A_174] : memref<10112x128xf32, #tpu.memory_space<vmem_shared>> -> memref<10112x128xf32, #tpu.memory_space<vmem_shared>>
      tpu.enqueue_indirect_dma source(%arg14 : memref<128x128xf32, #tpu.memory_space<vmem>>) target(%dma_start3A_175 : memref<10112x128xf32, #tpu.memory_space<vmem_shared>>) offsets(%arg11 : memref<128xi32, #tpu.memory_space<vmem>>) semaphore(%arg24 : memref<!tpu.dma_semaphore, #tpu.memory_space<semaphore_mem>>) {add = true}
      %dma_wait3A_176 = arith.constant 0 : i32
      %dma_wait3A_177 = arith.constant 0 : i32
      %dma_wait3A_178 = tpu.memref_slice %arg2[%dma_wait3A_176, %dma_wait3A_177] : memref<20000x128xf32, #tpu.memory_space<hbm>> -> memref<20000x128xf32, #tpu.memory_space<hbm>>
      tpu.wait_indirect_dma semaphore(%arg22 : memref<!tpu.dma_semaphore, #tpu.memory_space<semaphore_mem>>) src(%dma_wait3A_178 : memref<20000x128xf32, #tpu.memory_space<hbm>>) dst(%arg15 : memref<128x128xf32, #tpu.memory_space<vmem>>)
      %dma_start3A_179 = arith.constant 0 : i32
      %dma_start3A_180 = arith.constant 0 : i32
      %dma_start3A_181 = tpu.memref_slice %arg16[%dma_start3A_179, %dma_start3A_180] : memref<10112x128xf32, #tpu.memory_space<vmem_shared>> -> memref<10112x128xf32, #tpu.memory_space<vmem_shared>>
      tpu.enqueue_indirect_dma source(%arg15 : memref<128x128xf32, #tpu.memory_space<vmem>>) target(%dma_start3A_181 : memref<10112x128xf32, #tpu.memory_space<vmem_shared>>) offsets(%arg12 : memref<128xi32, #tpu.memory_space<vmem>>) semaphore(%arg25 : memref<!tpu.dma_semaphore, #tpu.memory_space<semaphore_mem>>) {add = true}
      %dma_wait3A_182 = arith.constant 0 : i32
      %dma_wait3A_183 = arith.constant 0 : i32
      %dma_wait3A_184 = tpu.memref_slice %arg16[%dma_wait3A_182, %dma_wait3A_183] : memref<10112x128xf32, #tpu.memory_space<vmem_shared>> -> memref<10112x128xf32, #tpu.memory_space<vmem_shared>>
      tpu.wait_indirect_dma semaphore(%arg23 : memref<!tpu.dma_semaphore, #tpu.memory_space<semaphore_mem>>) src(%arg13 : memref<128x128xf32, #tpu.memory_space<vmem>>) dst(%dma_wait3A_184 : memref<10112x128xf32, #tpu.memory_space<vmem_shared>>)
      %add3A_185 = arith.constant 3 : i32
      %add3A_186 = arith.addi %mul3A_163, %add3A_185 : i32
      %add3A_187 = arith.constant 0 : i32
      %add3A_188 = arith.addi %add3A_186, %add3A_187 : i32
      %mul3A_189 = arith.constant 128 : i32
      %mul3A_190 = arith.muli %add3A_188, %mul3A_189 : i32
      %add3A_191 = arith.addi %multiple_of3A_7, %mul3A_190 : i32
      %dma_start3A_192 = tpu.memref_slice %arg3[%add3A_191] : memref<327680xi32, #tpu.memory_space<hbm>> -> memref<128xi32, #tpu.memory_space<hbm>>
      %dma_start3A_193 = tpu.memref_slice %arg3[%add3A_191] : memref<327680xi32, #tpu.memory_space<hbm>> -> memref<128xi32, #tpu.memory_space<hbm>>
      tpu.enqueue_dma source(%dma_start3A_193 : memref<128xi32, #tpu.memory_space<hbm>>) target(%arg7 : memref<128xi32, #tpu.memory_space<vmem>>) target_semaphore(%arg17 : memref<!tpu.dma_semaphore, #tpu.memory_space<semaphore_mem>>)
      %add3A_194 = arith.addi %multiple_of3A_12, %mul3A_190 : i32
      %dma_start3A_195 = tpu.memref_slice %arg4[%add3A_194] : memref<163840xi32, #tpu.memory_space<hbm>> -> memref<128xi32, #tpu.memory_space<hbm>>
      %dma_start3A_196 = tpu.memref_slice %arg4[%add3A_194] : memref<163840xi32, #tpu.memory_space<hbm>> -> memref<128xi32, #tpu.memory_space<hbm>>
      tpu.enqueue_dma source(%dma_start3A_196 : memref<128xi32, #tpu.memory_space<hbm>>) target(%arg10 : memref<128xi32, #tpu.memory_space<vmem>>) target_semaphore(%arg17 : memref<!tpu.dma_semaphore, #tpu.memory_space<semaphore_mem>>)
      %dma_wait3A_197 = arith.constant 0 : i32
      %dma_wait3A_198 = arith.constant 0 : i32
      %dma_wait3A_199 = tpu.memref_slice %arg16[%dma_wait3A_197, %dma_wait3A_198] : memref<10112x128xf32, #tpu.memory_space<vmem_shared>> -> memref<10112x128xf32, #tpu.memory_space<vmem_shared>>
      tpu.wait_indirect_dma semaphore(%arg24 : memref<!tpu.dma_semaphore, #tpu.memory_space<semaphore_mem>>) src(%arg14 : memref<128x128xf32, #tpu.memory_space<vmem>>) dst(%dma_wait3A_199 : memref<10112x128xf32, #tpu.memory_space<vmem_shared>>)
      %add3A_200 = arith.constant 3 : i32
      %add3A_201 = arith.addi %mul3A_163, %add3A_200 : i32
      %add3A_202 = arith.constant 1 : i32
      %add3A_203 = arith.addi %add3A_201, %add3A_202 : i32
      %mul3A_204 = arith.constant 128 : i32
      %mul3A_205 = arith.muli %add3A_203, %mul3A_204 : i32
      %add3A_206 = arith.addi %multiple_of3A_7, %mul3A_205 : i32
      %dma_start3A_207 = tpu.memref_slice %arg3[%add3A_206] : memref<327680xi32, #tpu.memory_space<hbm>> -> memref<128xi32, #tpu.memory_space<hbm>>
      %dma_start3A_208 = tpu.memref_slice %arg3[%add3A_206] : memref<327680xi32, #tpu.memory_space<hbm>> -> memref<128xi32, #tpu.memory_space<hbm>>
      tpu.enqueue_dma source(%dma_start3A_208 : memref<128xi32, #tpu.memory_space<hbm>>) target(%arg8 : memref<128xi32, #tpu.memory_space<vmem>>) target_semaphore(%arg18 : memref<!tpu.dma_semaphore, #tpu.memory_space<semaphore_mem>>)
      %add3A_209 = arith.addi %multiple_of3A_12, %mul3A_205 : i32
      %dma_start3A_210 = tpu.memref_slice %arg4[%add3A_209] : memref<163840xi32, #tpu.memory_space<hbm>> -> memref<128xi32, #tpu.memory_space<hbm>>
      %dma_start3A_211 = tpu.memref_slice %arg4[%add3A_209] : memref<163840xi32, #tpu.memory_space<hbm>> -> memref<128xi32, #tpu.memory_space<hbm>>
      tpu.enqueue_dma source(%dma_start3A_211 : memref<128xi32, #tpu.memory_space<hbm>>) target(%arg11 : memref<128xi32, #tpu.memory_space<vmem>>) target_semaphore(%arg18 : memref<!tpu.dma_semaphore, #tpu.memory_space<semaphore_mem>>)
      %dma_wait3A_212 = arith.constant 0 : i32
      %dma_wait3A_213 = arith.constant 0 : i32
      %dma_wait3A_214 = tpu.memref_slice %arg16[%dma_wait3A_212, %dma_wait3A_213] : memref<10112x128xf32, #tpu.memory_space<vmem_shared>> -> memref<10112x128xf32, #tpu.memory_space<vmem_shared>>
      tpu.wait_indirect_dma semaphore(%arg25 : memref<!tpu.dma_semaphore, #tpu.memory_space<semaphore_mem>>) src(%arg15 : memref<128x128xf32, #tpu.memory_space<vmem>>) dst(%dma_wait3A_214 : memref<10112x128xf32, #tpu.memory_space<vmem_shared>>)
      %add3A_215 = arith.constant 3 : i32
      %add3A_216 = arith.addi %mul3A_163, %add3A_215 : i32
      %add3A_217 = arith.constant 2 : i32
      %add3A_218 = arith.addi %add3A_216, %add3A_217 : i32
      %mul3A_219 = arith.constant 128 : i32
      %mul3A_220 = arith.muli %add3A_218, %mul3A_219 : i32
      %add3A_221 = arith.addi %multiple_of3A_7, %mul3A_220 : i32
      %dma_start3A_222 = tpu.memref_slice %arg3[%add3A_221] : memref<327680xi32, #tpu.memory_space<hbm>> -> memref<128xi32, #tpu.memory_space<hbm>>
      %dma_start3A_223 = tpu.memref_slice %arg3[%add3A_221] : memref<327680xi32, #tpu.memory_space<hbm>> -> memref<128xi32, #tpu.memory_space<hbm>>
      tpu.enqueue_dma source(%dma_start3A_223 : memref<128xi32, #tpu.memory_space<hbm>>) target(%arg9 : memref<128xi32, #tpu.memory_space<vmem>>) target_semaphore(%arg19 : memref<!tpu.dma_semaphore, #tpu.memory_space<semaphore_mem>>)
      %add3A_224 = arith.addi %multiple_of3A_12, %mul3A_220 : i32
      %dma_start3A_225 = tpu.memref_slice %arg4[%add3A_224] : memref<163840xi32, #tpu.memory_space<hbm>> -> memref<128xi32, #tpu.memory_space<hbm>>
      %dma_start3A_226 = tpu.memref_slice %arg4[%add3A_224] : memref<163840xi32, #tpu.memory_space<hbm>> -> memref<128xi32, #tpu.memory_space<hbm>>
      tpu.enqueue_dma source(%dma_start3A_226 : memref<128xi32, #tpu.memory_space<hbm>>) target(%arg12 : memref<128xi32, #tpu.memory_space<vmem>>) target_semaphore(%arg19 : memref<!tpu.dma_semaphore, #tpu.memory_space<semaphore_mem>>)
      %add3A_227 = arith.constant 3 : i32
      %add3A_228 = arith.addi %mul3A_163, %add3A_227 : i32
      %add3A_229 = arith.constant 0 : i32
      %add3A_230 = arith.addi %add3A_228, %add3A_229 : i32
      %mul3A_231 = arith.constant 128 : i32
      %mul3A_232 = arith.muli %add3A_230, %mul3A_231 : i32
      %add3A_233 = arith.addi %multiple_of3A_7, %mul3A_232 : i32
      %dma_wait3A_234 = tpu.memref_slice %arg3[%add3A_233] : memref<327680xi32, #tpu.memory_space<hbm>> -> memref<128xi32, #tpu.memory_space<hbm>>
      %dma_wait3A_235 = tpu.memref_slice %arg3[%add3A_233] : memref<327680xi32, #tpu.memory_space<hbm>> -> memref<128xi32, #tpu.memory_space<hbm>>
      tpu.wait_dma2 semaphore(%arg17 : memref<!tpu.dma_semaphore, #tpu.memory_space<semaphore_mem>>) src(%dma_wait3A_235 : memref<128xi32, #tpu.memory_space<hbm>>) dst(%arg7 : memref<128xi32, #tpu.memory_space<vmem>>)
      %add3A_236 = arith.addi %multiple_of3A_12, %mul3A_232 : i32
      %dma_wait3A_237 = tpu.memref_slice %arg4[%add3A_236] : memref<163840xi32, #tpu.memory_space<hbm>> -> memref<128xi32, #tpu.memory_space<hbm>>
      %dma_wait3A_238 = tpu.memref_slice %arg4[%add3A_236] : memref<163840xi32, #tpu.memory_space<hbm>> -> memref<128xi32, #tpu.memory_space<hbm>>
      tpu.wait_dma2 semaphore(%arg17 : memref<!tpu.dma_semaphore, #tpu.memory_space<semaphore_mem>>) src(%dma_wait3A_238 : memref<128xi32, #tpu.memory_space<hbm>>) dst(%arg10 : memref<128xi32, #tpu.memory_space<vmem>>)
      %dma_start3A_239 = arith.constant 0 : i32
      %dma_start3A_240 = arith.constant 0 : i32
      %dma_start3A_241 = tpu.memref_slice %arg2[%dma_start3A_239, %dma_start3A_240] : memref<20000x128xf32, #tpu.memory_space<hbm>> -> memref<20000x128xf32, #tpu.memory_space<hbm>>
      tpu.enqueue_indirect_dma source(%dma_start3A_241 : memref<20000x128xf32, #tpu.memory_space<hbm>>) target(%arg13 : memref<128x128xf32, #tpu.memory_space<vmem>>) offsets(%arg7 : memref<128xi32, #tpu.memory_space<vmem>>) semaphore(%arg20 : memref<!tpu.dma_semaphore, #tpu.memory_space<semaphore_mem>>)
      %add3A_242 = arith.constant 3 : i32
      %add3A_243 = arith.addi %mul3A_163, %add3A_242 : i32
      %add3A_244 = arith.constant 1 : i32
      %add3A_245 = arith.addi %add3A_243, %add3A_244 : i32
      %mul3A_246 = arith.constant 128 : i32
      %mul3A_247 = arith.muli %add3A_245, %mul3A_246 : i32
      %add3A_248 = arith.addi %multiple_of3A_7, %mul3A_247 : i32
      %dma_wait3A_249 = tpu.memref_slice %arg3[%add3A_248] : memref<327680xi32, #tpu.memory_space<hbm>> -> memref<128xi32, #tpu.memory_space<hbm>>
      %dma_wait3A_250 = tpu.memref_slice %arg3[%add3A_248] : memref<327680xi32, #tpu.memory_space<hbm>> -> memref<128xi32, #tpu.memory_space<hbm>>
      tpu.wait_dma2 semaphore(%arg18 : memref<!tpu.dma_semaphore, #tpu.memory_space<semaphore_mem>>) src(%dma_wait3A_250 : memref<128xi32, #tpu.memory_space<hbm>>) dst(%arg8 : memref<128xi32, #tpu.memory_space<vmem>>)
      %add3A_251 = arith.addi %multiple_of3A_12, %mul3A_247 : i32
      %dma_wait3A_252 = tpu.memref_slice %arg4[%add3A_251] : memref<163840xi32, #tpu.memory_space<hbm>> -> memref<128xi32, #tpu.memory_space<hbm>>
      %dma_wait3A_253 = tpu.memref_slice %arg4[%add3A_251] : memref<163840xi32, #tpu.memory_space<hbm>> -> memref<128xi32, #tpu.memory_space<hbm>>
      tpu.wait_dma2 semaphore(%arg18 : memref<!tpu.dma_semaphore, #tpu.memory_space<semaphore_mem>>) src(%dma_wait3A_253 : memref<128xi32, #tpu.memory_space<hbm>>) dst(%arg11 : memref<128xi32, #tpu.memory_space<vmem>>)
      %dma_start3A_254 = arith.constant 0 : i32
      %dma_start3A_255 = arith.constant 0 : i32
      %dma_start3A_256 = tpu.memref_slice %arg2[%dma_start3A_254, %dma_start3A_255] : memref<20000x128xf32, #tpu.memory_space<hbm>> -> memref<20000x128xf32, #tpu.memory_space<hbm>>
      tpu.enqueue_indirect_dma source(%dma_start3A_256 : memref<20000x128xf32, #tpu.memory_space<hbm>>) target(%arg14 : memref<128x128xf32, #tpu.memory_space<vmem>>) offsets(%arg8 : memref<128xi32, #tpu.memory_space<vmem>>) semaphore(%arg21 : memref<!tpu.dma_semaphore, #tpu.memory_space<semaphore_mem>>)
      %add3A_257 = arith.constant 3 : i32
      %add3A_258 = arith.addi %mul3A_163, %add3A_257 : i32
      %add3A_259 = arith.constant 2 : i32
      %add3A_260 = arith.addi %add3A_258, %add3A_259 : i32
      %mul3A_261 = arith.constant 128 : i32
      %mul3A_262 = arith.muli %add3A_260, %mul3A_261 : i32
      %add3A_263 = arith.addi %multiple_of3A_7, %mul3A_262 : i32
      %dma_wait3A_264 = tpu.memref_slice %arg3[%add3A_263] : memref<327680xi32, #tpu.memory_space<hbm>> -> memref<128xi32, #tpu.memory_space<hbm>>
      %dma_wait3A_265 = tpu.memref_slice %arg3[%add3A_263] : memref<327680xi32, #tpu.memory_space<hbm>> -> memref<128xi32, #tpu.memory_space<hbm>>
      tpu.wait_dma2 semaphore(%arg19 : memref<!tpu.dma_semaphore, #tpu.memory_space<semaphore_mem>>) src(%dma_wait3A_265 : memref<128xi32, #tpu.memory_space<hbm>>) dst(%arg9 : memref<128xi32, #tpu.memory_space<vmem>>)
      %add3A_266 = arith.addi %multiple_of3A_12, %mul3A_262 : i32
      %dma_wait3A_267 = tpu.memref_slice %arg4[%add3A_266] : memref<163840xi32, #tpu.memory_space<hbm>> -> memref<128xi32, #tpu.memory_space<hbm>>
      %dma_wait3A_268 = tpu.memref_slice %arg4[%add3A_266] : memref<163840xi32, #tpu.memory_space<hbm>> -> memref<128xi32, #tpu.memory_space<hbm>>
      tpu.wait_dma2 semaphore(%arg19 : memref<!tpu.dma_semaphore, #tpu.memory_space<semaphore_mem>>) src(%dma_wait3A_268 : memref<128xi32, #tpu.memory_space<hbm>>) dst(%arg12 : memref<128xi32, #tpu.memory_space<vmem>>)
      %dma_start3A_269 = arith.constant 0 : i32
      %dma_start3A_270 = arith.constant 0 : i32
      %dma_start3A_271 = tpu.memref_slice %arg2[%dma_start3A_269, %dma_start3A_270] : memref<20000x128xf32, #tpu.memory_space<hbm>> -> memref<20000x128xf32, #tpu.memory_space<hbm>>
      tpu.enqueue_indirect_dma source(%dma_start3A_271 : memref<20000x128xf32, #tpu.memory_space<hbm>>) target(%arg15 : memref<128x128xf32, #tpu.memory_space<vmem>>) offsets(%arg9 : memref<128xi32, #tpu.memory_space<vmem>>) semaphore(%arg22 : memref<!tpu.dma_semaphore, #tpu.memory_space<semaphore_mem>>)
    }
    %scan3A_72 = arith.constant 25 : i32
    %dma_wait3A_73 = arith.constant 0 : i32
    %dma_wait3A_74 = arith.constant 0 : i32
    %dma_wait3A_75 = tpu.memref_slice %arg2[%dma_wait3A_73, %dma_wait3A_74] : memref<20000x128xf32, #tpu.memory_space<hbm>> -> memref<20000x128xf32, #tpu.memory_space<hbm>>
    tpu.wait_indirect_dma semaphore(%arg20 : memref<!tpu.dma_semaphore, #tpu.memory_space<semaphore_mem>>) src(%dma_wait3A_75 : memref<20000x128xf32, #tpu.memory_space<hbm>>) dst(%arg13 : memref<128x128xf32, #tpu.memory_space<vmem>>)
    %dma_start3A_76 = arith.constant 0 : i32
    %dma_start3A_77 = arith.constant 0 : i32
    %dma_start3A_78 = tpu.memref_slice %arg16[%dma_start3A_76, %dma_start3A_77] : memref<10112x128xf32, #tpu.memory_space<vmem_shared>> -> memref<10112x128xf32, #tpu.memory_space<vmem_shared>>
    tpu.enqueue_indirect_dma source(%arg13 : memref<128x128xf32, #tpu.memory_space<vmem>>) target(%dma_start3A_78 : memref<10112x128xf32, #tpu.memory_space<vmem_shared>>) offsets(%arg10 : memref<128xi32, #tpu.memory_space<vmem>>) semaphore(%arg23 : memref<!tpu.dma_semaphore, #tpu.memory_space<semaphore_mem>>) {add = true}
    %dma_wait3A_79 = arith.constant 0 : i32
    %dma_wait3A_80 = arith.constant 0 : i32
    %dma_wait3A_81 = tpu.memref_slice %arg2[%dma_wait3A_79, %dma_wait3A_80] : memref<20000x128xf32, #tpu.memory_space<hbm>> -> memref<20000x128xf32, #tpu.memory_space<hbm>>
    tpu.wait_indirect_dma semaphore(%arg21 : memref<!tpu.dma_semaphore, #tpu.memory_space<semaphore_mem>>) src(%dma_wait3A_81 : memref<20000x128xf32, #tpu.memory_space<hbm>>) dst(%arg14 : memref<128x128xf32, #tpu.memory_space<vmem>>)
    %dma_start3A_82 = arith.constant 0 : i32
    %dma_start3A_83 = arith.constant 0 : i32
    %dma_start3A_84 = tpu.memref_slice %arg16[%dma_start3A_82, %dma_start3A_83] : memref<10112x128xf32, #tpu.memory_space<vmem_shared>> -> memref<10112x128xf32, #tpu.memory_space<vmem_shared>>
    tpu.enqueue_indirect_dma source(%arg14 : memref<128x128xf32, #tpu.memory_space<vmem>>) target(%dma_start3A_84 : memref<10112x128xf32, #tpu.memory_space<vmem_shared>>) offsets(%arg11 : memref<128xi32, #tpu.memory_space<vmem>>) semaphore(%arg24 : memref<!tpu.dma_semaphore, #tpu.memory_space<semaphore_mem>>) {add = true}
    %dma_wait3A_85 = arith.constant 0 : i32
    %dma_wait3A_86 = arith.constant 0 : i32
    %dma_wait3A_87 = tpu.memref_slice %arg2[%dma_wait3A_85, %dma_wait3A_86] : memref<20000x128xf32, #tpu.memory_space<hbm>> -> memref<20000x128xf32, #tpu.memory_space<hbm>>
    tpu.wait_indirect_dma semaphore(%arg22 : memref<!tpu.dma_semaphore, #tpu.memory_space<semaphore_mem>>) src(%dma_wait3A_87 : memref<20000x128xf32, #tpu.memory_space<hbm>>) dst(%arg15 : memref<128x128xf32, #tpu.memory_space<vmem>>)
    %dma_start3A_88 = arith.constant 0 : i32
    %dma_start3A_89 = arith.constant 0 : i32
    %dma_start3A_90 = tpu.memref_slice %arg16[%dma_start3A_88, %dma_start3A_89] : memref<10112x128xf32, #tpu.memory_space<vmem_shared>> -> memref<10112x128xf32, #tpu.memory_space<vmem_shared>>
    tpu.enqueue_indirect_dma source(%arg15 : memref<128x128xf32, #tpu.memory_space<vmem>>) target(%dma_start3A_90 : memref<10112x128xf32, #tpu.memory_space<vmem_shared>>) offsets(%arg12 : memref<128xi32, #tpu.memory_space<vmem>>) semaphore(%arg25 : memref<!tpu.dma_semaphore, #tpu.memory_space<semaphore_mem>>) {add = true}
    %dma_wait3A_91 = arith.constant 0 : i32
    %dma_wait3A_92 = arith.constant 0 : i32
    %dma_wait3A_93 = tpu.memref_slice %arg16[%dma_wait3A_91, %dma_wait3A_92] : memref<10112x128xf32, #tpu.memory_space<vmem_shared>> -> memref<10112x128xf32, #tpu.memory_space<vmem_shared>>
    tpu.wait_indirect_dma semaphore(%arg23 : memref<!tpu.dma_semaphore, #tpu.memory_space<semaphore_mem>>) src(%arg13 : memref<128x128xf32, #tpu.memory_space<vmem>>) dst(%dma_wait3A_93 : memref<10112x128xf32, #tpu.memory_space<vmem_shared>>)
    %add3A_94 = arith.constant 9984 : i32
    %add3A_95 = arith.addi %multiple_of3A_7, %add3A_94 : i32
    %dma_start3A_96 = tpu.memref_slice %arg3[%add3A_95] : memref<327680xi32, #tpu.memory_space<hbm>> -> memref<128xi32, #tpu.memory_space<hbm>>
    %dma_start3A_97 = tpu.memref_slice %arg3[%add3A_95] : memref<327680xi32, #tpu.memory_space<hbm>> -> memref<128xi32, #tpu.memory_space<hbm>>
    tpu.enqueue_dma source(%dma_start3A_97 : memref<128xi32, #tpu.memory_space<hbm>>) target(%arg7 : memref<128xi32, #tpu.memory_space<vmem>>) target_semaphore(%arg17 : memref<!tpu.dma_semaphore, #tpu.memory_space<semaphore_mem>>)
    %add3A_98 = arith.constant 9984 : i32
    %add3A_99 = arith.addi %multiple_of3A_12, %add3A_98 : i32
    %dma_start3A_100 = tpu.memref_slice %arg4[%add3A_99] : memref<163840xi32, #tpu.memory_space<hbm>> -> memref<128xi32, #tpu.memory_space<hbm>>
    %dma_start3A_101 = tpu.memref_slice %arg4[%add3A_99] : memref<163840xi32, #tpu.memory_space<hbm>> -> memref<128xi32, #tpu.memory_space<hbm>>
    tpu.enqueue_dma source(%dma_start3A_101 : memref<128xi32, #tpu.memory_space<hbm>>) target(%arg10 : memref<128xi32, #tpu.memory_space<vmem>>) target_semaphore(%arg17 : memref<!tpu.dma_semaphore, #tpu.memory_space<semaphore_mem>>)
    %dma_wait3A_102 = arith.constant 0 : i32
    %dma_wait3A_103 = arith.constant 0 : i32
    %dma_wait3A_104 = tpu.memref_slice %arg16[%dma_wait3A_102, %dma_wait3A_103] : memref<10112x128xf32, #tpu.memory_space<vmem_shared>> -> memref<10112x128xf32, #tpu.memory_space<vmem_shared>>
    tpu.wait_indirect_dma semaphore(%arg24 : memref<!tpu.dma_semaphore, #tpu.memory_space<semaphore_mem>>) src(%arg14 : memref<128x128xf32, #tpu.memory_space<vmem>>) dst(%dma_wait3A_104 : memref<10112x128xf32, #tpu.memory_space<vmem_shared>>)
    %add3A_105 = arith.constant 10112 : i32
    %add3A_106 = arith.addi %multiple_of3A_7, %add3A_105 : i32
    %dma_start3A_107 = tpu.memref_slice %arg3[%add3A_106] : memref<327680xi32, #tpu.memory_space<hbm>> -> memref<128xi32, #tpu.memory_space<hbm>>
    %dma_start3A_108 = tpu.memref_slice %arg3[%add3A_106] : memref<327680xi32, #tpu.memory_space<hbm>> -> memref<128xi32, #tpu.memory_space<hbm>>
    tpu.enqueue_dma source(%dma_start3A_108 : memref<128xi32, #tpu.memory_space<hbm>>) target(%arg8 : memref<128xi32, #tpu.memory_space<vmem>>) target_semaphore(%arg18 : memref<!tpu.dma_semaphore, #tpu.memory_space<semaphore_mem>>)
    %add3A_109 = arith.constant 10112 : i32
    %add3A_110 = arith.addi %multiple_of3A_12, %add3A_109 : i32
    %dma_start3A_111 = tpu.memref_slice %arg4[%add3A_110] : memref<163840xi32, #tpu.memory_space<hbm>> -> memref<128xi32, #tpu.memory_space<hbm>>
    %dma_start3A_112 = tpu.memref_slice %arg4[%add3A_110] : memref<163840xi32, #tpu.memory_space<hbm>> -> memref<128xi32, #tpu.memory_space<hbm>>
    tpu.enqueue_dma source(%dma_start3A_112 : memref<128xi32, #tpu.memory_space<hbm>>) target(%arg11 : memref<128xi32, #tpu.memory_space<vmem>>) target_semaphore(%arg18 : memref<!tpu.dma_semaphore, #tpu.memory_space<semaphore_mem>>)
    %dma_wait3A_113 = arith.constant 0 : i32
    %dma_wait3A_114 = arith.constant 0 : i32
    %dma_wait3A_115 = tpu.memref_slice %arg16[%dma_wait3A_113, %dma_wait3A_114] : memref<10112x128xf32, #tpu.memory_space<vmem_shared>> -> memref<10112x128xf32, #tpu.memory_space<vmem_shared>>
    tpu.wait_indirect_dma semaphore(%arg25 : memref<!tpu.dma_semaphore, #tpu.memory_space<semaphore_mem>>) src(%arg15 : memref<128x128xf32, #tpu.memory_space<vmem>>) dst(%dma_wait3A_115 : memref<10112x128xf32, #tpu.memory_space<vmem_shared>>)
    %add3A_116 = arith.constant 9984 : i32
    %add3A_117 = arith.addi %multiple_of3A_7, %add3A_116 : i32
    %dma_wait3A_118 = tpu.memref_slice %arg3[%add3A_117] : memref<327680xi32, #tpu.memory_space<hbm>> -> memref<128xi32, #tpu.memory_space<hbm>>
    %dma_wait3A_119 = tpu.memref_slice %arg3[%add3A_117] : memref<327680xi32, #tpu.memory_space<hbm>> -> memref<128xi32, #tpu.memory_space<hbm>>
    tpu.wait_dma2 semaphore(%arg17 : memref<!tpu.dma_semaphore, #tpu.memory_space<semaphore_mem>>) src(%dma_wait3A_119 : memref<128xi32, #tpu.memory_space<hbm>>) dst(%arg7 : memref<128xi32, #tpu.memory_space<vmem>>)
    %add3A_120 = arith.constant 9984 : i32
    %add3A_121 = arith.addi %multiple_of3A_12, %add3A_120 : i32
    %dma_wait3A_122 = tpu.memref_slice %arg4[%add3A_121] : memref<163840xi32, #tpu.memory_space<hbm>> -> memref<128xi32, #tpu.memory_space<hbm>>
    %dma_wait3A_123 = tpu.memref_slice %arg4[%add3A_121] : memref<163840xi32, #tpu.memory_space<hbm>> -> memref<128xi32, #tpu.memory_space<hbm>>
    tpu.wait_dma2 semaphore(%arg17 : memref<!tpu.dma_semaphore, #tpu.memory_space<semaphore_mem>>) src(%dma_wait3A_123 : memref<128xi32, #tpu.memory_space<hbm>>) dst(%arg10 : memref<128xi32, #tpu.memory_space<vmem>>)
    %dma_start3A_124 = arith.constant 0 : i32
    %dma_start3A_125 = arith.constant 0 : i32
    %dma_start3A_126 = tpu.memref_slice %arg2[%dma_start3A_124, %dma_start3A_125] : memref<20000x128xf32, #tpu.memory_space<hbm>> -> memref<20000x128xf32, #tpu.memory_space<hbm>>
    tpu.enqueue_indirect_dma source(%dma_start3A_126 : memref<20000x128xf32, #tpu.memory_space<hbm>>) target(%arg13 : memref<128x128xf32, #tpu.memory_space<vmem>>) offsets(%arg7 : memref<128xi32, #tpu.memory_space<vmem>>) semaphore(%arg20 : memref<!tpu.dma_semaphore, #tpu.memory_space<semaphore_mem>>)
    %add3A_127 = arith.constant 10112 : i32
    %add3A_128 = arith.addi %multiple_of3A_7, %add3A_127 : i32
    %dma_wait3A_129 = tpu.memref_slice %arg3[%add3A_128] : memref<327680xi32, #tpu.memory_space<hbm>> -> memref<128xi32, #tpu.memory_space<hbm>>
    %dma_wait3A_130 = tpu.memref_slice %arg3[%add3A_128] : memref<327680xi32, #tpu.memory_space<hbm>> -> memref<128xi32, #tpu.memory_space<hbm>>
    tpu.wait_dma2 semaphore(%arg18 : memref<!tpu.dma_semaphore, #tpu.memory_space<semaphore_mem>>) src(%dma_wait3A_130 : memref<128xi32, #tpu.memory_space<hbm>>) dst(%arg8 : memref<128xi32, #tpu.memory_space<vmem>>)
    %add3A_131 = arith.constant 10112 : i32
    %add3A_132 = arith.addi %multiple_of3A_12, %add3A_131 : i32
    %dma_wait3A_133 = tpu.memref_slice %arg4[%add3A_132] : memref<163840xi32, #tpu.memory_space<hbm>> -> memref<128xi32, #tpu.memory_space<hbm>>
    %dma_wait3A_134 = tpu.memref_slice %arg4[%add3A_132] : memref<163840xi32, #tpu.memory_space<hbm>> -> memref<128xi32, #tpu.memory_space<hbm>>
    tpu.wait_dma2 semaphore(%arg18 : memref<!tpu.dma_semaphore, #tpu.memory_space<semaphore_mem>>) src(%dma_wait3A_134 : memref<128xi32, #tpu.memory_space<hbm>>) dst(%arg11 : memref<128xi32, #tpu.memory_space<vmem>>)
    %dma_start3A_135 = arith.constant 0 : i32
    %dma_start3A_136 = arith.constant 0 : i32
    %dma_start3A_137 = tpu.memref_slice %arg2[%dma_start3A_135, %dma_start3A_136] : memref<20000x128xf32, #tpu.memory_space<hbm>> -> memref<20000x128xf32, #tpu.memory_space<hbm>>
    tpu.enqueue_indirect_dma source(%dma_start3A_137 : memref<20000x128xf32, #tpu.memory_space<hbm>>) target(%arg14 : memref<128x128xf32, #tpu.memory_space<vmem>>) offsets(%arg8 : memref<128xi32, #tpu.memory_space<vmem>>) semaphore(%arg21 : memref<!tpu.dma_semaphore, #tpu.memory_space<semaphore_mem>>)
    %dma_wait3A_138 = arith.constant 0 : i32
    %dma_wait3A_139 = arith.constant 0 : i32
    %dma_wait3A_140 = tpu.memref_slice %arg2[%dma_wait3A_138, %dma_wait3A_139] : memref<20000x128xf32, #tpu.memory_space<hbm>> -> memref<20000x128xf32, #tpu.memory_space<hbm>>
    tpu.wait_indirect_dma semaphore(%arg20 : memref<!tpu.dma_semaphore, #tpu.memory_space<semaphore_mem>>) src(%dma_wait3A_140 : memref<20000x128xf32, #tpu.memory_space<hbm>>) dst(%arg13 : memref<128x128xf32, #tpu.memory_space<vmem>>)
    %dma_start3A_141 = arith.constant 0 : i32
    %dma_start3A_142 = arith.constant 0 : i32
    %dma_start3A_143 = tpu.memref_slice %arg16[%dma_start3A_141, %dma_start3A_142] : memref<10112x128xf32, #tpu.memory_space<vmem_shared>> -> memref<10112x128xf32, #tpu.memory_space<vmem_shared>>
    tpu.enqueue_indirect_dma source(%arg13 : memref<128x128xf32, #tpu.memory_space<vmem>>) target(%dma_start3A_143 : memref<10112x128xf32, #tpu.memory_space<vmem_shared>>) offsets(%arg10 : memref<128xi32, #tpu.memory_space<vmem>>) semaphore(%arg23 : memref<!tpu.dma_semaphore, #tpu.memory_space<semaphore_mem>>) {add = true}
    %dma_wait3A_144 = arith.constant 0 : i32
    %dma_wait3A_145 = arith.constant 0 : i32
    %dma_wait3A_146 = tpu.memref_slice %arg2[%dma_wait3A_144, %dma_wait3A_145] : memref<20000x128xf32, #tpu.memory_space<hbm>> -> memref<20000x128xf32, #tpu.memory_space<hbm>>
    tpu.wait_indirect_dma semaphore(%arg21 : memref<!tpu.dma_semaphore, #tpu.memory_space<semaphore_mem>>) src(%dma_wait3A_146 : memref<20000x128xf32, #tpu.memory_space<hbm>>) dst(%arg14 : memref<128x128xf32, #tpu.memory_space<vmem>>)
    %dma_start3A_147 = arith.constant 0 : i32
    %dma_start3A_148 = arith.constant 0 : i32
    %dma_start3A_149 = tpu.memref_slice %arg16[%dma_start3A_147, %dma_start3A_148] : memref<10112x128xf32, #tpu.memory_space<vmem_shared>> -> memref<10112x128xf32, #tpu.memory_space<vmem_shared>>
    tpu.enqueue_indirect_dma source(%arg14 : memref<128x128xf32, #tpu.memory_space<vmem>>) target(%dma_start3A_149 : memref<10112x128xf32, #tpu.memory_space<vmem_shared>>) offsets(%arg11 : memref<128xi32, #tpu.memory_space<vmem>>) semaphore(%arg24 : memref<!tpu.dma_semaphore, #tpu.memory_space<semaphore_mem>>) {add = true}
    %dma_wait3A_150 = arith.constant 0 : i32
    %dma_wait3A_151 = arith.constant 0 : i32
    %dma_wait3A_152 = tpu.memref_slice %arg16[%dma_wait3A_150, %dma_wait3A_151] : memref<10112x128xf32, #tpu.memory_space<vmem_shared>> -> memref<10112x128xf32, #tpu.memory_space<vmem_shared>>
    tpu.wait_indirect_dma semaphore(%arg23 : memref<!tpu.dma_semaphore, #tpu.memory_space<semaphore_mem>>) src(%arg13 : memref<128x128xf32, #tpu.memory_space<vmem>>) dst(%dma_wait3A_152 : memref<10112x128xf32, #tpu.memory_space<vmem_shared>>)
    %dma_wait3A_153 = arith.constant 0 : i32
    %dma_wait3A_154 = arith.constant 0 : i32
    %dma_wait3A_155 = tpu.memref_slice %arg16[%dma_wait3A_153, %dma_wait3A_154] : memref<10112x128xf32, #tpu.memory_space<vmem_shared>> -> memref<10112x128xf32, #tpu.memory_space<vmem_shared>>
    tpu.wait_indirect_dma semaphore(%arg24 : memref<!tpu.dma_semaphore, #tpu.memory_space<semaphore_mem>>) src(%arg14 : memref<128x128xf32, #tpu.memory_space<vmem>>) dst(%dma_wait3A_155 : memref<10112x128xf32, #tpu.memory_space<vmem_shared>>)
    %barrier3A_156 = arith.constant 0 : index
    tpu.barrier barrier_id(%barrier3A_156)
    %mul3A_157 = arith.constant 10112 : i32
    %mul3A_158 = arith.muli %arg0, %mul3A_157 : i32
    %add3A_159 = arith.addi %mul3A_158, %multiple_of3A : i32
    %multiple_of3A_160 = tpu.assume_multiple %add3A_159, 8 : i32
    "tpu.region"() ({
      %run_scoped3A = tpu.sem_alloc : memref<!tpu.dma_semaphore, #tpu.memory_space<semaphore_mem>>
      %dma_start3A_161 = arith.constant 0 : i32
      %dma_start3A_162 = tpu.memref_slice %arg6[%multiple_of3A_160, %dma_start3A_161] : memref<20224x128xf32, #tpu.memory_space<hbm>> -> memref<632x128xf32, #tpu.memory_space<hbm>>
      %dma_start3A_163 = arith.constant 0 : i32
      %dma_start3A_164 = tpu.memref_slice %arg16[%multiple_of3A, %dma_start3A_163] : memref<10112x128xf32, #tpu.memory_space<vmem_shared>> -> memref<632x128xf32, #tpu.memory_space<vmem_shared>>
      tpu.enqueue_dma source(%dma_start3A_164 : memref<632x128xf32, #tpu.memory_space<vmem_shared>>) target(%dma_start3A_162 : memref<632x128xf32, #tpu.memory_space<hbm>>) target_semaphore(%run_scoped3A : memref<!tpu.dma_semaphore, #tpu.memory_space<semaphore_mem>>)
      %dma_wait3A_165 = arith.constant 0 : i32
      %dma_wait3A_166 = tpu.memref_slice %arg6[%multiple_of3A_160, %dma_wait3A_165] : memref<20224x128xf32, #tpu.memory_space<hbm>> -> memref<632x128xf32, #tpu.memory_space<hbm>>
      %dma_wait3A_167 = arith.constant 0 : i32
      %dma_wait3A_168 = tpu.memref_slice %arg16[%multiple_of3A, %dma_wait3A_167] : memref<10112x128xf32, #tpu.memory_space<vmem_shared>> -> memref<632x128xf32, #tpu.memory_space<vmem_shared>>
      tpu.wait_dma2 semaphore(%run_scoped3A : memref<!tpu.dma_semaphore, #tpu.memory_space<semaphore_mem>>) src(%dma_wait3A_168 : memref<632x128xf32, #tpu.memory_space<vmem_shared>>) dst(%dma_wait3A_166 : memref<632x128xf32, #tpu.memory_space<hbm>>)
      tpu.yield
    }) : () -> ()
    return
  }
}

#map = affine_map<(d0, d1) -> (0, 0)>
#map1 = affine_map<(d0, d1) -> (0)>
module attributes {stable_mosaic.version = 14 : i64} {
  func.func @_sc_agg_body(%arg0: i32, %arg1: i32, %arg2: memref<20000x128xf32, #tpu.memory_space<hbm>>, %arg3: memref<327680xi32, #tpu.memory_space<hbm>>, %arg4: memref<163840xi32, #tpu.memory_space<hbm>>, %arg5: memref<632x128xf32, #tpu.memory_space<hbm>>, %arg6: memref<20224x128xf32, #tpu.memory_space<hbm>>, %arg7: memref<128xi32, #tpu.memory_space<vmem>>, %arg8: memref<128xi32, #tpu.memory_space<vmem>>, %arg9: memref<128xi32, #tpu.memory_space<vmem>>, %arg10: memref<128xi32, #tpu.memory_space<vmem>>, %arg11: memref<128xi32, #tpu.memory_space<vmem>>, %arg12: memref<128xi32, #tpu.memory_space<vmem>>, %arg13: memref<128x128xf32, #tpu.memory_space<vmem>>, %arg14: memref<128x128xf32, #tpu.memory_space<vmem>>, %arg15: memref<128x128xf32, #tpu.memory_space<vmem>>, %arg16: memref<10112x128xf32, #tpu.memory_space<vmem_shared>>, %arg17: memref<!tpu.dma_semaphore, #tpu.memory_space<semaphore_mem>>, %arg18: memref<!tpu.dma_semaphore, #tpu.memory_space<semaphore_mem>>, %arg19: memref<!tpu.dma_semaphore, #tpu.memory_space<semaphore_mem>>, %arg20: memref<!tpu.dma_semaphore, #tpu.memory_space<semaphore_mem>>, %arg21: memref<!tpu.dma_semaphore, #tpu.memory_space<semaphore_mem>>, %arg22: memref<!tpu.dma_semaphore, #tpu.memory_space<semaphore_mem>>, %arg23: memref<!tpu.dma_semaphore, #tpu.memory_space<semaphore_mem>>, %arg24: memref<!tpu.dma_semaphore, #tpu.memory_space<semaphore_mem>>, %arg25: memref<!tpu.dma_semaphore, #tpu.memory_space<semaphore_mem>>) attributes {dimension_semantics = [#tpu.dimension_semantics<core_parallel>, #tpu.dimension_semantics<subcore_parallel>], iteration_bounds = array<i64: 2, 16>, scalar_prefetch = 0 : i64, scratch_operands = 19 : i64, tpu.core_type = #tpu.core_type<sc_vector_subcore>, window_params = [{transform_indices = #map}, {transform_indices = #map1}, {transform_indices = #map1}, {transform_indices = #map}, {transform_indices = #map}]} {
    %mul3A = arith.constant 632 : i32
    %mul3A_0 = arith.muli %mul3A, %arg1 : i32
    %multiple_of3A = tpu.assume_multiple %mul3A_0, 8 : i32
    "tpu.region"() ({
      %run_scoped3A = tpu.sem_alloc : memref<!tpu.dma_semaphore, #tpu.memory_space<semaphore_mem>>
      %dma_start3A_161 = arith.constant 0 : i32
      %dma_start3A_162 = tpu.memref_slice %arg16[%multiple_of3A, %dma_start3A_161] : memref<10112x128xf32, #tpu.memory_space<vmem_shared>> -> memref<632x128xf32, #tpu.memory_space<vmem_shared>>
      tpu.enqueue_dma source(%arg5 : memref<632x128xf32, #tpu.memory_space<hbm>>) target(%dma_start3A_162 : memref<632x128xf32, #tpu.memory_space<vmem_shared>>) target_semaphore(%run_scoped3A : memref<!tpu.dma_semaphore, #tpu.memory_space<semaphore_mem>>)
      %dma_wait3A_163 = arith.constant 0 : i32
      %dma_wait3A_164 = tpu.memref_slice %arg16[%multiple_of3A, %dma_wait3A_163] : memref<10112x128xf32, #tpu.memory_space<vmem_shared>> -> memref<632x128xf32, #tpu.memory_space<vmem_shared>>
      tpu.wait_dma2 semaphore(%run_scoped3A : memref<!tpu.dma_semaphore, #tpu.memory_space<semaphore_mem>>) src(%arg5 : memref<632x128xf32, #tpu.memory_space<hbm>>) dst(%dma_wait3A_164 : memref<632x128xf32, #tpu.memory_space<vmem_shared>>)
      tpu.yield
    }) : () -> ()
    %barrier3A = arith.constant 0 : index
    tpu.barrier barrier_id(%barrier3A)
    %mul3A_1 = arith.constant 163840 : i32
    %mul3A_2 = arith.muli %arg0, %mul3A_1 : i32
    %mul3A_3 = arith.constant 80 : i32
    %mul3A_4 = arith.muli %mul3A_3, %arg1 : i32
    %mul3A_5 = arith.constant 128 : i32
    %mul3A_6 = arith.muli %mul3A_4, %mul3A_5 : i32
    %add3A = arith.addi %mul3A_2, %mul3A_6 : i32
    %multiple_of3A_7 = tpu.assume_multiple %add3A, 8 : i32
    %mul3A_8 = arith.constant 80 : i32
    %mul3A_9 = arith.muli %mul3A_8, %arg1 : i32
    %mul3A_10 = arith.constant 128 : i32
    %mul3A_11 = arith.muli %mul3A_9, %mul3A_10 : i32
    %multiple_of3A_12 = tpu.assume_multiple %mul3A_11, 8 : i32
    %add3A_13 = arith.constant 0 : i32
    %add3A_14 = arith.addi %multiple_of3A_7, %add3A_13 : i32
    %dma_start3A = tpu.memref_slice %arg3[%add3A_14] : memref<327680xi32, #tpu.memory_space<hbm>> -> memref<128xi32, #tpu.memory_space<hbm>>
    %dma_start3A_15 = tpu.memref_slice %arg3[%add3A_14] : memref<327680xi32, #tpu.memory_space<hbm>> -> memref<128xi32, #tpu.memory_space<hbm>>
    tpu.enqueue_dma source(%dma_start3A_15 : memref<128xi32, #tpu.memory_space<hbm>>) target(%arg7 : memref<128xi32, #tpu.memory_space<vmem>>) target_semaphore(%arg17 : memref<!tpu.dma_semaphore, #tpu.memory_space<semaphore_mem>>)
    %add3A_16 = arith.constant 0 : i32
    %add3A_17 = arith.addi %multiple_of3A_12, %add3A_16 : i32
    %dma_start3A_18 = tpu.memref_slice %arg4[%add3A_17] : memref<163840xi32, #tpu.memory_space<hbm>> -> memref<128xi32, #tpu.memory_space<hbm>>
    %dma_start3A_19 = tpu.memref_slice %arg4[%add3A_17] : memref<163840xi32, #tpu.memory_space<hbm>> -> memref<128xi32, #tpu.memory_space<hbm>>
    tpu.enqueue_dma source(%dma_start3A_19 : memref<128xi32, #tpu.memory_space<hbm>>) target(%arg10 : memref<128xi32, #tpu.memory_space<vmem>>) target_semaphore(%arg17 : memref<!tpu.dma_semaphore, #tpu.memory_space<semaphore_mem>>)
    %add3A_20 = arith.constant 128 : i32
    %add3A_21 = arith.addi %multiple_of3A_7, %add3A_20 : i32
    %dma_start3A_22 = tpu.memref_slice %arg3[%add3A_21] : memref<327680xi32, #tpu.memory_space<hbm>> -> memref<128xi32, #tpu.memory_space<hbm>>
    %dma_start3A_23 = tpu.memref_slice %arg3[%add3A_21] : memref<327680xi32, #tpu.memory_space<hbm>> -> memref<128xi32, #tpu.memory_space<hbm>>
    tpu.enqueue_dma source(%dma_start3A_23 : memref<128xi32, #tpu.memory_space<hbm>>) target(%arg8 : memref<128xi32, #tpu.memory_space<vmem>>) target_semaphore(%arg18 : memref<!tpu.dma_semaphore, #tpu.memory_space<semaphore_mem>>)
    %add3A_24 = arith.constant 128 : i32
    %add3A_25 = arith.addi %multiple_of3A_12, %add3A_24 : i32
    %dma_start3A_26 = tpu.memref_slice %arg4[%add3A_25] : memref<163840xi32, #tpu.memory_space<hbm>> -> memref<128xi32, #tpu.memory_space<hbm>>
    %dma_start3A_27 = tpu.memref_slice %arg4[%add3A_25] : memref<163840xi32, #tpu.memory_space<hbm>> -> memref<128xi32, #tpu.memory_space<hbm>>
    tpu.enqueue_dma source(%dma_start3A_27 : memref<128xi32, #tpu.memory_space<hbm>>) target(%arg11 : memref<128xi32, #tpu.memory_space<vmem>>) target_semaphore(%arg18 : memref<!tpu.dma_semaphore, #tpu.memory_space<semaphore_mem>>)
    %add3A_28 = arith.constant 256 : i32
    %add3A_29 = arith.addi %multiple_of3A_7, %add3A_28 : i32
    %dma_start3A_30 = tpu.memref_slice %arg3[%add3A_29] : memref<327680xi32, #tpu.memory_space<hbm>> -> memref<128xi32, #tpu.memory_space<hbm>>
    %dma_start3A_31 = tpu.memref_slice %arg3[%add3A_29] : memref<327680xi32, #tpu.memory_space<hbm>> -> memref<128xi32, #tpu.memory_space<hbm>>
    tpu.enqueue_dma source(%dma_start3A_31 : memref<128xi32, #tpu.memory_space<hbm>>) target(%arg9 : memref<128xi32, #tpu.memory_space<vmem>>) target_semaphore(%arg19 : memref<!tpu.dma_semaphore, #tpu.memory_space<semaphore_mem>>)
    %add3A_32 = arith.constant 256 : i32
    %add3A_33 = arith.addi %multiple_of3A_12, %add3A_32 : i32
    %dma_start3A_34 = tpu.memref_slice %arg4[%add3A_33] : memref<163840xi32, #tpu.memory_space<hbm>> -> memref<128xi32, #tpu.memory_space<hbm>>
    %dma_start3A_35 = tpu.memref_slice %arg4[%add3A_33] : memref<163840xi32, #tpu.memory_space<hbm>> -> memref<128xi32, #tpu.memory_space<hbm>>
    tpu.enqueue_dma source(%dma_start3A_35 : memref<128xi32, #tpu.memory_space<hbm>>) target(%arg12 : memref<128xi32, #tpu.memory_space<vmem>>) target_semaphore(%arg19 : memref<!tpu.dma_semaphore, #tpu.memory_space<semaphore_mem>>)
    %add3A_36 = arith.constant 0 : i32
    %add3A_37 = arith.addi %multiple_of3A_7, %add3A_36 : i32
    %dma_wait3A = tpu.memref_slice %arg3[%add3A_37] : memref<327680xi32, #tpu.memory_space<hbm>> -> memref<128xi32, #tpu.memory_space<hbm>>
    %dma_wait3A_38 = tpu.memref_slice %arg3[%add3A_37] : memref<327680xi32, #tpu.memory_space<hbm>> -> memref<128xi32, #tpu.memory_space<hbm>>
    tpu.wait_dma2 semaphore(%arg17 : memref<!tpu.dma_semaphore, #tpu.memory_space<semaphore_mem>>) src(%dma_wait3A_38 : memref<128xi32, #tpu.memory_space<hbm>>) dst(%arg7 : memref<128xi32, #tpu.memory_space<vmem>>)
    %add3A_39 = arith.constant 0 : i32
    %add3A_40 = arith.addi %multiple_of3A_12, %add3A_39 : i32
    %dma_wait3A_41 = tpu.memref_slice %arg4[%add3A_40] : memref<163840xi32, #tpu.memory_space<hbm>> -> memref<128xi32, #tpu.memory_space<hbm>>
    %dma_wait3A_42 = tpu.memref_slice %arg4[%add3A_40] : memref<163840xi32, #tpu.memory_space<hbm>> -> memref<128xi32, #tpu.memory_space<hbm>>
    tpu.wait_dma2 semaphore(%arg17 : memref<!tpu.dma_semaphore, #tpu.memory_space<semaphore_mem>>) src(%dma_wait3A_42 : memref<128xi32, #tpu.memory_space<hbm>>) dst(%arg10 : memref<128xi32, #tpu.memory_space<vmem>>)
    %dma_start3A_43 = arith.constant 0 : i32
    %dma_start3A_44 = arith.constant 0 : i32
    %dma_start3A_45 = tpu.memref_slice %arg2[%dma_start3A_43, %dma_start3A_44] : memref<20000x128xf32, #tpu.memory_space<hbm>> -> memref<20000x128xf32, #tpu.memory_space<hbm>>
    tpu.enqueue_indirect_dma source(%dma_start3A_45 : memref<20000x128xf32, #tpu.memory_space<hbm>>) target(%arg13 : memref<128x128xf32, #tpu.memory_space<vmem>>) offsets(%arg7 : memref<128xi32, #tpu.memory_space<vmem>>) semaphore(%arg20 : memref<!tpu.dma_semaphore, #tpu.memory_space<semaphore_mem>>)
    %add3A_46 = arith.constant 128 : i32
    %add3A_47 = arith.addi %multiple_of3A_7, %add3A_46 : i32
    %dma_wait3A_48 = tpu.memref_slice %arg3[%add3A_47] : memref<327680xi32, #tpu.memory_space<hbm>> -> memref<128xi32, #tpu.memory_space<hbm>>
    %dma_wait3A_49 = tpu.memref_slice %arg3[%add3A_47] : memref<327680xi32, #tpu.memory_space<hbm>> -> memref<128xi32, #tpu.memory_space<hbm>>
    tpu.wait_dma2 semaphore(%arg18 : memref<!tpu.dma_semaphore, #tpu.memory_space<semaphore_mem>>) src(%dma_wait3A_49 : memref<128xi32, #tpu.memory_space<hbm>>) dst(%arg8 : memref<128xi32, #tpu.memory_space<vmem>>)
    %add3A_50 = arith.constant 128 : i32
    %add3A_51 = arith.addi %multiple_of3A_12, %add3A_50 : i32
    %dma_wait3A_52 = tpu.memref_slice %arg4[%add3A_51] : memref<163840xi32, #tpu.memory_space<hbm>> -> memref<128xi32, #tpu.memory_space<hbm>>
    %dma_wait3A_53 = tpu.memref_slice %arg4[%add3A_51] : memref<163840xi32, #tpu.memory_space<hbm>> -> memref<128xi32, #tpu.memory_space<hbm>>
    tpu.wait_dma2 semaphore(%arg18 : memref<!tpu.dma_semaphore, #tpu.memory_space<semaphore_mem>>) src(%dma_wait3A_53 : memref<128xi32, #tpu.memory_space<hbm>>) dst(%arg11 : memref<128xi32, #tpu.memory_space<vmem>>)
    %dma_start3A_54 = arith.constant 0 : i32
    %dma_start3A_55 = arith.constant 0 : i32
    %dma_start3A_56 = tpu.memref_slice %arg2[%dma_start3A_54, %dma_start3A_55] : memref<20000x128xf32, #tpu.memory_space<hbm>> -> memref<20000x128xf32, #tpu.memory_space<hbm>>
    tpu.enqueue_indirect_dma source(%dma_start3A_56 : memref<20000x128xf32, #tpu.memory_space<hbm>>) target(%arg14 : memref<128x128xf32, #tpu.memory_space<vmem>>) offsets(%arg8 : memref<128xi32, #tpu.memory_space<vmem>>) semaphore(%arg21 : memref<!tpu.dma_semaphore, #tpu.memory_space<semaphore_mem>>)
    %add3A_57 = arith.constant 256 : i32
    %add3A_58 = arith.addi %multiple_of3A_7, %add3A_57 : i32
    %dma_wait3A_59 = tpu.memref_slice %arg3[%add3A_58] : memref<327680xi32, #tpu.memory_space<hbm>> -> memref<128xi32, #tpu.memory_space<hbm>>
    %dma_wait3A_60 = tpu.memref_slice %arg3[%add3A_58] : memref<327680xi32, #tpu.memory_space<hbm>> -> memref<128xi32, #tpu.memory_space<hbm>>
    tpu.wait_dma2 semaphore(%arg19 : memref<!tpu.dma_semaphore, #tpu.memory_space<semaphore_mem>>) src(%dma_wait3A_60 : memref<128xi32, #tpu.memory_space<hbm>>) dst(%arg9 : memref<128xi32, #tpu.memory_space<vmem>>)
    %add3A_61 = arith.constant 256 : i32
    %add3A_62 = arith.addi %multiple_of3A_12, %add3A_61 : i32
    %dma_wait3A_63 = tpu.memref_slice %arg4[%add3A_62] : memref<163840xi32, #tpu.memory_space<hbm>> -> memref<128xi32, #tpu.memory_space<hbm>>
    %dma_wait3A_64 = tpu.memref_slice %arg4[%add3A_62] : memref<163840xi32, #tpu.memory_space<hbm>> -> memref<128xi32, #tpu.memory_space<hbm>>
    tpu.wait_dma2 semaphore(%arg19 : memref<!tpu.dma_semaphore, #tpu.memory_space<semaphore_mem>>) src(%dma_wait3A_64 : memref<128xi32, #tpu.memory_space<hbm>>) dst(%arg12 : memref<128xi32, #tpu.memory_space<vmem>>)
    %dma_start3A_65 = arith.constant 0 : i32
    %dma_start3A_66 = arith.constant 0 : i32
    %dma_start3A_67 = tpu.memref_slice %arg2[%dma_start3A_65, %dma_start3A_66] : memref<20000x128xf32, #tpu.memory_space<hbm>> -> memref<20000x128xf32, #tpu.memory_space<hbm>>
    tpu.enqueue_indirect_dma source(%dma_start3A_67 : memref<20000x128xf32, #tpu.memory_space<hbm>>) target(%arg15 : memref<128x128xf32, #tpu.memory_space<vmem>>) offsets(%arg9 : memref<128xi32, #tpu.memory_space<vmem>>) semaphore(%arg22 : memref<!tpu.dma_semaphore, #tpu.memory_space<semaphore_mem>>)
    %scan3A = arith.constant 0 : i32
    %scan3A_68 = arith.constant 0 : i32
    %scan3A_69 = arith.constant 25 : i32
    %scan3A_70 = arith.addi %scan3A_68, %scan3A_69 : i32
    %scan3A_71 = arith.constant 1 : i32
    scf.for %scan3A_161 = %scan3A_68 to %scan3A_70 step %scan3A_71  : i32 {
      %mul3A_162 = arith.constant 3 : i32
      %mul3A_163 = arith.muli %scan3A_161, %mul3A_162 : i32
      %dma_wait3A_164 = arith.constant 0 : i32
      %dma_wait3A_165 = arith.constant 0 : i32
      %dma_wait3A_166 = tpu.memref_slice %arg2[%dma_wait3A_164, %dma_wait3A_165] : memref<20000x128xf32, #tpu.memory_space<hbm>> -> memref<20000x128xf32, #tpu.memory_space<hbm>>
      tpu.wait_indirect_dma semaphore(%arg20 : memref<!tpu.dma_semaphore, #tpu.memory_space<semaphore_mem>>) src(%dma_wait3A_166 : memref<20000x128xf32, #tpu.memory_space<hbm>>) dst(%arg13 : memref<128x128xf32, #tpu.memory_space<vmem>>)
      %dma_start3A_167 = arith.constant 0 : i32
      %dma_start3A_168 = arith.constant 0 : i32
      %dma_start3A_169 = tpu.memref_slice %arg16[%dma_start3A_167, %dma_start3A_168] : memref<10112x128xf32, #tpu.memory_space<vmem_shared>> -> memref<10112x128xf32, #tpu.memory_space<vmem_shared>>
      tpu.enqueue_indirect_dma source(%arg13 : memref<128x128xf32, #tpu.memory_space<vmem>>) target(%dma_start3A_169 : memref<10112x128xf32, #tpu.memory_space<vmem_shared>>) offsets(%arg10 : memref<128xi32, #tpu.memory_space<vmem>>) semaphore(%arg23 : memref<!tpu.dma_semaphore, #tpu.memory_space<semaphore_mem>>) {add = true}
      %dma_wait3A_170 = arith.constant 0 : i32
      %dma_wait3A_171 = arith.constant 0 : i32
      %dma_wait3A_172 = tpu.memref_slice %arg2[%dma_wait3A_170, %dma_wait3A_171] : memref<20000x128xf32, #tpu.memory_space<hbm>> -> memref<20000x128xf32, #tpu.memory_space<hbm>>
      tpu.wait_indirect_dma semaphore(%arg21 : memref<!tpu.dma_semaphore, #tpu.memory_space<semaphore_mem>>) src(%dma_wait3A_172 : memref<20000x128xf32, #tpu.memory_space<hbm>>) dst(%arg14 : memref<128x128xf32, #tpu.memory_space<vmem>>)
      %dma_start3A_173 = arith.constant 0 : i32
      %dma_start3A_174 = arith.constant 0 : i32
      %dma_start3A_175 = tpu.memref_slice %arg16[%dma_start3A_173, %dma_start3A_174] : memref<10112x128xf32, #tpu.memory_space<vmem_shared>> -> memref<10112x128xf32, #tpu.memory_space<vmem_shared>>
      tpu.enqueue_indirect_dma source(%arg14 : memref<128x128xf32, #tpu.memory_space<vmem>>) target(%dma_start3A_175 : memref<10112x128xf32, #tpu.memory_space<vmem_shared>>) offsets(%arg11 : memref<128xi32, #tpu.memory_space<vmem>>) semaphore(%arg24 : memref<!tpu.dma_semaphore, #tpu.memory_space<semaphore_mem>>) {add = true}
      %dma_wait3A_176 = arith.constant 0 : i32
      %dma_wait3A_177 = arith.constant 0 : i32
      %dma_wait3A_178 = tpu.memref_slice %arg2[%dma_wait3A_176, %dma_wait3A_177] : memref<20000x128xf32, #tpu.memory_space<hbm>> -> memref<20000x128xf32, #tpu.memory_space<hbm>>
      tpu.wait_indirect_dma semaphore(%arg22 : memref<!tpu.dma_semaphore, #tpu.memory_space<semaphore_mem>>) src(%dma_wait3A_178 : memref<20000x128xf32, #tpu.memory_space<hbm>>) dst(%arg15 : memref<128x128xf32, #tpu.memory_space<vmem>>)
      %dma_start3A_179 = arith.constant 0 : i32
      %dma_start3A_180 = arith.constant 0 : i32
      %dma_start3A_181 = tpu.memref_slice %arg16[%dma_start3A_179, %dma_start3A_180] : memref<10112x128xf32, #tpu.memory_space<vmem_shared>> -> memref<10112x128xf32, #tpu.memory_space<vmem_shared>>
      tpu.enqueue_indirect_dma source(%arg15 : memref<128x128xf32, #tpu.memory_space<vmem>>) target(%dma_start3A_181 : memref<10112x128xf32, #tpu.memory_space<vmem_shared>>) offsets(%arg12 : memref<128xi32, #tpu.memory_space<vmem>>) semaphore(%arg25 : memref<!tpu.dma_semaphore, #tpu.memory_space<semaphore_mem>>) {add = true}
      %dma_wait3A_182 = arith.constant 0 : i32
      %dma_wait3A_183 = arith.constant 0 : i32
      %dma_wait3A_184 = tpu.memref_slice %arg16[%dma_wait3A_182, %dma_wait3A_183] : memref<10112x128xf32, #tpu.memory_space<vmem_shared>> -> memref<10112x128xf32, #tpu.memory_space<vmem_shared>>
      tpu.wait_indirect_dma semaphore(%arg23 : memref<!tpu.dma_semaphore, #tpu.memory_space<semaphore_mem>>) src(%arg13 : memref<128x128xf32, #tpu.memory_space<vmem>>) dst(%dma_wait3A_184 : memref<10112x128xf32, #tpu.memory_space<vmem_shared>>)
      %add3A_185 = arith.constant 3 : i32
      %add3A_186 = arith.addi %mul3A_163, %add3A_185 : i32
      %add3A_187 = arith.constant 0 : i32
      %add3A_188 = arith.addi %add3A_186, %add3A_187 : i32
      %mul3A_189 = arith.constant 128 : i32
      %mul3A_190 = arith.muli %add3A_188, %mul3A_189 : i32
      %add3A_191 = arith.addi %multiple_of3A_7, %mul3A_190 : i32
      %dma_start3A_192 = tpu.memref_slice %arg3[%add3A_191] : memref<327680xi32, #tpu.memory_space<hbm>> -> memref<128xi32, #tpu.memory_space<hbm>>
      %dma_start3A_193 = tpu.memref_slice %arg3[%add3A_191] : memref<327680xi32, #tpu.memory_space<hbm>> -> memref<128xi32, #tpu.memory_space<hbm>>
      tpu.enqueue_dma source(%dma_start3A_193 : memref<128xi32, #tpu.memory_space<hbm>>) target(%arg7 : memref<128xi32, #tpu.memory_space<vmem>>) target_semaphore(%arg17 : memref<!tpu.dma_semaphore, #tpu.memory_space<semaphore_mem>>)
      %add3A_194 = arith.addi %multiple_of3A_12, %mul3A_190 : i32
      %dma_start3A_195 = tpu.memref_slice %arg4[%add3A_194] : memref<163840xi32, #tpu.memory_space<hbm>> -> memref<128xi32, #tpu.memory_space<hbm>>
      %dma_start3A_196 = tpu.memref_slice %arg4[%add3A_194] : memref<163840xi32, #tpu.memory_space<hbm>> -> memref<128xi32, #tpu.memory_space<hbm>>
      tpu.enqueue_dma source(%dma_start3A_196 : memref<128xi32, #tpu.memory_space<hbm>>) target(%arg10 : memref<128xi32, #tpu.memory_space<vmem>>) target_semaphore(%arg17 : memref<!tpu.dma_semaphore, #tpu.memory_space<semaphore_mem>>)
      %dma_wait3A_197 = arith.constant 0 : i32
      %dma_wait3A_198 = arith.constant 0 : i32
      %dma_wait3A_199 = tpu.memref_slice %arg16[%dma_wait3A_197, %dma_wait3A_198] : memref<10112x128xf32, #tpu.memory_space<vmem_shared>> -> memref<10112x128xf32, #tpu.memory_space<vmem_shared>>
      tpu.wait_indirect_dma semaphore(%arg24 : memref<!tpu.dma_semaphore, #tpu.memory_space<semaphore_mem>>) src(%arg14 : memref<128x128xf32, #tpu.memory_space<vmem>>) dst(%dma_wait3A_199 : memref<10112x128xf32, #tpu.memory_space<vmem_shared>>)
      %add3A_200 = arith.constant 3 : i32
      %add3A_201 = arith.addi %mul3A_163, %add3A_200 : i32
      %add3A_202 = arith.constant 1 : i32
      %add3A_203 = arith.addi %add3A_201, %add3A_202 : i32
      %mul3A_204 = arith.constant 128 : i32
      %mul3A_205 = arith.muli %add3A_203, %mul3A_204 : i32
      %add3A_206 = arith.addi %multiple_of3A_7, %mul3A_205 : i32
      %dma_start3A_207 = tpu.memref_slice %arg3[%add3A_206] : memref<327680xi32, #tpu.memory_space<hbm>> -> memref<128xi32, #tpu.memory_space<hbm>>
      %dma_start3A_208 = tpu.memref_slice %arg3[%add3A_206] : memref<327680xi32, #tpu.memory_space<hbm>> -> memref<128xi32, #tpu.memory_space<hbm>>
      tpu.enqueue_dma source(%dma_start3A_208 : memref<128xi32, #tpu.memory_space<hbm>>) target(%arg8 : memref<128xi32, #tpu.memory_space<vmem>>) target_semaphore(%arg18 : memref<!tpu.dma_semaphore, #tpu.memory_space<semaphore_mem>>)
      %add3A_209 = arith.addi %multiple_of3A_12, %mul3A_205 : i32
      %dma_start3A_210 = tpu.memref_slice %arg4[%add3A_209] : memref<163840xi32, #tpu.memory_space<hbm>> -> memref<128xi32, #tpu.memory_space<hbm>>
      %dma_start3A_211 = tpu.memref_slice %arg4[%add3A_209] : memref<163840xi32, #tpu.memory_space<hbm>> -> memref<128xi32, #tpu.memory_space<hbm>>
      tpu.enqueue_dma source(%dma_start3A_211 : memref<128xi32, #tpu.memory_space<hbm>>) target(%arg11 : memref<128xi32, #tpu.memory_space<vmem>>) target_semaphore(%arg18 : memref<!tpu.dma_semaphore, #tpu.memory_space<semaphore_mem>>)
      %dma_wait3A_212 = arith.constant 0 : i32
      %dma_wait3A_213 = arith.constant 0 : i32
      %dma_wait3A_214 = tpu.memref_slice %arg16[%dma_wait3A_212, %dma_wait3A_213] : memref<10112x128xf32, #tpu.memory_space<vmem_shared>> -> memref<10112x128xf32, #tpu.memory_space<vmem_shared>>
      tpu.wait_indirect_dma semaphore(%arg25 : memref<!tpu.dma_semaphore, #tpu.memory_space<semaphore_mem>>) src(%arg15 : memref<128x128xf32, #tpu.memory_space<vmem>>) dst(%dma_wait3A_214 : memref<10112x128xf32, #tpu.memory_space<vmem_shared>>)
      %add3A_215 = arith.constant 3 : i32
      %add3A_216 = arith.addi %mul3A_163, %add3A_215 : i32
      %add3A_217 = arith.constant 2 : i32
      %add3A_218 = arith.addi %add3A_216, %add3A_217 : i32
      %mul3A_219 = arith.constant 128 : i32
      %mul3A_220 = arith.muli %add3A_218, %mul3A_219 : i32
      %add3A_221 = arith.addi %multiple_of3A_7, %mul3A_220 : i32
      %dma_start3A_222 = tpu.memref_slice %arg3[%add3A_221] : memref<327680xi32, #tpu.memory_space<hbm>> -> memref<128xi32, #tpu.memory_space<hbm>>
      %dma_start3A_223 = tpu.memref_slice %arg3[%add3A_221] : memref<327680xi32, #tpu.memory_space<hbm>> -> memref<128xi32, #tpu.memory_space<hbm>>
      tpu.enqueue_dma source(%dma_start3A_223 : memref<128xi32, #tpu.memory_space<hbm>>) target(%arg9 : memref<128xi32, #tpu.memory_space<vmem>>) target_semaphore(%arg19 : memref<!tpu.dma_semaphore, #tpu.memory_space<semaphore_mem>>)
      %add3A_224 = arith.addi %multiple_of3A_12, %mul3A_220 : i32
      %dma_start3A_225 = tpu.memref_slice %arg4[%add3A_224] : memref<163840xi32, #tpu.memory_space<hbm>> -> memref<128xi32, #tpu.memory_space<hbm>>
      %dma_start3A_226 = tpu.memref_slice %arg4[%add3A_224] : memref<163840xi32, #tpu.memory_space<hbm>> -> memref<128xi32, #tpu.memory_space<hbm>>
      tpu.enqueue_dma source(%dma_start3A_226 : memref<128xi32, #tpu.memory_space<hbm>>) target(%arg12 : memref<128xi32, #tpu.memory_space<vmem>>) target_semaphore(%arg19 : memref<!tpu.dma_semaphore, #tpu.memory_space<semaphore_mem>>)
      %add3A_227 = arith.constant 3 : i32
      %add3A_228 = arith.addi %mul3A_163, %add3A_227 : i32
      %add3A_229 = arith.constant 0 : i32
      %add3A_230 = arith.addi %add3A_228, %add3A_229 : i32
      %mul3A_231 = arith.constant 128 : i32
      %mul3A_232 = arith.muli %add3A_230, %mul3A_231 : i32
      %add3A_233 = arith.addi %multiple_of3A_7, %mul3A_232 : i32
      %dma_wait3A_234 = tpu.memref_slice %arg3[%add3A_233] : memref<327680xi32, #tpu.memory_space<hbm>> -> memref<128xi32, #tpu.memory_space<hbm>>
      %dma_wait3A_235 = tpu.memref_slice %arg3[%add3A_233] : memref<327680xi32, #tpu.memory_space<hbm>> -> memref<128xi32, #tpu.memory_space<hbm>>
      tpu.wait_dma2 semaphore(%arg17 : memref<!tpu.dma_semaphore, #tpu.memory_space<semaphore_mem>>) src(%dma_wait3A_235 : memref<128xi32, #tpu.memory_space<hbm>>) dst(%arg7 : memref<128xi32, #tpu.memory_space<vmem>>)
      %add3A_236 = arith.addi %multiple_of3A_12, %mul3A_232 : i32
      %dma_wait3A_237 = tpu.memref_slice %arg4[%add3A_236] : memref<163840xi32, #tpu.memory_space<hbm>> -> memref<128xi32, #tpu.memory_space<hbm>>
      %dma_wait3A_238 = tpu.memref_slice %arg4[%add3A_236] : memref<163840xi32, #tpu.memory_space<hbm>> -> memref<128xi32, #tpu.memory_space<hbm>>
      tpu.wait_dma2 semaphore(%arg17 : memref<!tpu.dma_semaphore, #tpu.memory_space<semaphore_mem>>) src(%dma_wait3A_238 : memref<128xi32, #tpu.memory_space<hbm>>) dst(%arg10 : memref<128xi32, #tpu.memory_space<vmem>>)
      %dma_start3A_239 = arith.constant 0 : i32
      %dma_start3A_240 = arith.constant 0 : i32
      %dma_start3A_241 = tpu.memref_slice %arg2[%dma_start3A_239, %dma_start3A_240] : memref<20000x128xf32, #tpu.memory_space<hbm>> -> memref<20000x128xf32, #tpu.memory_space<hbm>>
      tpu.enqueue_indirect_dma source(%dma_start3A_241 : memref<20000x128xf32, #tpu.memory_space<hbm>>) target(%arg13 : memref<128x128xf32, #tpu.memory_space<vmem>>) offsets(%arg7 : memref<128xi32, #tpu.memory_space<vmem>>) semaphore(%arg20 : memref<!tpu.dma_semaphore, #tpu.memory_space<semaphore_mem>>)
      %add3A_242 = arith.constant 3 : i32
      %add3A_243 = arith.addi %mul3A_163, %add3A_242 : i32
      %add3A_244 = arith.constant 1 : i32
      %add3A_245 = arith.addi %add3A_243, %add3A_244 : i32
      %mul3A_246 = arith.constant 128 : i32
      %mul3A_247 = arith.muli %add3A_245, %mul3A_246 : i32
      %add3A_248 = arith.addi %multiple_of3A_7, %mul3A_247 : i32
      %dma_wait3A_249 = tpu.memref_slice %arg3[%add3A_248] : memref<327680xi32, #tpu.memory_space<hbm>> -> memref<128xi32, #tpu.memory_space<hbm>>
      %dma_wait3A_250 = tpu.memref_slice %arg3[%add3A_248] : memref<327680xi32, #tpu.memory_space<hbm>> -> memref<128xi32, #tpu.memory_space<hbm>>
      tpu.wait_dma2 semaphore(%arg18 : memref<!tpu.dma_semaphore, #tpu.memory_space<semaphore_mem>>) src(%dma_wait3A_250 : memref<128xi32, #tpu.memory_space<hbm>>) dst(%arg8 : memref<128xi32, #tpu.memory_space<vmem>>)
      %add3A_251 = arith.addi %multiple_of3A_12, %mul3A_247 : i32
      %dma_wait3A_252 = tpu.memref_slice %arg4[%add3A_251] : memref<163840xi32, #tpu.memory_space<hbm>> -> memref<128xi32, #tpu.memory_space<hbm>>
      %dma_wait3A_253 = tpu.memref_slice %arg4[%add3A_251] : memref<163840xi32, #tpu.memory_space<hbm>> -> memref<128xi32, #tpu.memory_space<hbm>>
      tpu.wait_dma2 semaphore(%arg18 : memref<!tpu.dma_semaphore, #tpu.memory_space<semaphore_mem>>) src(%dma_wait3A_253 : memref<128xi32, #tpu.memory_space<hbm>>) dst(%arg11 : memref<128xi32, #tpu.memory_space<vmem>>)
      %dma_start3A_254 = arith.constant 0 : i32
      %dma_start3A_255 = arith.constant 0 : i32
      %dma_start3A_256 = tpu.memref_slice %arg2[%dma_start3A_254, %dma_start3A_255] : memref<20000x128xf32, #tpu.memory_space<hbm>> -> memref<20000x128xf32, #tpu.memory_space<hbm>>
      tpu.enqueue_indirect_dma source(%dma_start3A_256 : memref<20000x128xf32, #tpu.memory_space<hbm>>) target(%arg14 : memref<128x128xf32, #tpu.memory_space<vmem>>) offsets(%arg8 : memref<128xi32, #tpu.memory_space<vmem>>) semaphore(%arg21 : memref<!tpu.dma_semaphore, #tpu.memory_space<semaphore_mem>>)
      %add3A_257 = arith.constant 3 : i32
      %add3A_258 = arith.addi %mul3A_163, %add3A_257 : i32
      %add3A_259 = arith.constant 2 : i32
      %add3A_260 = arith.addi %add3A_258, %add3A_259 : i32
      %mul3A_261 = arith.constant 128 : i32
      %mul3A_262 = arith.muli %add3A_260, %mul3A_261 : i32
      %add3A_263 = arith.addi %multiple_of3A_7, %mul3A_262 : i32
      %dma_wait3A_264 = tpu.memref_slice %arg3[%add3A_263] : memref<327680xi32, #tpu.memory_space<hbm>> -> memref<128xi32, #tpu.memory_space<hbm>>
      %dma_wait3A_265 = tpu.memref_slice %arg3[%add3A_263] : memref<327680xi32, #tpu.memory_space<hbm>> -> memref<128xi32, #tpu.memory_space<hbm>>
      tpu.wait_dma2 semaphore(%arg19 : memref<!tpu.dma_semaphore, #tpu.memory_space<semaphore_mem>>) src(%dma_wait3A_265 : memref<128xi32, #tpu.memory_space<hbm>>) dst(%arg9 : memref<128xi32, #tpu.memory_space<vmem>>)
      %add3A_266 = arith.addi %multiple_of3A_12, %mul3A_262 : i32
      %dma_wait3A_267 = tpu.memref_slice %arg4[%add3A_266] : memref<163840xi32, #tpu.memory_space<hbm>> -> memref<128xi32, #tpu.memory_space<hbm>>
      %dma_wait3A_268 = tpu.memref_slice %arg4[%add3A_266] : memref<163840xi32, #tpu.memory_space<hbm>> -> memref<128xi32, #tpu.memory_space<hbm>>
      tpu.wait_dma2 semaphore(%arg19 : memref<!tpu.dma_semaphore, #tpu.memory_space<semaphore_mem>>) src(%dma_wait3A_268 : memref<128xi32, #tpu.memory_space<hbm>>) dst(%arg12 : memref<128xi32, #tpu.memory_space<vmem>>)
      %dma_start3A_269 = arith.constant 0 : i32
      %dma_start3A_270 = arith.constant 0 : i32
      %dma_start3A_271 = tpu.memref_slice %arg2[%dma_start3A_269, %dma_start3A_270] : memref<20000x128xf32, #tpu.memory_space<hbm>> -> memref<20000x128xf32, #tpu.memory_space<hbm>>
      tpu.enqueue_indirect_dma source(%dma_start3A_271 : memref<20000x128xf32, #tpu.memory_space<hbm>>) target(%arg15 : memref<128x128xf32, #tpu.memory_space<vmem>>) offsets(%arg9 : memref<128xi32, #tpu.memory_space<vmem>>) semaphore(%arg22 : memref<!tpu.dma_semaphore, #tpu.memory_space<semaphore_mem>>)
    }
    %scan3A_72 = arith.constant 25 : i32
    %dma_wait3A_73 = arith.constant 0 : i32
    %dma_wait3A_74 = arith.constant 0 : i32
    %dma_wait3A_75 = tpu.memref_slice %arg2[%dma_wait3A_73, %dma_wait3A_74] : memref<20000x128xf32, #tpu.memory_space<hbm>> -> memref<20000x128xf32, #tpu.memory_space<hbm>>
    tpu.wait_indirect_dma semaphore(%arg20 : memref<!tpu.dma_semaphore, #tpu.memory_space<semaphore_mem>>) src(%dma_wait3A_75 : memref<20000x128xf32, #tpu.memory_space<hbm>>) dst(%arg13 : memref<128x128xf32, #tpu.memory_space<vmem>>)
    %dma_start3A_76 = arith.constant 0 : i32
    %dma_start3A_77 = arith.constant 0 : i32
    %dma_start3A_78 = tpu.memref_slice %arg16[%dma_start3A_76, %dma_start3A_77] : memref<10112x128xf32, #tpu.memory_space<vmem_shared>> -> memref<10112x128xf32, #tpu.memory_space<vmem_shared>>
    tpu.enqueue_indirect_dma source(%arg13 : memref<128x128xf32, #tpu.memory_space<vmem>>) target(%dma_start3A_78 : memref<10112x128xf32, #tpu.memory_space<vmem_shared>>) offsets(%arg10 : memref<128xi32, #tpu.memory_space<vmem>>) semaphore(%arg23 : memref<!tpu.dma_semaphore, #tpu.memory_space<semaphore_mem>>) {add = true}
    %dma_wait3A_79 = arith.constant 0 : i32
    %dma_wait3A_80 = arith.constant 0 : i32
    %dma_wait3A_81 = tpu.memref_slice %arg2[%dma_wait3A_79, %dma_wait3A_80] : memref<20000x128xf32, #tpu.memory_space<hbm>> -> memref<20000x128xf32, #tpu.memory_space<hbm>>
    tpu.wait_indirect_dma semaphore(%arg21 : memref<!tpu.dma_semaphore, #tpu.memory_space<semaphore_mem>>) src(%dma_wait3A_81 : memref<20000x128xf32, #tpu.memory_space<hbm>>) dst(%arg14 : memref<128x128xf32, #tpu.memory_space<vmem>>)
    %dma_start3A_82 = arith.constant 0 : i32
    %dma_start3A_83 = arith.constant 0 : i32
    %dma_start3A_84 = tpu.memref_slice %arg16[%dma_start3A_82, %dma_start3A_83] : memref<10112x128xf32, #tpu.memory_space<vmem_shared>> -> memref<10112x128xf32, #tpu.memory_space<vmem_shared>>
    tpu.enqueue_indirect_dma source(%arg14 : memref<128x128xf32, #tpu.memory_space<vmem>>) target(%dma_start3A_84 : memref<10112x128xf32, #tpu.memory_space<vmem_shared>>) offsets(%arg11 : memref<128xi32, #tpu.memory_space<vmem>>) semaphore(%arg24 : memref<!tpu.dma_semaphore, #tpu.memory_space<semaphore_mem>>) {add = true}
    %dma_wait3A_85 = arith.constant 0 : i32
    %dma_wait3A_86 = arith.constant 0 : i32
    %dma_wait3A_87 = tpu.memref_slice %arg2[%dma_wait3A_85, %dma_wait3A_86] : memref<20000x128xf32, #tpu.memory_space<hbm>> -> memref<20000x128xf32, #tpu.memory_space<hbm>>
    tpu.wait_indirect_dma semaphore(%arg22 : memref<!tpu.dma_semaphore, #tpu.memory_space<semaphore_mem>>) src(%dma_wait3A_87 : memref<20000x128xf32, #tpu.memory_space<hbm>>) dst(%arg15 : memref<128x128xf32, #tpu.memory_space<vmem>>)
    %dma_start3A_88 = arith.constant 0 : i32
    %dma_start3A_89 = arith.constant 0 : i32
    %dma_start3A_90 = tpu.memref_slice %arg16[%dma_start3A_88, %dma_start3A_89] : memref<10112x128xf32, #tpu.memory_space<vmem_shared>> -> memref<10112x128xf32, #tpu.memory_space<vmem_shared>>
    tpu.enqueue_indirect_dma source(%arg15 : memref<128x128xf32, #tpu.memory_space<vmem>>) target(%dma_start3A_90 : memref<10112x128xf32, #tpu.memory_space<vmem_shared>>) offsets(%arg12 : memref<128xi32, #tpu.memory_space<vmem>>) semaphore(%arg25 : memref<!tpu.dma_semaphore, #tpu.memory_space<semaphore_mem>>) {add = true}
    %dma_wait3A_91 = arith.constant 0 : i32
    %dma_wait3A_92 = arith.constant 0 : i32
    %dma_wait3A_93 = tpu.memref_slice %arg16[%dma_wait3A_91, %dma_wait3A_92] : memref<10112x128xf32, #tpu.memory_space<vmem_shared>> -> memref<10112x128xf32, #tpu.memory_space<vmem_shared>>
    tpu.wait_indirect_dma semaphore(%arg23 : memref<!tpu.dma_semaphore, #tpu.memory_space<semaphore_mem>>) src(%arg13 : memref<128x128xf32, #tpu.memory_space<vmem>>) dst(%dma_wait3A_93 : memref<10112x128xf32, #tpu.memory_space<vmem_shared>>)
    %add3A_94 = arith.constant 9984 : i32
    %add3A_95 = arith.addi %multiple_of3A_7, %add3A_94 : i32
    %dma_start3A_96 = tpu.memref_slice %arg3[%add3A_95] : memref<327680xi32, #tpu.memory_space<hbm>> -> memref<128xi32, #tpu.memory_space<hbm>>
    %dma_start3A_97 = tpu.memref_slice %arg3[%add3A_95] : memref<327680xi32, #tpu.memory_space<hbm>> -> memref<128xi32, #tpu.memory_space<hbm>>
    tpu.enqueue_dma source(%dma_start3A_97 : memref<128xi32, #tpu.memory_space<hbm>>) target(%arg7 : memref<128xi32, #tpu.memory_space<vmem>>) target_semaphore(%arg17 : memref<!tpu.dma_semaphore, #tpu.memory_space<semaphore_mem>>)
    %add3A_98 = arith.constant 9984 : i32
    %add3A_99 = arith.addi %multiple_of3A_12, %add3A_98 : i32
    %dma_start3A_100 = tpu.memref_slice %arg4[%add3A_99] : memref<163840xi32, #tpu.memory_space<hbm>> -> memref<128xi32, #tpu.memory_space<hbm>>
    %dma_start3A_101 = tpu.memref_slice %arg4[%add3A_99] : memref<163840xi32, #tpu.memory_space<hbm>> -> memref<128xi32, #tpu.memory_space<hbm>>
    tpu.enqueue_dma source(%dma_start3A_101 : memref<128xi32, #tpu.memory_space<hbm>>) target(%arg10 : memref<128xi32, #tpu.memory_space<vmem>>) target_semaphore(%arg17 : memref<!tpu.dma_semaphore, #tpu.memory_space<semaphore_mem>>)
    %dma_wait3A_102 = arith.constant 0 : i32
    %dma_wait3A_103 = arith.constant 0 : i32
    %dma_wait3A_104 = tpu.memref_slice %arg16[%dma_wait3A_102, %dma_wait3A_103] : memref<10112x128xf32, #tpu.memory_space<vmem_shared>> -> memref<10112x128xf32, #tpu.memory_space<vmem_shared>>
    tpu.wait_indirect_dma semaphore(%arg24 : memref<!tpu.dma_semaphore, #tpu.memory_space<semaphore_mem>>) src(%arg14 : memref<128x128xf32, #tpu.memory_space<vmem>>) dst(%dma_wait3A_104 : memref<10112x128xf32, #tpu.memory_space<vmem_shared>>)
    %add3A_105 = arith.constant 10112 : i32
    %add3A_106 = arith.addi %multiple_of3A_7, %add3A_105 : i32
    %dma_start3A_107 = tpu.memref_slice %arg3[%add3A_106] : memref<327680xi32, #tpu.memory_space<hbm>> -> memref<128xi32, #tpu.memory_space<hbm>>
    %dma_start3A_108 = tpu.memref_slice %arg3[%add3A_106] : memref<327680xi32, #tpu.memory_space<hbm>> -> memref<128xi32, #tpu.memory_space<hbm>>
    tpu.enqueue_dma source(%dma_start3A_108 : memref<128xi32, #tpu.memory_space<hbm>>) target(%arg8 : memref<128xi32, #tpu.memory_space<vmem>>) target_semaphore(%arg18 : memref<!tpu.dma_semaphore, #tpu.memory_space<semaphore_mem>>)
    %add3A_109 = arith.constant 10112 : i32
    %add3A_110 = arith.addi %multiple_of3A_12, %add3A_109 : i32
    %dma_start3A_111 = tpu.memref_slice %arg4[%add3A_110] : memref<163840xi32, #tpu.memory_space<hbm>> -> memref<128xi32, #tpu.memory_space<hbm>>
    %dma_start3A_112 = tpu.memref_slice %arg4[%add3A_110] : memref<163840xi32, #tpu.memory_space<hbm>> -> memref<128xi32, #tpu.memory_space<hbm>>
    tpu.enqueue_dma source(%dma_start3A_112 : memref<128xi32, #tpu.memory_space<hbm>>) target(%arg11 : memref<128xi32, #tpu.memory_space<vmem>>) target_semaphore(%arg18 : memref<!tpu.dma_semaphore, #tpu.memory_space<semaphore_mem>>)
    %dma_wait3A_113 = arith.constant 0 : i32
    %dma_wait3A_114 = arith.constant 0 : i32
    %dma_wait3A_115 = tpu.memref_slice %arg16[%dma_wait3A_113, %dma_wait3A_114] : memref<10112x128xf32, #tpu.memory_space<vmem_shared>> -> memref<10112x128xf32, #tpu.memory_space<vmem_shared>>
    tpu.wait_indirect_dma semaphore(%arg25 : memref<!tpu.dma_semaphore, #tpu.memory_space<semaphore_mem>>) src(%arg15 : memref<128x128xf32, #tpu.memory_space<vmem>>) dst(%dma_wait3A_115 : memref<10112x128xf32, #tpu.memory_space<vmem_shared>>)
    %add3A_116 = arith.constant 9984 : i32
    %add3A_117 = arith.addi %multiple_of3A_7, %add3A_116 : i32
    %dma_wait3A_118 = tpu.memref_slice %arg3[%add3A_117] : memref<327680xi32, #tpu.memory_space<hbm>> -> memref<128xi32, #tpu.memory_space<hbm>>
    %dma_wait3A_119 = tpu.memref_slice %arg3[%add3A_117] : memref<327680xi32, #tpu.memory_space<hbm>> -> memref<128xi32, #tpu.memory_space<hbm>>
    tpu.wait_dma2 semaphore(%arg17 : memref<!tpu.dma_semaphore, #tpu.memory_space<semaphore_mem>>) src(%dma_wait3A_119 : memref<128xi32, #tpu.memory_space<hbm>>) dst(%arg7 : memref<128xi32, #tpu.memory_space<vmem>>)
    %add3A_120 = arith.constant 9984 : i32
    %add3A_121 = arith.addi %multiple_of3A_12, %add3A_120 : i32
    %dma_wait3A_122 = tpu.memref_slice %arg4[%add3A_121] : memref<163840xi32, #tpu.memory_space<hbm>> -> memref<128xi32, #tpu.memory_space<hbm>>
    %dma_wait3A_123 = tpu.memref_slice %arg4[%add3A_121] : memref<163840xi32, #tpu.memory_space<hbm>> -> memref<128xi32, #tpu.memory_space<hbm>>
    tpu.wait_dma2 semaphore(%arg17 : memref<!tpu.dma_semaphore, #tpu.memory_space<semaphore_mem>>) src(%dma_wait3A_123 : memref<128xi32, #tpu.memory_space<hbm>>) dst(%arg10 : memref<128xi32, #tpu.memory_space<vmem>>)
    %dma_start3A_124 = arith.constant 0 : i32
    %dma_start3A_125 = arith.constant 0 : i32
    %dma_start3A_126 = tpu.memref_slice %arg2[%dma_start3A_124, %dma_start3A_125] : memref<20000x128xf32, #tpu.memory_space<hbm>> -> memref<20000x128xf32, #tpu.memory_space<hbm>>
    tpu.enqueue_indirect_dma source(%dma_start3A_126 : memref<20000x128xf32, #tpu.memory_space<hbm>>) target(%arg13 : memref<128x128xf32, #tpu.memory_space<vmem>>) offsets(%arg7 : memref<128xi32, #tpu.memory_space<vmem>>) semaphore(%arg20 : memref<!tpu.dma_semaphore, #tpu.memory_space<semaphore_mem>>)
    %add3A_127 = arith.constant 10112 : i32
    %add3A_128 = arith.addi %multiple_of3A_7, %add3A_127 : i32
    %dma_wait3A_129 = tpu.memref_slice %arg3[%add3A_128] : memref<327680xi32, #tpu.memory_space<hbm>> -> memref<128xi32, #tpu.memory_space<hbm>>
    %dma_wait3A_130 = tpu.memref_slice %arg3[%add3A_128] : memref<327680xi32, #tpu.memory_space<hbm>> -> memref<128xi32, #tpu.memory_space<hbm>>
    tpu.wait_dma2 semaphore(%arg18 : memref<!tpu.dma_semaphore, #tpu.memory_space<semaphore_mem>>) src(%dma_wait3A_130 : memref<128xi32, #tpu.memory_space<hbm>>) dst(%arg8 : memref<128xi32, #tpu.memory_space<vmem>>)
    %add3A_131 = arith.constant 10112 : i32
    %add3A_132 = arith.addi %multiple_of3A_12, %add3A_131 : i32
    %dma_wait3A_133 = tpu.memref_slice %arg4[%add3A_132] : memref<163840xi32, #tpu.memory_space<hbm>> -> memref<128xi32, #tpu.memory_space<hbm>>
    %dma_wait3A_134 = tpu.memref_slice %arg4[%add3A_132] : memref<163840xi32, #tpu.memory_space<hbm>> -> memref<128xi32, #tpu.memory_space<hbm>>
    tpu.wait_dma2 semaphore(%arg18 : memref<!tpu.dma_semaphore, #tpu.memory_space<semaphore_mem>>) src(%dma_wait3A_134 : memref<128xi32, #tpu.memory_space<hbm>>) dst(%arg11 : memref<128xi32, #tpu.memory_space<vmem>>)
    %dma_start3A_135 = arith.constant 0 : i32
    %dma_start3A_136 = arith.constant 0 : i32
    %dma_start3A_137 = tpu.memref_slice %arg2[%dma_start3A_135, %dma_start3A_136] : memref<20000x128xf32, #tpu.memory_space<hbm>> -> memref<20000x128xf32, #tpu.memory_space<hbm>>
    tpu.enqueue_indirect_dma source(%dma_start3A_137 : memref<20000x128xf32, #tpu.memory_space<hbm>>) target(%arg14 : memref<128x128xf32, #tpu.memory_space<vmem>>) offsets(%arg8 : memref<128xi32, #tpu.memory_space<vmem>>) semaphore(%arg21 : memref<!tpu.dma_semaphore, #tpu.memory_space<semaphore_mem>>)
    %dma_wait3A_138 = arith.constant 0 : i32
    %dma_wait3A_139 = arith.constant 0 : i32
    %dma_wait3A_140 = tpu.memref_slice %arg2[%dma_wait3A_138, %dma_wait3A_139] : memref<20000x128xf32, #tpu.memory_space<hbm>> -> memref<20000x128xf32, #tpu.memory_space<hbm>>
    tpu.wait_indirect_dma semaphore(%arg20 : memref<!tpu.dma_semaphore, #tpu.memory_space<semaphore_mem>>) src(%dma_wait3A_140 : memref<20000x128xf32, #tpu.memory_space<hbm>>) dst(%arg13 : memref<128x128xf32, #tpu.memory_space<vmem>>)
    %dma_start3A_141 = arith.constant 0 : i32
    %dma_start3A_142 = arith.constant 0 : i32
    %dma_start3A_143 = tpu.memref_slice %arg16[%dma_start3A_141, %dma_start3A_142] : memref<10112x128xf32, #tpu.memory_space<vmem_shared>> -> memref<10112x128xf32, #tpu.memory_space<vmem_shared>>
    tpu.enqueue_indirect_dma source(%arg13 : memref<128x128xf32, #tpu.memory_space<vmem>>) target(%dma_start3A_143 : memref<10112x128xf32, #tpu.memory_space<vmem_shared>>) offsets(%arg10 : memref<128xi32, #tpu.memory_space<vmem>>) semaphore(%arg23 : memref<!tpu.dma_semaphore, #tpu.memory_space<semaphore_mem>>) {add = true}
    %dma_wait3A_144 = arith.constant 0 : i32
    %dma_wait3A_145 = arith.constant 0 : i32
    %dma_wait3A_146 = tpu.memref_slice %arg2[%dma_wait3A_144, %dma_wait3A_145] : memref<20000x128xf32, #tpu.memory_space<hbm>> -> memref<20000x128xf32, #tpu.memory_space<hbm>>
    tpu.wait_indirect_dma semaphore(%arg21 : memref<!tpu.dma_semaphore, #tpu.memory_space<semaphore_mem>>) src(%dma_wait3A_146 : memref<20000x128xf32, #tpu.memory_space<hbm>>) dst(%arg14 : memref<128x128xf32, #tpu.memory_space<vmem>>)
    %dma_start3A_147 = arith.constant 0 : i32
    %dma_start3A_148 = arith.constant 0 : i32
    %dma_start3A_149 = tpu.memref_slice %arg16[%dma_start3A_147, %dma_start3A_148] : memref<10112x128xf32, #tpu.memory_space<vmem_shared>> -> memref<10112x128xf32, #tpu.memory_space<vmem_shared>>
    tpu.enqueue_indirect_dma source(%arg14 : memref<128x128xf32, #tpu.memory_space<vmem>>) target(%dma_start3A_149 : memref<10112x128xf32, #tpu.memory_space<vmem_shared>>) offsets(%arg11 : memref<128xi32, #tpu.memory_space<vmem>>) semaphore(%arg24 : memref<!tpu.dma_semaphore, #tpu.memory_space<semaphore_mem>>) {add = true}
    %dma_wait3A_150 = arith.constant 0 : i32
    %dma_wait3A_151 = arith.constant 0 : i32
    %dma_wait3A_152 = tpu.memref_slice %arg16[%dma_wait3A_150, %dma_wait3A_151] : memref<10112x128xf32, #tpu.memory_space<vmem_shared>> -> memref<10112x128xf32, #tpu.memory_space<vmem_shared>>
    tpu.wait_indirect_dma semaphore(%arg23 : memref<!tpu.dma_semaphore, #tpu.memory_space<semaphore_mem>>) src(%arg13 : memref<128x128xf32, #tpu.memory_space<vmem>>) dst(%dma_wait3A_152 : memref<10112x128xf32, #tpu.memory_space<vmem_shared>>)
    %dma_wait3A_153 = arith.constant 0 : i32
    %dma_wait3A_154 = arith.constant 0 : i32
    %dma_wait3A_155 = tpu.memref_slice %arg16[%dma_wait3A_153, %dma_wait3A_154] : memref<10112x128xf32, #tpu.memory_space<vmem_shared>> -> memref<10112x128xf32, #tpu.memory_space<vmem_shared>>
    tpu.wait_indirect_dma semaphore(%arg24 : memref<!tpu.dma_semaphore, #tpu.memory_space<semaphore_mem>>) src(%arg14 : memref<128x128xf32, #tpu.memory_space<vmem>>) dst(%dma_wait3A_155 : memref<10112x128xf32, #tpu.memory_space<vmem_shared>>)
    %barrier3A_156 = arith.constant 0 : index
    tpu.barrier barrier_id(%barrier3A_156)
    %mul3A_157 = arith.constant 10112 : i32
    %mul3A_158 = arith.muli %arg0, %mul3A_157 : i32
    %add3A_159 = arith.addi %mul3A_158, %multiple_of3A : i32
    %multiple_of3A_160 = tpu.assume_multiple %add3A_159, 8 : i32
    "tpu.region"() ({
      %run_scoped3A = tpu.sem_alloc : memref<!tpu.dma_semaphore, #tpu.memory_space<semaphore_mem>>
      %dma_start3A_161 = arith.constant 0 : i32
      %dma_start3A_162 = tpu.memref_slice %arg6[%multiple_of3A_160, %dma_start3A_161] : memref<20224x128xf32, #tpu.memory_space<hbm>> -> memref<632x128xf32, #tpu.memory_space<hbm>>
      %dma_start3A_163 = arith.constant 0 : i32
      %dma_start3A_164 = tpu.memref_slice %arg16[%multiple_of3A, %dma_start3A_163] : memref<10112x128xf32, #tpu.memory_space<vmem_shared>> -> memref<632x128xf32, #tpu.memory_space<vmem_shared>>
      tpu.enqueue_dma source(%dma_start3A_164 : memref<632x128xf32, #tpu.memory_space<vmem_shared>>) target(%dma_start3A_162 : memref<632x128xf32, #tpu.memory_space<hbm>>) target_semaphore(%run_scoped3A : memref<!tpu.dma_semaphore, #tpu.memory_space<semaphore_mem>>)
      %dma_wait3A_165 = arith.constant 0 : i32
      %dma_wait3A_166 = tpu.memref_slice %arg6[%multiple_of3A_160, %dma_wait3A_165] : memref<20224x128xf32, #tpu.memory_space<hbm>> -> memref<632x128xf32, #tpu.memory_space<hbm>>
      %dma_wait3A_167 = arith.constant 0 : i32
      %dma_wait3A_168 = tpu.memref_slice %arg16[%multiple_of3A, %dma_wait3A_167] : memref<10112x128xf32, #tpu.memory_space<vmem_shared>> -> memref<632x128xf32, #tpu.memory_space<vmem_shared>>
      tpu.wait_dma2 semaphore(%run_scoped3A : memref<!tpu.dma_semaphore, #tpu.memory_space<semaphore_mem>>) src(%dma_wait3A_168 : memref<632x128xf32, #tpu.memory_space<vmem_shared>>) dst(%dma_wait3A_166 : memref<632x128xf32, #tpu.memory_space<hbm>>)
      tpu.yield
    }) : () -> ()
    return
  }
}

module attributes {stable_mosaic.version = 14 : i64} {
  func.func @_combine_body_last(%arg0: i32, %arg1: memref<1x1000x128xf32, #tpu.memory_space<vmem>>, %arg2: memref<1x1000x128xf32, #tpu.memory_space<vmem>>, %arg3: memref<1x1000x128xf32, #tpu.memory_space<vmem>>, %arg4: memref<1x1000x128xf32, #tpu.memory_space<vmem>>, %arg5: memref<1000x128xf32, #tpu.memory_space<vmem>>, %arg6: memref<1000x128xf32, #tpu.memory_space<vmem>>, %arg7: memref<256x256xf32, #tpu.memory_space<vmem>>, %arg8: memref<256x256xf32, #tpu.memory_space<vmem>>, %arg9: memref<1x256xf32, #tpu.memory_space<vmem>>, %arg10: memref<1000x256xf32, #tpu.memory_space<vmem>>) attributes {dimension_semantics = [#tpu.dimension_semantics<arbitrary>], iteration_bounds = array<i64: 10>, scalar_prefetch = 0 : i64, scratch_operands = 0 : i64, tpu.core_type = #tpu.core_type<tc>, window_params = [{transform_indices = @transform_0, window_bounds = array<i64: 1, 1000, 128>}, {transform_indices = @transform_1, window_bounds = array<i64: 1, 1000, 128>}, {transform_indices = @transform_2, window_bounds = array<i64: 1, 1000, 128>}, {transform_indices = @transform_3, window_bounds = array<i64: 1, 1000, 128>}, {transform_indices = @transform_4, window_bounds = array<i64: 1000, 128>}, {transform_indices = @transform_5, window_bounds = array<i64: 1000, 128>}, {pipeline_mode = #tpu.pipeline_mode<synchronous>, transform_indices = @transform_6, window_bounds = array<i64: 256, 256>}, {pipeline_mode = #tpu.pipeline_mode<synchronous>, transform_indices = @transform_7, window_bounds = array<i64: 256, 256>}, {pipeline_mode = #tpu.pipeline_mode<synchronous>, transform_indices = @transform_8, window_bounds = array<i64: 1, 256>}, {transform_indices = @transform_9, window_bounds = array<i64: 1000, 256>}]} {
    %get3A = arith.constant 0 : index
    %get3A_0 = arith.constant 0 : index
    %get3A_1 = arith.constant 0 : index
    %get3A_2 = vector.load %arg1[%get3A, %get3A_0, %get3A_1] : memref<1x1000x128xf32, #tpu.memory_space<vmem>>, vector<1x1000x128xf32>
    %get3A_3 = vector.shape_cast %get3A_2 : vector<1x1000x128xf32> to vector<1000x128xf32>
    %get3A_4 = arith.constant 0 : index
    %get3A_5 = arith.constant 0 : index
    %get3A_6 = arith.constant 0 : index
    %get3A_7 = vector.load %arg2[%get3A_4, %get3A_5, %get3A_6] : memref<1x1000x128xf32, #tpu.memory_space<vmem>>, vector<1x1000x128xf32>
    %get3A_8 = vector.shape_cast %get3A_7 : vector<1x1000x128xf32> to vector<1000x128xf32>
    %concatenate3A = tpu.concatenate %get3A_3, %get3A_8 in 1 : vector<1000x128xf32>, vector<1000x128xf32> -> vector<1000x256xf32>
    %get3A_9 = arith.constant 0 : index
    %get3A_10 = arith.constant 0 : index
    %get3A_11 = vector.load %arg5[%get3A_9, %get3A_10] : memref<1000x128xf32, #tpu.memory_space<vmem>>, vector<1000x128xf32>
    %get3A_12 = arith.constant 0 : index
    %get3A_13 = arith.constant 0 : index
    %get3A_14 = vector.load %arg6[%get3A_12, %get3A_13] : memref<1000x128xf32, #tpu.memory_space<vmem>>, vector<1000x128xf32>
    %concatenate3A_15 = tpu.concatenate %get3A_11, %get3A_14 in 1 : vector<1000x128xf32>, vector<1000x128xf32> -> vector<1000x256xf32>
    %get3A_16 = arith.constant 0 : index
    %get3A_17 = arith.constant 0 : index
    %get3A_18 = arith.constant 0 : index
    %get3A_19 = vector.load %arg3[%get3A_16, %get3A_17, %get3A_18] : memref<1x1000x128xf32, #tpu.memory_space<vmem>>, vector<1x1000x1xf32>
    %get3A_20 = vector.shape_cast %get3A_19 : vector<1x1000x1xf32> to vector<1000x1xf32>
    %get3A_21 = arith.constant 0 : index
    %get3A_22 = arith.constant 0 : index
    %get3A_23 = arith.constant 0 : index
    %get3A_24 = vector.load %arg4[%get3A_21, %get3A_22, %get3A_23] : memref<1x1000x128xf32, #tpu.memory_space<vmem>>, vector<1x1000x1xf32>
    %get3A_25 = vector.shape_cast %get3A_24 : vector<1x1000x1xf32> to vector<1000x1xf32>
    %add3A = arith.addf %get3A_20, %get3A_25 : vector<1000x1xf32>
    %max3A = arith.constant 1.000000e+00 : f32
    %max3A_26 = vector.broadcast %max3A : f32 to vector<1000x1xf32>
    %max3A_27 = arith.maximumf %add3A, %max3A_26 : vector<1000x1xf32>
    %div3A = arith.constant 1.000000e+00 : f32
    %div3A_28 = vector.broadcast %div3A : f32 to vector<1000x1xf32>
    %div3A_29 = arith.divf %div3A_28, %max3A_27 : vector<1000x1xf32>
    %get3A_30 = arith.constant 0 : index
    %get3A_31 = arith.constant 0 : index
    %get3A_32 = vector.load %arg7[%get3A_30, %get3A_31] : memref<256x256xf32, #tpu.memory_space<vmem>>, vector<256x256xf32>
    %dot_general3A = arith.constant dense<0.000000e+00> : vector<1000x256xf32>
    %dot_general3A_33 = tpu.matmul %concatenate3A, %get3A_32, %dot_general3A {dimension_numbers = #tpu.dot_dimension_numbers<[1], [0], [0], [1], [0, 0, 1, 1], [], []>, transpose_lhs_hint = false} : vector<1000x256xf32>, vector<256x256xf32>, vector<1000x256xf32> -> vector<1000x256xf32>
    %mul3A = vector.broadcast %div3A_29 : vector<1000x1xf32> to vector<1000x256xf32>
    %mul3A_34 = arith.mulf %dot_general3A_33, %mul3A : vector<1000x256xf32>
    %get3A_35 = arith.constant 0 : index
    %get3A_36 = arith.constant 0 : index
    %get3A_37 = vector.load %arg9[%get3A_35, %get3A_36] : memref<1x256xf32, #tpu.memory_space<vmem>>, vector<1x256xf32>
    %add3A_38 = vector.broadcast %get3A_37 : vector<1x256xf32> to vector<1000x256xf32>
    %add3A_39 = arith.addf %mul3A_34, %add3A_38 : vector<1000x256xf32>
    %get3A_40 = arith.constant 0 : index
    %get3A_41 = arith.constant 0 : index
    %get3A_42 = vector.load %arg8[%get3A_40, %get3A_41] : memref<256x256xf32, #tpu.memory_space<vmem>>, vector<256x256xf32>
    %dot_general3A_43 = arith.constant dense<0.000000e+00> : vector<1000x256xf32>
    %dot_general3A_44 = tpu.matmul %concatenate3A_15, %get3A_42, %dot_general3A_43 {dimension_numbers = #tpu.dot_dimension_numbers<[1], [0], [0], [1], [0, 0, 1, 1], [], []>, transpose_lhs_hint = false} : vector<1000x256xf32>, vector<256x256xf32>, vector<1000x256xf32> -> vector<1000x256xf32>
    %add3A_45 = arith.addf %add3A_39, %dot_general3A_44 : vector<1000x256xf32>
    %swap3A = arith.constant 0 : index
    %swap3A_46 = arith.constant 0 : index
    %swap3A_47 = vector.load %arg10[%swap3A, %swap3A_46] : memref<1000x256xf32, #tpu.memory_space<vmem>>, vector<1000x256xf32>
    tpu.vector_store %arg10[%swap3A, %swap3A_46], %add3A_45 {strides = array<i32>} : memref<1000x256xf32, #tpu.memory_space<vmem>>, vector<1000x256xf32>,
    return
  }
  func.func @transform_0(%arg0: i32) -> (i32, i32, i32) {
    %c0_i32 = arith.constant 0 : i32
    %c0_i32_0 = arith.constant 0 : i32
    %c0_i32_1 = arith.constant 0 : i32
    return %c0_i32, %arg0, %c0_i32_0 : i32, i32, i32
  }
  func.func @transform_1(%arg0: i32) -> (i32, i32, i32) {
    %c1_i32 = arith.constant 1 : i32
    %c0_i32 = arith.constant 0 : i32
    %c0_i32_0 = arith.constant 0 : i32
    return %c1_i32, %arg0, %c0_i32 : i32, i32, i32
  }
  func.func @transform_2(%arg0: i32) -> (i32, i32, i32) {
    %c0_i32 = arith.constant 0 : i32
    %c0_i32_0 = arith.constant 0 : i32
    %c0_i32_1 = arith.constant 0 : i32
    return %c0_i32, %arg0, %c0_i32_0 : i32, i32, i32
  }
  func.func @transform_3(%arg0: i32) -> (i32, i32, i32) {
    %c1_i32 = arith.constant 1 : i32
    %c0_i32 = arith.constant 0 : i32
    %c0_i32_0 = arith.constant 0 : i32
    return %c1_i32, %arg0, %c0_i32 : i32, i32, i32
  }
  func.func @transform_4(%arg0: i32) -> (i32, i32) {
    %c0_i32 = arith.constant 0 : i32
    %c0_i32_0 = arith.constant 0 : i32
    return %arg0, %c0_i32 : i32, i32
  }
  func.func @transform_5(%arg0: i32) -> (i32, i32) {
    %add3A = arith.constant 10 : i32
    %add3A_0 = arith.addi %arg0, %add3A : i32
    %c0_i32 = arith.constant 0 : i32
    %c0_i32_1 = arith.constant 0 : i32
    return %add3A_0, %c0_i32 : i32, i32
  }
  func.func @transform_6(%arg0: i32) -> (i32, i32) {
    %c0_i32 = arith.constant 0 : i32
    %c0_i32_0 = arith.constant 0 : i32
    %c0_i32_1 = arith.constant 0 : i32
    return %c0_i32, %c0_i32_0 : i32, i32
  }
  func.func @transform_7(%arg0: i32) -> (i32, i32) {
    %c0_i32 = arith.constant 0 : i32
    %c0_i32_0 = arith.constant 0 : i32
    %c0_i32_1 = arith.constant 0 : i32
    return %c0_i32, %c0_i32_0 : i32, i32
  }
  func.func @transform_8(%arg0: i32) -> (i32, i32) {
    %c0_i32 = arith.constant 0 : i32
    %c0_i32_0 = arith.constant 0 : i32
    %c0_i32_1 = arith.constant 0 : i32
    return %c0_i32, %c0_i32_0 : i32, i32
  }
  func.func @transform_9(%arg0: i32) -> (i32, i32) {
    %c0_i32 = arith.constant 0 : i32
    %c0_i32_0 = arith.constant 0 : i32
    return %arg0, %c0_i32 : i32, i32
  }
}

module attributes {stable_mosaic.version = 14 : i64} {
  func.func @_combine_body_mid(%arg0: i32, %arg1: memref<1x1000x128xf32, #tpu.memory_space<vmem>>, %arg2: memref<1x1000x128xf32, #tpu.memory_space<vmem>>, %arg3: memref<1x1000x128xf32, #tpu.memory_space<vmem>>, %arg4: memref<1x1000x128xf32, #tpu.memory_space<vmem>>, %arg5: memref<1000x128xf32, #tpu.memory_space<vmem>>, %arg6: memref<1000x128xf32, #tpu.memory_space<vmem>>, %arg7: memref<256x256xf32, #tpu.memory_space<vmem>>, %arg8: memref<256x256xf32, #tpu.memory_space<vmem>>, %arg9: memref<1x256xf32, #tpu.memory_space<vmem>>, %arg10: memref<2x1000x128xf32, #tpu.memory_space<vmem>>) attributes {dimension_semantics = [#tpu.dimension_semantics<arbitrary>], iteration_bounds = array<i64: 10>, scalar_prefetch = 0 : i64, scratch_operands = 0 : i64, tpu.core_type = #tpu.core_type<tc>, window_params = [{transform_indices = @transform_0, window_bounds = array<i64: 1, 1000, 128>}, {transform_indices = @transform_1, window_bounds = array<i64: 1, 1000, 128>}, {transform_indices = @transform_2, window_bounds = array<i64: 1, 1000, 128>}, {transform_indices = @transform_3, window_bounds = array<i64: 1, 1000, 128>}, {transform_indices = @transform_4, window_bounds = array<i64: 1000, 128>}, {transform_indices = @transform_5, window_bounds = array<i64: 1000, 128>}, {pipeline_mode = #tpu.pipeline_mode<synchronous>, transform_indices = @transform_6, window_bounds = array<i64: 256, 256>}, {pipeline_mode = #tpu.pipeline_mode<synchronous>, transform_indices = @transform_7, window_bounds = array<i64: 256, 256>}, {pipeline_mode = #tpu.pipeline_mode<synchronous>, transform_indices = @transform_8, window_bounds = array<i64: 1, 256>}, {transform_indices = @transform_9, window_bounds = array<i64: 2, 1000, 128>}]} {
    %get3A = arith.constant 0 : index
    %get3A_0 = arith.constant 0 : index
    %get3A_1 = arith.constant 0 : index
    %get3A_2 = vector.load %arg1[%get3A, %get3A_0, %get3A_1] : memref<1x1000x128xf32, #tpu.memory_space<vmem>>, vector<1x1000x128xf32>
    %get3A_3 = vector.shape_cast %get3A_2 : vector<1x1000x128xf32> to vector<1000x128xf32>
    %get3A_4 = arith.constant 0 : index
    %get3A_5 = arith.constant 0 : index
    %get3A_6 = arith.constant 0 : index
    %get3A_7 = vector.load %arg2[%get3A_4, %get3A_5, %get3A_6] : memref<1x1000x128xf32, #tpu.memory_space<vmem>>, vector<1x1000x128xf32>
    %get3A_8 = vector.shape_cast %get3A_7 : vector<1x1000x128xf32> to vector<1000x128xf32>
    %concatenate3A = tpu.concatenate %get3A_3, %get3A_8 in 1 : vector<1000x128xf32>, vector<1000x128xf32> -> vector<1000x256xf32>
    %get3A_9 = arith.constant 0 : index
    %get3A_10 = arith.constant 0 : index
    %get3A_11 = vector.load %arg5[%get3A_9, %get3A_10] : memref<1000x128xf32, #tpu.memory_space<vmem>>, vector<1000x128xf32>
    %get3A_12 = arith.constant 0 : index
    %get3A_13 = arith.constant 0 : index
    %get3A_14 = vector.load %arg6[%get3A_12, %get3A_13] : memref<1000x128xf32, #tpu.memory_space<vmem>>, vector<1000x128xf32>
    %concatenate3A_15 = tpu.concatenate %get3A_11, %get3A_14 in 1 : vector<1000x128xf32>, vector<1000x128xf32> -> vector<1000x256xf32>
    %get3A_16 = arith.constant 0 : index
    %get3A_17 = arith.constant 0 : index
    %get3A_18 = arith.constant 0 : index
    %get3A_19 = vector.load %arg3[%get3A_16, %get3A_17, %get3A_18] : memref<1x1000x128xf32, #tpu.memory_space<vmem>>, vector<1x1000x1xf32>
    %get3A_20 = vector.shape_cast %get3A_19 : vector<1x1000x1xf32> to vector<1000x1xf32>
    %get3A_21 = arith.constant 0 : index
    %get3A_22 = arith.constant 0 : index
    %get3A_23 = arith.constant 0 : index
    %get3A_24 = vector.load %arg4[%get3A_21, %get3A_22, %get3A_23] : memref<1x1000x128xf32, #tpu.memory_space<vmem>>, vector<1x1000x1xf32>
    %get3A_25 = vector.shape_cast %get3A_24 : vector<1x1000x1xf32> to vector<1000x1xf32>
    %add3A = arith.addf %get3A_20, %get3A_25 : vector<1000x1xf32>
    %max3A = arith.constant 1.000000e+00 : f32
    %max3A_26 = vector.broadcast %max3A : f32 to vector<1000x1xf32>
    %max3A_27 = arith.maximumf %add3A, %max3A_26 : vector<1000x1xf32>
    %div3A = arith.constant 1.000000e+00 : f32
    %div3A_28 = vector.broadcast %div3A : f32 to vector<1000x1xf32>
    %div3A_29 = arith.divf %div3A_28, %max3A_27 : vector<1000x1xf32>
    %get3A_30 = arith.constant 0 : index
    %get3A_31 = arith.constant 0 : index
    %get3A_32 = vector.load %arg7[%get3A_30, %get3A_31] : memref<256x256xf32, #tpu.memory_space<vmem>>, vector<256x256xf32>
    %dot_general3A = arith.constant dense<0.000000e+00> : vector<1000x256xf32>
    %dot_general3A_33 = tpu.matmul %concatenate3A, %get3A_32, %dot_general3A {dimension_numbers = #tpu.dot_dimension_numbers<[1], [0], [0], [1], [0, 0, 1, 1], [], []>, transpose_lhs_hint = false} : vector<1000x256xf32>, vector<256x256xf32>, vector<1000x256xf32> -> vector<1000x256xf32>
    %mul3A = vector.broadcast %div3A_29 : vector<1000x1xf32> to vector<1000x256xf32>
    %mul3A_34 = arith.mulf %dot_general3A_33, %mul3A : vector<1000x256xf32>
    %get3A_35 = arith.constant 0 : index
    %get3A_36 = arith.constant 0 : index
    %get3A_37 = vector.load %arg9[%get3A_35, %get3A_36] : memref<1x256xf32, #tpu.memory_space<vmem>>, vector<1x256xf32>
    %add3A_38 = vector.broadcast %get3A_37 : vector<1x256xf32> to vector<1000x256xf32>
    %add3A_39 = arith.addf %mul3A_34, %add3A_38 : vector<1000x256xf32>
    %get3A_40 = arith.constant 0 : index
    %get3A_41 = arith.constant 0 : index
    %get3A_42 = vector.load %arg8[%get3A_40, %get3A_41] : memref<256x256xf32, #tpu.memory_space<vmem>>, vector<256x256xf32>
    %dot_general3A_43 = arith.constant dense<0.000000e+00> : vector<1000x256xf32>
    %dot_general3A_44 = tpu.matmul %concatenate3A_15, %get3A_42, %dot_general3A_43 {dimension_numbers = #tpu.dot_dimension_numbers<[1], [0], [0], [1], [0, 0, 1, 1], [], []>, transpose_lhs_hint = false} : vector<1000x256xf32>, vector<256x256xf32>, vector<1000x256xf32> -> vector<1000x256xf32>
    %add3A_45 = arith.addf %add3A_39, %dot_general3A_44 : vector<1000x256xf32>
    %max3A_46 = arith.constant 0.000000e+00 : f32
    %max3A_47 = vector.broadcast %max3A_46 : f32 to vector<1000x256xf32>
    %max3A_48 = arith.maximumf %add3A_45, %max3A_47 : vector<1000x256xf32>
    %slice3A = vector.extract_strided_slice %max3A_48 {offsets = [0, 0], sizes = [1000, 128], strides = [1, 1]} : vector<1000x256xf32> to vector<1000x128xf32>
    %swap3A = arith.constant 0 : index
    %swap3A_49 = arith.constant 0 : index
    %swap3A_50 = arith.constant 0 : index
    %swap3A_51 = vector.load %arg10[%swap3A, %swap3A_49, %swap3A_50] : memref<2x1000x128xf32, #tpu.memory_space<vmem>>, vector<1x1000x128xf32>
    %swap3A_52 = vector.shape_cast %swap3A_51 : vector<1x1000x128xf32> to vector<1000x128xf32>
    %swap3A_53 = vector.shape_cast %slice3A : vector<1000x128xf32> to vector<1x1000x128xf32>
    tpu.vector_store %arg10[%swap3A, %swap3A_49, %swap3A_50], %swap3A_53 {strides = array<i32>} : memref<2x1000x128xf32, #tpu.memory_space<vmem>>, vector<1x1000x128xf32>,
    %slice3A_54 = vector.extract_strided_slice %max3A_48 {offsets = [0, 128], sizes = [1000, 128], strides = [1, 1]} : vector<1000x256xf32> to vector<1000x128xf32>
    %swap3A_55 = arith.constant 1 : index
    %swap3A_56 = arith.constant 0 : index
    %swap3A_57 = arith.constant 0 : index
    %swap3A_58 = vector.load %arg10[%swap3A_55, %swap3A_56, %swap3A_57] : memref<2x1000x128xf32, #tpu.memory_space<vmem>>, vector<1x1000x128xf32>
    %swap3A_59 = vector.shape_cast %swap3A_58 : vector<1x1000x128xf32> to vector<1000x128xf32>
    %swap3A_60 = vector.shape_cast %slice3A_54 : vector<1000x128xf32> to vector<1x1000x128xf32>
    tpu.vector_store %arg10[%swap3A_55, %swap3A_56, %swap3A_57], %swap3A_60 {strides = array<i32>} : memref<2x1000x128xf32, #tpu.memory_space<vmem>>, vector<1x1000x128xf32>,
    return
  }
  func.func @transform_0(%arg0: i32) -> (i32, i32, i32) {
    %c0_i32 = arith.constant 0 : i32
    %c0_i32_0 = arith.constant 0 : i32
    %c0_i32_1 = arith.constant 0 : i32
    return %c0_i32, %arg0, %c0_i32_0 : i32, i32, i32
  }
  func.func @transform_1(%arg0: i32) -> (i32, i32, i32) {
    %c1_i32 = arith.constant 1 : i32
    %c0_i32 = arith.constant 0 : i32
    %c0_i32_0 = arith.constant 0 : i32
    return %c1_i32, %arg0, %c0_i32 : i32, i32, i32
  }
  func.func @transform_2(%arg0: i32) -> (i32, i32, i32) {
    %c0_i32 = arith.constant 0 : i32
    %c0_i32_0 = arith.constant 0 : i32
    %c0_i32_1 = arith.constant 0 : i32
    return %c0_i32, %arg0, %c0_i32_0 : i32, i32, i32
  }
  func.func @transform_3(%arg0: i32) -> (i32, i32, i32) {
    %c1_i32 = arith.constant 1 : i32
    %c0_i32 = arith.constant 0 : i32
    %c0_i32_0 = arith.constant 0 : i32
    return %c1_i32, %arg0, %c0_i32 : i32, i32, i32
  }
  func.func @transform_4(%arg0: i32) -> (i32, i32) {
    %c0_i32 = arith.constant 0 : i32
    %c0_i32_0 = arith.constant 0 : i32
    return %arg0, %c0_i32 : i32, i32
  }
  func.func @transform_5(%arg0: i32) -> (i32, i32) {
    %add3A = arith.constant 10 : i32
    %add3A_0 = arith.addi %arg0, %add3A : i32
    %c0_i32 = arith.constant 0 : i32
    %c0_i32_1 = arith.constant 0 : i32
    return %add3A_0, %c0_i32 : i32, i32
  }
  func.func @transform_6(%arg0: i32) -> (i32, i32) {
    %c0_i32 = arith.constant 0 : i32
    %c0_i32_0 = arith.constant 0 : i32
    %c0_i32_1 = arith.constant 0 : i32
    return %c0_i32, %c0_i32_0 : i32, i32
  }
  func.func @transform_7(%arg0: i32) -> (i32, i32) {
    %c0_i32 = arith.constant 0 : i32
    %c0_i32_0 = arith.constant 0 : i32
    %c0_i32_1 = arith.constant 0 : i32
    return %c0_i32, %c0_i32_0 : i32, i32
  }
  func.func @transform_8(%arg0: i32) -> (i32, i32) {
    %c0_i32 = arith.constant 0 : i32
    %c0_i32_0 = arith.constant 0 : i32
    %c0_i32_1 = arith.constant 0 : i32
    return %c0_i32, %c0_i32_0 : i32, i32
  }
  func.func @transform_9(%arg0: i32) -> (i32, i32, i32) {
    %c0_i32 = arith.constant 0 : i32
    %c0_i32_0 = arith.constant 0 : i32
    %c0_i32_1 = arith.constant 0 : i32
    return %c0_i32, %arg0, %c0_i32_0 : i32, i32, i32
  }
}

</mosaic_0001>

<sc_bundles>
// kernel: kernel.12.cloned.1.call-start
scs
__scs_entry_jumppad:
0x0: {  	(pc) =	sbr.rel $0x88, $3  }
0x1: {  	(tag) =	ssettag $0x0;
	lr =	simm.s32 $0x1  }
0x2: {  	[smem:$0x3F96] =	sst lr;
	_ =	strace $0xD0000000  }
0x3: {  	_ = 	snop  }
0x4: {  	_ = 	snop  }
0x5: {  	_ = 	snop  }
0x6: {  	_ = 	snop  }
0x7: {  	_ = 	snop  }
__scs_overlays_trampoline_lowered:
0x8: {  	[smem:$0x3FA5] =	sst s0  }
0x9: {  	[smem:$0x3FA6] =	sst s1  }
0xa: {  	[smem:$0x3FA7] =	sst s2  }
0xb: {  	[smem:$0x3FA8] =	sst s3  }
0xc: {  	[smem:$0x3FA9] =	sst s4  }
0xd: {  	[smem:$0x3FAA] =	sst s5  }
0xe: {  	[smem:$0x3FAB] =	sst s6  }
0xf: {  	[smem:$0x3FAC] =	sst s7  }
0x10: {  	[smem:$0x3FAD] =	sst s8  }
0x11: {  	[smem:$0x3FAE] =	sst s9;
	s0 =	simm.s32 @!p0 $0x0  }
0x12: {  	s1 =	sld [smem:$0x3F94];
	s0 =	simm.s32 @p0 $0x1  }
0x13: {  	[smem:$0x3FAF] =	sst s0;
	s0 =	simm.s32 @!p1 $0x0  }
0x14: {  	s2 =	sld [smem:$0x3F93];
	s0 =	simm.s32 @p1 $0x1  }
0x15: {  	[smem:$0x3FB0] =	sst s0;
	s0 =	simm.s32 @!p2 $0x0  }
0x16: {  	s3 =	sld [smem:$0x3FDB];
	s0 =	simm.s32 @p2 $0x1  }
0x17: {  	s4 =	simm.s32 $0x1BF5;
	[smem:$0x3FB2] =	sst s0  }
0x18: {  	s0 =	sld [smem:$0x3F95];
	_ =	swait.ge [sflag:s4], $0x0  }
0x19: {  	s7 =	sld [smem:$0x3F96]  }
0x1a: {  	s8 =	sadd.s32 $0xFFFFE003, lr  }
0x1b: {  	s9 =	sadd.s32 $0xFFFFFEF7, lr;
	s5 =	simm.s32 $0xFFFFFFFF;
	p2 =	slt.u32 s8, $0xFFFFF086  }
0x1c: {  	p1 =	slt.u32 s9, $0xF7A;
	s5 =	simm.s32 @!p2 $0x0  }
0x1d: {  	s5 =	simm.s32 @p1 $0x1;
	p0 =	seq.s32 s7, s2  }
0x1e: {  	s7 =	smul.u32 @!p0 $0xF7A, s2;
	p2 =	seq.s32 @!p0 s5, $0x0  }
0x1f: {  	s9 =	smul.u32 $0xF7A, s1;
	s8 =	simm.s32 @!p0 $0x1BF5;
	p2 =	por !p2, p0  }
0x20: {  	[sflag:s8] =	ssyncset.s32 @!p0 $0xFFFFF086;
	s6 =	sadd.s32 @!p0 s3, s7;
	s7 =	simm.s32 @!p0 $0x108  }
0x21: {  	s3 =	sadd.s32 s3, s9;
	s6 =	sadd.s32 @!p0 $0x88, s6;
	s7 =	simm.s32 @p2 $0x1082  }
0x22: {  	[simem:s7], [sflag:s8] =	dma.local @!p0 [hbm:s6], $0xF7A  }
0x23: {  	s9 =	sor.u32 $0xD0000000, s2;
	s6 =	simm.s32 $0x108;
	_ =	swait.ge @!p0 [sflag:s8], $0x0  }
0x24: {  	s3 =	sadd.s32 $0x88, s3;
	s6 =	simm.s32 @!p1 $0x1082;
	[sflag:s4] =	ssyncset.s32 $0xFFFFF086  }
0x25: {  	[simem:s6], [sflag:s4] =	dma.local [hbm:s3], $0xF7A  }
0x26: {  	[smem:$0x3F96] =	sst s1;
	(tag) =	ssettag s2;
	_ =	strace s9  }
0x27: {  	s1 =	sld [smem:$0x3FA6]  }
0x28: {  	s2 =	sld [smem:$0x3FA7]  }
0x29: {  	s4 =	sld [smem:$0x3FA9]  }
0x2a: {  	p0 =	seq.s32 s5, $0x0;
	s5 =	sld [smem:$0x3FAA]  }
0x2b: {  	s6 =	sld [smem:$0x3FAB]  }
0x2c: {  	s7 =	sld [smem:$0x3FAC]  }
0x2d: {  	s3 =	simm.s32 $0x108;
	s8 =	sld [smem:$0x3FAD]  }
0x2e: {  	s3 =	simm.s32 @!p0 $0x1082;
	s9 =	sld [smem:$0x3FAE]  }
0x2f: {  	lr =	sadd.s32 s0, s3;
	s0 =	sld [smem:$0x3FA5]  }
0x30: {  	s3 =	sld [smem:$0x3FA8]  }
0x31: {  	[smem:$0x3FB1] =	sst s10  }
0x32: {  	s10 =	sld [smem:$0x3FAF];
	_ =	sdelay $0x3  }
0x33: {  	p0 =	seq.s32 s10, $0x1;
	s10 =	sld [smem:$0x3FB1];
	_ =	sdelay $0x3  }
0x34: {  	[smem:$0x3FB1] =	sst s10  }
0x35: {  	s10 =	sld [smem:$0x3FB0];
	_ =	sdelay $0x3  }
0x36: {  	p1 =	seq.s32 s10, $0x1;
	s10 =	sld [smem:$0x3FB1];
	_ =	sdelay $0x3  }
0x37: {  	[smem:$0x3FB1] =	sst s10  }
0x38: {  	s10 =	sld [smem:$0x3FB2]  }
0x39: {  	_ = 	snop;
	(pc) =	sbr.ind lr, $3  }
0x3a: {  	_ = 	snop  }
0x3b: {  	_ = 	snop  }
0x3c: {  	p2 =	seq.s32 s10, $0x1;
	s10 =	sld [smem:$0x3FB1]  }
0x3d: {  	_ =	shalt  }
0x3e: {  	_ =	shalt  }
0x3f: {  	_ =	shalt  }
0x40: {  	_ =	shalt  }
0x41: {  	_ =	shalt  }
0x42: {  	_ =	shalt  }
0x43: {  	_ =	shalt  }
0x44: {  	_ =	shalt  }
0x45: {  	_ =	shalt  }
0x46: {  	_ =	shalt  }
0x47: {  	_ =	shalt  }
0x48: {  	_ =	shalt  }
0x49: {  	_ =	shalt  }
0x4a: {  	_ =	shalt  }
0x4b: {  	_ =	shalt  }
0x4c: {  	_ =	shalt  }
0x4d: {  	_ =	shalt  }
0x4e: {  	_ =	shalt  }
0x4f: {  	_ =	shalt  }
0x50: {  	_ =	shalt  }
0x51: {  	_ =	shalt  }
0x52: {  	_ =	shalt  }
0x53: {  	_ =	shalt  }
0x54: {  	_ =	shalt  }
0x55: {  	_ =	shalt  }
0x56: {  	_ =	shalt  }
0x57: {  	_ =	shalt  }
0x58: {  	_ =	shalt  }
0x59: {  	_ =	shalt  }
0x5a: {  	_ =	shalt  }
0x5b: {  	_ =	shalt  }
0x5c: {  	_ =	shalt  }
0x5d: {  	_ =	shalt  }
0x5e: {  	_ =	shalt  }
0x5f: {  	_ =	shalt  }
0x60: {  	_ =	shalt  }
0x61: {  	_ =	shalt  }
0x62: {  	_ =	shalt  }
0x63: {  	_ =	shalt  }
0x64: {  	_ =	shalt  }
0x65: {  	_ =	shalt  }
0x66: {  	_ =	shalt  }
0x67: {  	_ =	shalt  }
0x68: {  	_ =	shalt  }
0x69: {  	_ =	shalt  }
0x6a: {  	_ =	shalt  }
0x6b: {  	_ =	shalt  }
0x6c: {  	_ =	shalt  }
0x6d: {  	_ =	shalt  }
0x6e: {  	_ =	shalt  }
0x6f: {  	_ =	shalt  }
0x70: {  	_ =	shalt  }
0x71: {  	_ =	shalt  }
0x72: {  	_ =	shalt  }
0x73: {  	_ =	shalt  }
0x74: {  	_ =	shalt  }
0x75: {  	_ =	shalt  }
0x76: {  	_ =	shalt  }
0x77: {  	_ =	shalt  }
0x78: {  	_ =	shalt  }
0x79: {  	_ =	shalt  }
0x7a: {  	_ =	shalt  }
0x7b: {  	_ =	shalt  }
0x7c: {  	_ =	shalt  }
0x7d: {  	_ =	shalt  }
0x7e: {  	_ =	shalt  }
0x7f: {  	_ =	shalt  }
0x80: {  	_ =	shalt  }
0x81: {  	_ =	shalt  }
0x82: {  	_ =	shalt  }
0x83: {  	_ =	shalt  }
0x84: {  	_ =	shalt  }
0x85: {  	_ =	shalt  }
0x86: {  	_ =	shalt  }
0x87: {  	_ =	shalt  }
.Lfunc_end0:
.L_simem_size_0:
called_computation.1_lowered:
.L_overlay_start_0:
0x88: {  	s2 =	sld [smem:$0x3FD9]  }
0x89: {  	s3 =	sld [smem:$0x3FFE];
	_ =	sdelay $0x1  }
0x8a: {  	s1 =	srdreg.scid  }
0x8b: {  	s0 =	sand.u32 $0x1, s1  }
0x8c: {  	s17 =	sshll.u32 s0, $0xA;
	s2 =	sadd.s32 s3, s2  }
0x8d: {  	s2 =	sadd.s32 s2, s17  }
0x8e: {  	[smem:$0x3FBD] =	sst s2  }
0x8f: {  	_ = 	snop  }
0x90: {  	s2 =	sld [smem:$0x3FD0];
	(tm) =	ssettm $0x1  }
0x91: {  	s18 =	sld [smem:$0x3FFB];
	_ =	sdelay $0x3  }
0x92: {  	_ =	strace s18  }
0x93: {  	s3 =	sld [smem:$0x3FFC];
	_ =	sdelay $0x3  }
0x94: {  	_ =	strace s3  }
0x95: {  	s3 =	sld [smem:$0x3FFD];
	_ =	sdelay $0x3  }
0x96: {  	_ =	strace s3  }
0x97: {  	_ =	strace $0x8FFFFFFF  }
0x98: {  	s19 =	sld [smem:$0x3FDB];
	_ =	sdelay $0x1  }
0x99: {  	s4 =	simm.s32 $_scs_section_size  }
0x9a: {  	s5 =	simm.s32 $_size__tile_overlayer_lowered;
	s6 =	simm.s32 $_tile_overlayer_lowered  }
0x9b: {  	s22 =	simm.s32 $0x1BFF;
	s21 =	sshll.u32 s6, $0x1;
	s3 =	sadd.s32 s4, s19  }
0x9c: {  	s7 =	simm.s32 $0x0;
	s20 =	sshll.u32 s5, $0x1;
	s5 =	sadd.s32 s21, s3  }
0x9d: {  	[timem:s7], [sflag:s22] =	dma.local [hbm:s5], s20  }
0x9e: {  	_ =	swait.ge [sflag:s22], s20  }
0x9f: {  	s4 =	ssub.s32 $0x0, s20;
	[sflag:s22] =	ssyncset.done $0x0  }
0xa0: {  	[sflag:s22] =	ssyncadd.s32 s4;
	_ =	sdelay $0x1  }
0xa1: {  	s23 =	simm.s32 $0x1B8B  }
0xa2: {  	_ =	swait.ge [sflag:s23], $0x1  }
0xa3: {  	[sflag:s23] =	ssyncset.done $0x0  }
0xa4: {  	s25 =	simm.s32 $0x1B8E;
	s24 =	sld [smem:$0x3FFE];
	[sflag:s23] =	ssyncadd.s32 $0xFFFFFFFF  }
0xa5: {  	s26 =	simm.s32 $execute0_lowered;
	[smem:$0x3FD2] =	sst s25  }
0xa6: {  	s5 =	sshll.u32 s26, $0x1;
	_ =	strace $0x80000046;
	[dreg:$0x1] =	wrdreg $0xFFFFFFFF  }
0xa7: {  	s28 =	simm.s32 $_size_execute0_lowered;
	s3 =	sadd.s32 s3, s5;
	[dreg:$0x0] =	wrdreg $0x0  }
0xa8: {  	s5 =	sshll.u32 s28, $0x1;
	[dreg:$0x2] =	wrdreg s3  }
0xa9: {  	[dreg:$0x3] =	wrdreg s5  }
0xaa: {  	[dreg:$0x4] =	wrdreg $0xC0  }
0xab: {  	_ =	task [dreg:s7], $0x5FFFF  }
0xac: {  	[dreg:$0x1] =	wrdreg $0xFFFFFFFF  }
0xad: {  	[dreg:$0x0] =	wrdreg $0x60  }
0xae: {  	[dreg:$0x2] =	wrdreg s2  }
0xaf: {  	[dreg:$0x3] =	wrdreg s24  }
0xb0: {  	[dreg:$0x4] =	wrdreg $0xC3000  }
0xb1: {  	[dreg:$0x5] =	wrdreg $0xA  }
0xb2: {  	_ =	task.clear_ibuf [dreg:s7], $0x6FFFF;
	_ =	strace $0x90000046  }
0xb3: {  	s29 =	simm.s32 $0xA;
	_ =	strace $0x80000048  }
0xb4: {  	_ =	swait.ge [sflag:s29], $0x1  }
0xb5: {  	[sflag:s29] =	ssyncadd.s32 $0xFFFFFFFF  }
0xb6: {  	_ =	strace $0x90000048  }
0xb7: {  	_ =	sfence  }
0xb8: {  	s30 =	sld [smem:$0x0];
	_ =	sdelay $0x2  }
0xb9: {  	s31 =	sshll.u32 s1, $0xD;
	s1 =	sshrl.u32 s1, $0x2  }
0xba: {  	s3 =	sand.u32 $0x4000, s31;
	s1 =	sadd.s32 s1, s30  }
0xbb: {  	s0 =	sor.u32 s3, s0;
	s1 =	sshll.u32 s1, $0x11  }
0xbc: {  	s0 =	sor.u32 s1, s0  }
0xbd: {  	s0 =	sadd.s32 $0x8F2B, s0  }
0xbe: {  	[sflag:s0] =	ssyncadd.remote.s32 $0x1  }
0xbf: {  	_ =	sfence.sel $0xFFFF  }
0xc0: {  	[dreg:$0x0] =	wrdreg $0xFFFFFFFF;
	(pc) =	sbr.abs _section_cstart, $3  }
0xc1: {  	[dreg:$0x1] =	wrdreg $0xFFFFFFFF  }
0xc2: {  	_ =	task.clear_ibuf [dreg:s7], $0x2FFFF;
	_ =	strace $0x9FFFFFFF  }
0xc3: {  	(tm) =	ssettm $0x7FFFFFFF  }
tec
execute0_lowered:
.L_overlay_start_1:
0x0: {  	(tag) =	ssettag $0x1  }
0x1: {  	s1 =	rddreg [dreg:$0x0]  }
0x2: {  	s0 =	rddreg [dreg:$0x1]  }
0x3: {  	s3 =	rddreg [dreg:$0x2]  }
0x4: {  	s2 =	srdreg.scid;
	s13 =	stileid.u32  }
0x5: {  	s4 =	simm.s32 $0x0;
	s28 =	simm.s32 $0x100;
	s5 =	smul.u32 $0x2780, s13  }
0x6: {  	s29 =	simm.s32 $0x280;
	s30 =	simm.s32 $0x1;
	s7 =	smul.u32 $0x4F000, s13  }
0x7: {  	s31 =	simm.s32 $0x300;
	s2 =	sand.u32 $0x1, s2;
	s24 =	smul.u32 $0x2800, s13  }
0x8: {  	[smem:$0x7FF] =	sst s4;
	s10 =	sadd.s32 $0xD600, s0;
	s18 =	smul.u32 $0x500, s13  }
0x9: {  	s11 =	sadd.s32 $0x8600, s0;
	s9 =	sadd.s32 $0x17600, s0;
	s6 =	smul.u32 $0x27800, s2  }
0xa: {  	_ =	strace $0x80000047;
	s8 =	smul.u32 $0x28000, s2;
	s2 =	ssub.s32 $0x2, s2  }
0xb: {  	[dreg:$0x5] =	wrdreg s9;
	s25 =	sshrl.u32 s2, $0x1;
	s26 =	sshrl.u32 s7, $0x2  }
0xc: {  	s21 =	sadd.s32 s18, s11;
	s5 =	sadd.s32 s5, s6;
	s2 =	ssub.s32 s2, s25  }
0xd: {  	s12 =	sadd.s32 s24, s8;
	s6 =	sshrl.u32 s24, $0x3;
	s8 =	sshll.u32 s13, $0x6  }
0xe: {  	[dreg:$0x4] =	wrdreg s21;
	s13 =	simm.s32 $0x7;
	s0 =	sadd.s32 s5, s0  }
0xf: {  	s5 =	sadd.s32 s26, s3;
	s7 =	sshrl.u32 s12, $0x3;
	s6 =	sadd.s32 s11, s6  }
0x10: {  	s9 =	sor.u32 $0x1C0A, s8;
	s2 =	smax.u32 s2, $0x1;
	s22 =	sor.u32 $0x280, s12  }
0x11: {  	s23 =	sor.u32 $0x200, s12;
	s24 =	sor.u32 $0x180, s12;
	s11 =	simm.s32 $0x5  }
0x12: {  	s12 =	simm.s32 $0x6;
	[dreg:$0x6] =	wrdreg s5;
	s14 =	sadd.s32 s10, s7  }
0x13: {  	s15 =	sadd.s32 $0x10, s6;
	s17 =	sadd.s32 $0x20, s6;
	[dreg:$0x8] =	wrdreg s6  }
0x14: {  	s20 =	sadd.s32 $0x4E0, s6;
	s6 =	sadd.s32 $0x4F0, s6;
	[dreg:$0x12] =	wrdreg s2  }
0x15: {  	s0 =	sadd.s32 $0x19E00, s0;
	s25 =	sshrl.u32 s23, $0x3;
	[dreg:$0xa] =	wrdreg s15  }
0x16: {  	s26 =	sshrl.u32 s24, $0x3;
	s23 =	simm.s32 $0xA;
	[dreg:$0xc] =	wrdreg s17  }
0x17: {  	s24 =	simm.s32 $0x180;
	s2 =	simm.s32 $0x4300;
	[dreg:$0xe] =	wrdreg s20  }
0x18: {  	s5 =	sadd.s32 $0x10, s14;
	s16 =	sadd.s32 $0x20, s14;
	[dreg:$0x7] =	wrdreg s14  }
0x19: {  	s19 =	sadd.s32 $0x4E0, s14;
	s7 =	sadd.s32 $0x4F0, s14;
	[dreg:$0x10] =	wrdreg s6  }
0x1a: {  	[dreg:$0x11] =	wrdreg s0;
	s0 =	sshrl.u32 s22, $0x3;
	s21 =	sadd.s32 s25, s10  }
0x1b: {  	s22 =	sadd.s32 s26, s10;
	s25 =	simm.s32 $0x80;
	[dreg:$0x9] =	wrdreg s5  }
0x1c: {  	s26 =	simm.s32 $0x200;
	s6 =	simm.s32 $0x8300;
	[dreg:$0xb] =	wrdreg s16  }
0x1d: {  	s14 =	simm.s32 $0x8;
	s15 =	simm.s32 $0x9;
	[dreg:$0xd] =	wrdreg s19  }
0x1e: {  	[dreg:$0xf] =	wrdreg s7;
	s20 =	sadd.s32 s0, s10;
	s0 =	simm.s32 $0x2  }
0x1f: {  	s5 =	simm.s32 $0x3;
	s10 =	simm.s32 $0x4;
	s16 =	simm.s32 $0x0  }
.LBB2_1:
0x20: {  	s7 =	rddreg [dreg:$0x6]  }
0x21: {  	s19 =	rddreg [dreg:$0x5];
	s17 =	sshrl.u32 s7, $0x3  }
0x22: {  	[spmem:s17], [sflag:s9] =	dma.local [hbm:s19], $0x2780  }
0x23: {  	_ =	swait.ge [sflag:s23], $0x2780  }
0x24: {  	[sflag:s23] =	ssyncset.done $0x0  }
0x25: {  	[sflag:s23] =	ssyncadd.s32 $0xFFFFD880  }
0x26: {  	[bflag:$0x0] =	sbarrier.arrive $0xFFFF  }
0x27: {  	s8 =	rddreg [dreg:$0x7]  }
0x28: {  	[tilespmem:s4], [sflag:$0x1] =	stream.linear.gather [hbm4b:s8+s4], $0x80, $0x38;
	[tilespmem:$0x1FF00] =	vst v63  }
0x29: {  	s18 =	rddreg [dreg:$0x8]  }
0x2a: {  	[tilespmem:s24], [sflag:$0x1] =	stream.linear.gather [hbm4b:s18+s4], $0x80, $0x38;
	[tilespmem:$0x1FF00] =	vst v63  }
0x2b: {  	s19 =	rddreg [dreg:$0x9]  }
0x2c: {  	[tilespmem:s25], [sflag:$0x2] =	stream.linear.gather [hbm4b:s19+s4], $0x80, $0x38;
	[tilespmem:$0x1FF00] =	vst v63  }
0x2d: {  	s8 =	rddreg [dreg:$0xa]  }
0x2e: {  	[tilespmem:s26], [sflag:$0x2] =	stream.linear.gather [hbm4b:s8+s4], $0x80, $0x38;
	[tilespmem:$0x1FF00] =	vst v63  }
0x2f: {  	s18 =	rddreg [dreg:$0xb]  }
0x30: {  	[tilespmem:s28], [sflag:$0x3] =	stream.linear.gather [hbm4b:s18+s4], $0x80, $0x38;
	[tilespmem:$0x1FF00] =	vst v63  }
0x31: {  	s19 =	rddreg [dreg:$0xc]  }
0x32: {  	[tilespmem:s29], [sflag:$0x3] =	stream.linear.gather [hbm4b:s19+s4], $0x80, $0x38;
	[tilespmem:$0x1FF00] =	vst v63  }
0x33: {  	_ =	swait.ge [sflag:s30], $0x80  }
0x34: {  	[sflag:s30] =	ssyncset.done $0x0  }
0x35: {  	[sflag:s30] =	ssyncadd.s32 $0xFFFFFF80  }
0x36: {  	_ =	swait.ge [sflag:s30], $0x80  }
0x37: {  	[sflag:s30] =	ssyncset.done $0x0  }
0x38: {  	[sflag:s30] =	ssyncadd.s32 $0xFFFFFF80  }
0x39: {  	[tilespmem:s31], [sflag:$0x4] =	stream.indirect.gather [hbm4b:s1+s25], $0x80, s4, s25, $0xb8;
	[tilespmem:$0x1FF00] =	vst v63  }
0x3a: {  	_ =	swait.ge [sflag:s0], $0x80  }
0x3b: {  	[sflag:s0] =	ssyncset.done $0x0  }
0x3c: {  	[sflag:s0] =	ssyncadd.s32 $0xFFFFFF80  }
0x3d: {  	_ =	swait.ge [sflag:s0], $0x80  }
0x3e: {  	[sflag:s0] =	ssyncset.done $0x0  }
0x3f: {  	[sflag:s0] =	ssyncadd.s32 $0xFFFFFF80  }
0x40: {  	[tilespmem:s2], [sflag:$0x5] =	stream.indirect.gather [hbm4b:s1+s25], $0x80, s25, s25, $0xb8;
	[tilespmem:$0x1FF00] =	vst v63  }
0x41: {  	_ =	swait.ge [sflag:s5], $0x80  }
0x42: {  	[sflag:s5] =	ssyncset.done $0x0  }
0x43: {  	[sflag:s5] =	ssyncadd.s32 $0xFFFFFF80  }
0x44: {  	_ =	swait.ge [sflag:s5], $0x80  }
0x45: {  	[sflag:s5] =	ssyncset.done $0x0  }
0x46: {  	[sflag:s5] =	ssyncadd.s32 $0xFFFFFF80  }
0x47: {  	[tilespmem:s6], [sflag:$0x6] =	stream.indirect.gather [hbm4b:s1+s25], $0x80, s28, s25, $0xb8;
	[tilespmem:$0x1FF00] =	vst v63  }
0x48: {  	_ =	swait.ge [sflag:s10], $0x4000  }
0x49: {  	[sflag:s10] =	ssyncset.done $0x0  }
0x4a: {  	[sflag:s10] =	ssyncadd.s32 $0xFFFFC000  }
0x4b: {  	[spmem:s3] =	stream.indirect.scatter.add.f32 [tilespmem:s31], [sflag:$0x7], $0x80, s24, s25, $0xb8;
	[tilespmem:$0x1FF00] =	vst v63  }
0x4c: {  	_ =	swait.ge [sflag:s11], $0x4000  }
0x4d: {  	[sflag:s11] =	ssyncset.done $0x0  }
0x4e: {  	[sflag:s11] =	ssyncadd.s32 $0xFFFFC000  }
0x4f: {  	[spmem:s3] =	stream.indirect.scatter.add.f32 [tilespmem:s2], [sflag:$0x8], $0x80, s26, s25, $0xb8;
	[tilespmem:$0x1FF00] =	vst v63  }
0x50: {  	_ =	swait.ge [sflag:s12], $0x4000  }
0x51: {  	[sflag:s12] =	ssyncset.done $0x0  }
0x52: {  	[sflag:s12] =	ssyncadd.s32 $0xFFFFC000  }
0x53: {  	[spmem:s3] =	stream.indirect.scatter.add.f32 [tilespmem:s6], [sflag:$0x9], $0x80, s29, s25, $0xb8;
	[tilespmem:$0x1FF00] =	vst v63  }
0x54: {  	_ =	swait.ge [sflag:s13], $0x4000  }
0x55: {  	[sflag:s13] =	ssyncset.done $0x0;
	s18 =	rddreg [dreg:$0x4]  }
0x56: {  	s19 =	sadd.s32 $0x0, s22;
	[sflag:s13] =	ssyncadd.s32 $0xFFFFC000;
	s18 =	sadd.s32 $0x0, s18  }
0x57: {  	[tilespmem:s4], [sflag:$0x1] =	stream.linear.gather [hbm4b:s19+s4], $0x80, $0x38;
	[tilespmem:$0x1FF00] =	vst v63  }
0x58: {  	s7 =	sadd.s32 $0x30, s18  }
0x59: {  	[tilespmem:s24], [sflag:$0x1] =	stream.linear.gather [hbm4b:s7+s4], $0x80, $0x38;
	[tilespmem:$0x1FF00] =	vst v63  }
0x5a: {  	_ =	swait.ge [sflag:s14], $0x4000  }
0x5b: {  	[sflag:s14] =	ssyncset.done $0x0  }
0x5c: {  	s8 =	sadd.s32 $0x0, s21;
	[sflag:s14] =	ssyncadd.s32 $0xFFFFC000  }
0x5d: {  	[tilespmem:s25], [sflag:$0x2] =	stream.linear.gather [hbm4b:s8+s4], $0x80, $0x38;
	[tilespmem:$0x1FF00] =	vst v63  }
0x5e: {  	s7 =	sadd.s32 $0x40, s18  }
0x5f: {  	[tilespmem:s26], [sflag:$0x2] =	stream.linear.gather [hbm4b:s7+s4], $0x80, $0x38;
	[tilespmem:$0x1FF00] =	vst v63  }
0x60: {  	_ =	swait.ge [sflag:s15], $0x4000  }
0x61: {  	[sflag:s15] =	ssyncset.done $0x0  }
0x62: {  	s8 =	sadd.s32 $0x0, s20;
	[sflag:s15] =	ssyncadd.s32 $0xFFFFC000  }
0x63: {  	[tilespmem:s28], [sflag:$0x3] =	stream.linear.gather [hbm4b:s8+s4], $0x80, $0x38;
	[tilespmem:$0x1FF00] =	vst v63  }
0x64: {  	s18 =	sadd.s32 $0x50, s18  }
0x65: {  	[tilespmem:s29], [sflag:$0x3] =	stream.linear.gather [hbm4b:s18+s4], $0x80, $0x38;
	[tilespmem:$0x1FF00] =	vst v63  }
0x66: {  	_ =	swait.ge [sflag:s30], $0x80  }
0x67: {  	[sflag:s30] =	ssyncset.done $0x0  }
0x68: {  	[sflag:s30] =	ssyncadd.s32 $0xFFFFFF80  }
0x69: {  	_ =	swait.ge [sflag:s30], $0x80  }
0x6a: {  	[sflag:s30] =	ssyncset.done $0x0  }
0x6b: {  	[sflag:s30] =	ssyncadd.s32 $0xFFFFFF80  }
0x6c: {  	[tilespmem:s31], [sflag:$0x4] =	stream.indirect.gather [hbm4b:s1+s25], $0x80, s4, s25, $0xb8;
	[tilespmem:$0x1FF00] =	vst v63  }
0x6d: {  	_ =	swait.ge [sflag:s0], $0x80  }
0x6e: {  	[sflag:s0] =	ssyncset.done $0x0  }
0x6f: {  	[sflag:s0] =	ssyncadd.s32 $0xFFFFFF80  }
0x70: {  	_ =	swait.ge [sflag:s0], $0x80  }
0x71: {  	[sflag:s0] =	ssyncset.done $0x0  }
0x72: {  	[sflag:s0] =	ssyncadd.s32 $0xFFFFFF80  }
0x73: {  	[tilespmem:s2], [sflag:$0x5] =	stream.indirect.gather [hbm4b:s1+s25], $0x80, s25, s25, $0xb8;
	[tilespmem:$0x1FF00] =	vst v63  }
0x74: {  	_ =	swait.ge [sflag:s5], $0x80  }
0x75: {  	[sflag:s5] =	ssyncset.done $0x0  }
0x76: {  	[sflag:s5] =	ssyncadd.s32 $0xFFFFFF80  }
0x77: {  	_ =	swait.ge [sflag:s5], $0x80  }
0x78: {  	[sflag:s5] =	ssyncset.done $0x0  }
0x79: {  	s18 =	simm.s32 $0x30;
	[sflag:s5] =	ssyncadd.s32 $0xFFFFFF80  }
.LBB2_2:
0x7a: {  	[tilespmem:s6], [sflag:$0x6] =	stream.indirect.gather [hbm4b:s1+s25], $0x80, s28, s25, $0xb8;
	[tilespmem:$0x1FF00] =	vst v63  }
0x7b: {  	_ =	swait.ge [sflag:s10], $0x4000  }
0x7c: {  	[sflag:s10] =	ssyncset.done $0x0  }
0x7d: {  	[sflag:s10] =	ssyncadd.s32 $0xFFFFC000  }
0x7e: {  	[spmem:s3] =	stream.indirect.scatter.add.f32 [tilespmem:s31], [sflag:$0x7], $0x80, s24, s25, $0xb8;
	[tilespmem:$0x1FF00] =	vst v63  }
0x7f: {  	_ =	swait.ge [sflag:s11], $0x4000  }
0x80: {  	[sflag:s11] =	ssyncset.done $0x0  }
0x81: {  	[sflag:s11] =	ssyncadd.s32 $0xFFFFC000  }
0x82: {  	[spmem:s3] =	stream.indirect.scatter.add.f32 [tilespmem:s2], [sflag:$0x8], $0x80, s26, s25, $0xb8;
	[tilespmem:$0x1FF00] =	vst v63  }
0x83: {  	_ =	swait.ge [sflag:s12], $0x4000  }
0x84: {  	[sflag:s12] =	ssyncset.done $0x0  }
0x85: {  	[sflag:s12] =	ssyncadd.s32 $0xFFFFC000  }
0x86: {  	[spmem:s3] =	stream.indirect.scatter.add.f32 [tilespmem:s6], [sflag:$0x9], $0x80, s29, s25, $0xb8;
	[tilespmem:$0x1FF00] =	vst v63  }
0x87: {  	_ =	swait.ge [sflag:s13], $0x4000  }
0x88: {  	s19 =	smov.u32 s18;
	[sflag:s13] =	ssyncset.done $0x0;
	s7 =	rddreg [dreg:$0x4]  }
0x89: {  	s8 =	sadd.s32 s19, s22;
	[sflag:s13] =	ssyncadd.s32 $0xFFFFC000;
	s7 =	sadd.s32 s19, s7  }
0x8a: {  	[tilespmem:s4], [sflag:$0x1] =	stream.linear.gather [hbm4b:s8+s4], $0x80, $0x38;
	[tilespmem:$0x1FF00] =	vst v63  }
0x8b: {  	s8 =	sadd.s32 $0x30, s7  }
0x8c: {  	[tilespmem:s24], [sflag:$0x1] =	stream.linear.gather [hbm4b:s8+s4], $0x80, $0x38;
	[tilespmem:$0x1FF00] =	vst v63  }
0x8d: {  	_ =	swait.ge [sflag:s14], $0x4000  }
0x8e: {  	[sflag:s14] =	ssyncset.done $0x0  }
0x8f: {  	s8 =	sadd.s32 s19, s21;
	[sflag:s14] =	ssyncadd.s32 $0xFFFFC000  }
0x90: {  	[tilespmem:s25], [sflag:$0x2] =	stream.linear.gather [hbm4b:s8+s4], $0x80, $0x38;
	[tilespmem:$0x1FF00] =	vst v63  }
0x91: {  	s8 =	sadd.s32 $0x40, s7  }
0x92: {  	[tilespmem:s26], [sflag:$0x2] =	stream.linear.gather [hbm4b:s8+s4], $0x80, $0x38;
	[tilespmem:$0x1FF00] =	vst v63  }
0x93: {  	_ =	swait.ge [sflag:s15], $0x4000  }
0x94: {  	[sflag:s15] =	ssyncset.done $0x0  }
0x95: {  	s19 =	sadd.s32 s19, s20;
	[sflag:s15] =	ssyncadd.s32 $0xFFFFC000  }
0x96: {  	[tilespmem:s28], [sflag:$0x3] =	stream.linear.gather [hbm4b:s19+s4], $0x80, $0x38;
	[tilespmem:$0x1FF00] =	vst v63  }
0x97: {  	s7 =	sadd.s32 $0x50, s7  }
0x98: {  	[tilespmem:s29], [sflag:$0x3] =	stream.linear.gather [hbm4b:s7+s4], $0x80, $0x38;
	[tilespmem:$0x1FF00] =	vst v63  }
0x99: {  	_ =	swait.ge [sflag:s30], $0x80  }
0x9a: {  	[sflag:s30] =	ssyncset.done $0x0  }
0x9b: {  	[sflag:s30] =	ssyncadd.s32 $0xFFFFFF80  }
0x9c: {  	_ =	swait.ge [sflag:s30], $0x80  }
0x9d: {  	[sflag:s30] =	ssyncset.done $0x0  }
0x9e: {  	[sflag:s30] =	ssyncadd.s32 $0xFFFFFF80  }
0x9f: {  	[tilespmem:s31], [sflag:$0x4] =	stream.indirect.gather [hbm4b:s1+s25], $0x80, s4, s25, $0xb8;
	[tilespmem:$0x1FF00] =	vst v63  }
0xa0: {  	_ =	swait.ge [sflag:s0], $0x80  }
0xa1: {  	[sflag:s0] =	ssyncset.done $0x0  }
0xa2: {  	[sflag:s0] =	ssyncadd.s32 $0xFFFFFF80  }
0xa3: {  	_ =	swait.ge [sflag:s0], $0x80  }
0xa4: {  	[sflag:s0] =	ssyncset.done $0x0  }
0xa5: {  	[sflag:s0] =	ssyncadd.s32 $0xFFFFFF80  }
0xa6: {  	[tilespmem:s2], [sflag:$0x5] =	stream.indirect.gather [hbm4b:s1+s25], $0x80, s25, s25, $0xb8;
	[tilespmem:$0x1FF00] =	vst v63  }
0xa7: {  	p0 =	sne.s32 s18, $0x480;
	_ =	swait.ge [sflag:s5], $0x80  }
.Ltmp0:
0xa8: {  	[sflag:s5] =	ssyncset.done $0x0;
	(pc) =	sbr.rel @p0 .LBB2_2-.Ltmp0, $4  }
0xa9: {  	[sflag:s5] =	ssyncadd.s32 $0xFFFFFF80  }
0xaa: {  	_ =	swait.ge [sflag:s5], $0x80  }
0xab: {  	[sflag:s5] =	ssyncset.done $0x0  }
0xac: {  	s18 =	sadd.s32 $0x30, s18;
	[sflag:s5] =	ssyncadd.s32 $0xFFFFFF80  }
0xad: {  	[tilespmem:s6], [sflag:$0x6] =	stream.indirect.gather [hbm4b:s1+s25], $0x80, s28, s25, $0xb8;
	[tilespmem:$0x1FF00] =	vst v63  }
0xae: {  	_ =	swait.ge [sflag:s10], $0x4000  }
0xaf: {  	[sflag:s10] =	ssyncset.done $0x0  }
0xb0: {  	[sflag:s10] =	ssyncadd.s32 $0xFFFFC000  }
0xb1: {  	[spmem:s3] =	stream.indirect.scatter.add.f32 [tilespmem:s31], [sflag:$0x7], $0x80, s24, s25, $0xb8;
	[tilespmem:$0x1FF00] =	vst v63  }
0xb2: {  	_ =	swait.ge [sflag:s11], $0x4000  }
0xb3: {  	[sflag:s11] =	ssyncset.done $0x0  }
0xb4: {  	[sflag:s11] =	ssyncadd.s32 $0xFFFFC000  }
0xb5: {  	[spmem:s3] =	stream.indirect.scatter.add.f32 [tilespmem:s2], [sflag:$0x8], $0x80, s26, s25, $0xb8;
	[tilespmem:$0x1FF00] =	vst v63  }
0xb6: {  	_ =	swait.ge [sflag:s12], $0x4000  }
0xb7: {  	[sflag:s12] =	ssyncset.done $0x0  }
0xb8: {  	[sflag:s12] =	ssyncadd.s32 $0xFFFFC000  }
0xb9: {  	[spmem:s3] =	stream.indirect.scatter.add.f32 [tilespmem:s6], [sflag:$0x9], $0x80, s29, s25, $0xb8;
	[tilespmem:$0x1FF00] =	vst v63  }
0xba: {  	_ =	swait.ge [sflag:s13], $0x4000  }
0xbb: {  	[sflag:s13] =	ssyncset.done $0x0  }
0xbc: {  	s7 =	rddreg [dreg:$0xd];
	[sflag:s13] =	ssyncadd.s32 $0xFFFFC000  }
0xbd: {  	[tilespmem:s4], [sflag:$0x1] =	stream.linear.gather [hbm4b:s7+s4], $0x80, $0x38;
	[tilespmem:$0x1FF00] =	vst v63  }
0xbe: {  	s18 =	rddreg [dreg:$0xe]  }
0xbf: {  	[tilespmem:s24], [sflag:$0x1] =	stream.linear.gather [hbm4b:s18+s4], $0x80, $0x38;
	[tilespmem:$0x1FF00] =	vst v63  }
0xc0: {  	_ =	swait.ge [sflag:s14], $0x4000  }
0xc1: {  	[sflag:s14] =	ssyncset.done $0x0  }
0xc2: {  	s19 =	rddreg [dreg:$0xf];
	[sflag:s14] =	ssyncadd.s32 $0xFFFFC000  }
0xc3: {  	[tilespmem:s25], [sflag:$0x2] =	stream.linear.gather [hbm4b:s19+s4], $0x80, $0x38;
	[tilespmem:$0x1FF00] =	vst v63  }
0xc4: {  	s8 =	rddreg [dreg:$0x10]  }
0xc5: {  	[tilespmem:s26], [sflag:$0x2] =	stream.linear.gather [hbm4b:s8+s4], $0x80, $0x38;
	[tilespmem:$0x1FF00] =	vst v63  }
0xc6: {  	_ =	swait.ge [sflag:s15], $0x4000  }
0xc7: {  	[sflag:s15] =	ssyncset.done $0x0  }
0xc8: {  	[sflag:s15] =	ssyncadd.s32 $0xFFFFC000  }
0xc9: {  	_ =	swait.ge [sflag:s30], $0x80  }
0xca: {  	[sflag:s30] =	ssyncset.done $0x0  }
0xcb: {  	[sflag:s30] =	ssyncadd.s32 $0xFFFFFF80  }
0xcc: {  	_ =	swait.ge [sflag:s30], $0x80  }
0xcd: {  	[sflag:s30] =	ssyncset.done $0x0  }
0xce: {  	[sflag:s30] =	ssyncadd.s32 $0xFFFFFF80  }
0xcf: {  	[tilespmem:s31], [sflag:$0x4] =	stream.indirect.gather [hbm4b:s1+s25], $0x80, s4, s25, $0xb8;
	[tilespmem:$0x1FF00] =	vst v63  }
0xd0: {  	_ =	swait.ge [sflag:s0], $0x80  }
0xd1: {  	[sflag:s0] =	ssyncset.done $0x0  }
0xd2: {  	[sflag:s0] =	ssyncadd.s32 $0xFFFFFF80  }
0xd3: {  	_ =	swait.ge [sflag:s0], $0x80  }
0xd4: {  	[sflag:s0] =	ssyncset.done $0x0  }
0xd5: {  	[sflag:s0] =	ssyncadd.s32 $0xFFFFFF80  }
0xd6: {  	[tilespmem:s2], [sflag:$0x5] =	stream.indirect.gather [hbm4b:s1+s25], $0x80, s25, s25, $0xb8;
	[tilespmem:$0x1FF00] =	vst v63  }
0xd7: {  	_ =	swait.ge [sflag:s10], $0x4000  }
0xd8: {  	[sflag:s10] =	ssyncset.done $0x0  }
0xd9: {  	[sflag:s10] =	ssyncadd.s32 $0xFFFFC000  }
0xda: {  	[spmem:s3] =	stream.indirect.scatter.add.f32 [tilespmem:s31], [sflag:$0x7], $0x80, s24, s25, $0xb8;
	[tilespmem:$0x1FF00] =	vst v63  }
0xdb: {  	_ =	swait.ge [sflag:s11], $0x4000  }
0xdc: {  	[sflag:s11] =	ssyncset.done $0x0  }
0xdd: {  	[sflag:s11] =	ssyncadd.s32 $0xFFFFC000  }
0xde: {  	[spmem:s3] =	stream.indirect.scatter.add.f32 [tilespmem:s2], [sflag:$0x8], $0x80, s26, s25, $0xb8;
	[tilespmem:$0x1FF00] =	vst v63  }
0xdf: {  	_ =	swait.ge [sflag:s13], $0x4000  }
0xe0: {  	[sflag:s13] =	ssyncset.done $0x0  }
0xe1: {  	[sflag:s13] =	ssyncadd.s32 $0xFFFFC000  }
0xe2: {  	_ =	swait.ge [sflag:s14], $0x4000  }
0xe3: {  	[sflag:s14] =	ssyncset.done $0x0  }
0xe4: {  	[sflag:s14] =	ssyncadd.s32 $0xFFFFC000  }
0xe5: {  	[bflag:$0x0] =	sbarrier.arrive $0xFFFF  }
0xe6: {  	s18 =	rddreg [dreg:$0x11]  }
0xe7: {  	[hbm:s18], [sflag:s9] =	dma.local [spmem:s17], $0x2780  }
0xe8: {  	_ =	swait.ge [sflag:s23], $0x2780  }
0xe9: {  	s16 =	sadd.s32 $0x1, s16;
	s19 =	rddreg [dreg:$0x12]  }
0xea: {  	p0 =	sne.s32 s16, s19  }
.Ltmp1:
0xeb: {  	_ = 	snop;
	(pc) =	sbr.rel @p0 .LBB2_1-.Ltmp1, $3  }
0xec: {  	_ =	sdelay $0x1  }
0xed: {  	[sflag:s23] =	ssyncset.done $0x0  }
0xee: {  	[sflag:s23] =	ssyncadd.s32 $0xFFFFD880  }
0xef: {  	_ =	sfence.sel $0x180000  }
0xf0: {  	[bflag:$0x0] =	sbarrier.arrive $0xFFFF  }
0xf1: {  	_ =	strace $0x90000047  }
0xf2: {  	s0 =	stileid.u32;
	[bflag:$0x2] =	sbarrier.arrive $0xFFFF  }
0xf3: {  	p0 =	sne.s32 s0, $0x0;
	s0 =	rddreg [dreg:$0x3]  }
0xf4: {  	s0 =	sadd.s32 @!p0 $0x100000, s0  }
0xf5: {  	[sflag:s0] =	ssyncadd.tile.s32 @!p0 $0x1;
	_ =	shalt  }
.Lfunc_end2:
_tile_overlayer_lowered:
.L_overlay_start_2:
0xf6: {  	(tag) =	ssettag $0x2  }
0xf7: {  	s0 =	rddreg [dreg:$0x0];
	s2 =	stileid.u32  }
0xf8: {  	s1 =	rddreg [dreg:$0x1];
	p0 =	sne.s32 s2, $0x0  }
0xf9: {  	s3 =	rddreg [dreg:$0x2];
	[bflag:$0x3] =	sbarrier.arrive $0xFFFF;
	s2 =	simm.s32 @!p0 $0x1C0A  }
0xfa: {  	[timem:s3], [sflag:s2] =	dma.local @!p0 [hbm:s0], s1  }
0xfb: {  	s0 =	simm.s32 @!p0 $0xA  }
0xfc: {  	_ =	swait.ge @!p0 [sflag:s0], s1  }
0xfd: {  	s1 =	ssub.s32 @!p0 $0x0, s1;
	[sflag:s0] =	ssyncset.done @!p0 $0x0  }
0xfe: {  	[sflag:s0] =	ssyncadd.s32 @!p0 s1  }
0xff: {  	[bflag:$0x3] =	sbarrier.arrive $0xFFFF  }
0x100: {  	_ =	shalt  }

// kernel: kernel.15.cloned.1.call-start
scs
__scs_entry_jumppad:
0x0: {  	(pc) =	sbr.rel $0x88, $3  }
0x1: {  	(tag) =	ssettag $0x0;
	lr =	simm.s32 $0x1  }
0x2: {  	[smem:$0x3F96] =	sst lr;
	_ =	strace $0xD0000000  }
0x3: {  	_ = 	snop  }
0x4: {  	_ = 	snop  }
0x5: {  	_ = 	snop  }
0x6: {  	_ = 	snop  }
0x7: {  	_ = 	snop  }
__scs_overlays_trampoline_lowered:
0x8: {  	[smem:$0x3FA5] =	sst s0  }
0x9: {  	[smem:$0x3FA6] =	sst s1  }
0xa: {  	[smem:$0x3FA7] =	sst s2  }
0xb: {  	[smem:$0x3FA8] =	sst s3  }
0xc: {  	[smem:$0x3FA9] =	sst s4  }
0xd: {  	[smem:$0x3FAA] =	sst s5  }
0xe: {  	[smem:$0x3FAB] =	sst s6  }
0xf: {  	[smem:$0x3FAC] =	sst s7  }
0x10: {  	[smem:$0x3FAD] =	sst s8  }
0x11: {  	[smem:$0x3FAE] =	sst s9;
	s0 =	simm.s32 @!p0 $0x0  }
0x12: {  	s1 =	sld [smem:$0x3F94];
	s0 =	simm.s32 @p0 $0x1  }
0x13: {  	[smem:$0x3FAF] =	sst s0;
	s0 =	simm.s32 @!p1 $0x0  }
0x14: {  	s2 =	sld [smem:$0x3F93];
	s0 =	simm.s32 @p1 $0x1  }
0x15: {  	[smem:$0x3FB0] =	sst s0;
	s0 =	simm.s32 @!p2 $0x0  }
0x16: {  	s3 =	sld [smem:$0x3FDB];
	s0 =	simm.s32 @p2 $0x1  }
0x17: {  	s4 =	simm.s32 $0x1BF5;
	[smem:$0x3FB2] =	sst s0  }
0x18: {  	s0 =	sld [smem:$0x3F95];
	_ =	swait.ge [sflag:s4], $0x0  }
0x19: {  	s7 =	sld [smem:$0x3F96]  }
0x1a: {  	s8 =	sadd.s32 $0xFFFFE003, lr  }
0x1b: {  	s9 =	sadd.s32 $0xFFFFFEF7, lr;
	s5 =	simm.s32 $0xFFFFFFFF;
	p2 =	slt.u32 s8, $0xFFFFF086  }
0x1c: {  	p1 =	slt.u32 s9, $0xF7A;
	s5 =	simm.s32 @!p2 $0x0  }
0x1d: {  	s5 =	simm.s32 @p1 $0x1;
	p0 =	seq.s32 s7, s2  }
0x1e: {  	s7 =	smul.u32 @!p0 $0xF7A, s2;
	p2 =	seq.s32 @!p0 s5, $0x0  }
0x1f: {  	s9 =	smul.u32 $0xF7A, s1;
	s8 =	simm.s32 @!p0 $0x1BF5;
	p2 =	por !p2, p0  }
0x20: {  	[sflag:s8] =	ssyncset.s32 @!p0 $0xFFFFF086;
	s6 =	sadd.s32 @!p0 s3, s7;
	s7 =	simm.s32 @!p0 $0x108  }
0x21: {  	s3 =	sadd.s32 s3, s9;
	s6 =	sadd.s32 @!p0 $0x88, s6;
	s7 =	simm.s32 @p2 $0x1082  }
0x22: {  	[simem:s7], [sflag:s8] =	dma.local @!p0 [hbm:s6], $0xF7A  }
0x23: {  	s9 =	sor.u32 $0xD0000000, s2;
	s6 =	simm.s32 $0x108;
	_ =	swait.ge @!p0 [sflag:s8], $0x0  }
0x24: {  	s3 =	sadd.s32 $0x88, s3;
	s6 =	simm.s32 @!p1 $0x1082;
	[sflag:s4] =	ssyncset.s32 $0xFFFFF086  }
0x25: {  	[simem:s6], [sflag:s4] =	dma.local [hbm:s3], $0xF7A  }
0x26: {  	[smem:$0x3F96] =	sst s1;
	(tag) =	ssettag s2;
	_ =	strace s9  }
0x27: {  	s1 =	sld [smem:$0x3FA6]  }
0x28: {  	s2 =	sld [smem:$0x3FA7]  }
0x29: {  	s4 =	sld [smem:$0x3FA9]  }
0x2a: {  	p0 =	seq.s32 s5, $0x0;
	s5 =	sld [smem:$0x3FAA]  }
0x2b: {  	s6 =	sld [smem:$0x3FAB]  }
0x2c: {  	s7 =	sld [smem:$0x3FAC]  }
0x2d: {  	s3 =	simm.s32 $0x108;
	s8 =	sld [smem:$0x3FAD]  }
0x2e: {  	s3 =	simm.s32 @!p0 $0x1082;
	s9 =	sld [smem:$0x3FAE]  }
0x2f: {  	lr =	sadd.s32 s0, s3;
	s0 =	sld [smem:$0x3FA5]  }
0x30: {  	s3 =	sld [smem:$0x3FA8]  }
0x31: {  	[smem:$0x3FB1] =	sst s10  }
0x32: {  	s10 =	sld [smem:$0x3FAF];
	_ =	sdelay $0x3  }
0x33: {  	p0 =	seq.s32 s10, $0x1;
	s10 =	sld [smem:$0x3FB1];
	_ =	sdelay $0x3  }
0x34: {  	[smem:$0x3FB1] =	sst s10  }
0x35: {  	s10 =	sld [smem:$0x3FB0];
	_ =	sdelay $0x3  }
0x36: {  	p1 =	seq.s32 s10, $0x1;
	s10 =	sld [smem:$0x3FB1];
	_ =	sdelay $0x3  }
0x37: {  	[smem:$0x3FB1] =	sst s10  }
0x38: {  	s10 =	sld [smem:$0x3FB2]  }
0x39: {  	_ = 	snop;
	(pc) =	sbr.ind lr, $3  }
0x3a: {  	_ = 	snop  }
0x3b: {  	_ = 	snop  }
0x3c: {  	p2 =	seq.s32 s10, $0x1;
	s10 =	sld [smem:$0x3FB1]  }
0x3d: {  	_ =	shalt  }
0x3e: {  	_ =	shalt  }
0x3f: {  	_ =	shalt  }
0x40: {  	_ =	shalt  }
0x41: {  	_ =	shalt  }
0x42: {  	_ =	shalt  }
0x43: {  	_ =	shalt  }
0x44: {  	_ =	shalt  }
0x45: {  	_ =	shalt  }
0x46: {  	_ =	shalt  }
0x47: {  	_ =	shalt  }
0x48: {  	_ =	shalt  }
0x49: {  	_ =	shalt  }
0x4a: {  	_ =	shalt  }
0x4b: {  	_ =	shalt  }
0x4c: {  	_ =	shalt  }
0x4d: {  	_ =	shalt  }
0x4e: {  	_ =	shalt  }
0x4f: {  	_ =	shalt  }
0x50: {  	_ =	shalt  }
0x51: {  	_ =	shalt  }
0x52: {  	_ =	shalt  }
0x53: {  	_ =	shalt  }
0x54: {  	_ =	shalt  }
0x55: {  	_ =	shalt  }
0x56: {  	_ =	shalt  }
0x57: {  	_ =	shalt  }
0x58: {  	_ =	shalt  }
0x59: {  	_ =	shalt  }
0x5a: {  	_ =	shalt  }
0x5b: {  	_ =	shalt  }
0x5c: {  	_ =	shalt  }
0x5d: {  	_ =	shalt  }
0x5e: {  	_ =	shalt  }
0x5f: {  	_ =	shalt  }
0x60: {  	_ =	shalt  }
0x61: {  	_ =	shalt  }
0x62: {  	_ =	shalt  }
0x63: {  	_ =	shalt  }
0x64: {  	_ =	shalt  }
0x65: {  	_ =	shalt  }
0x66: {  	_ =	shalt  }
0x67: {  	_ =	shalt  }
0x68: {  	_ =	shalt  }
0x69: {  	_ =	shalt  }
0x6a: {  	_ =	shalt  }
0x6b: {  	_ =	shalt  }
0x6c: {  	_ =	shalt  }
0x6d: {  	_ =	shalt  }
0x6e: {  	_ =	shalt  }
0x6f: {  	_ =	shalt  }
0x70: {  	_ =	shalt  }
0x71: {  	_ =	shalt  }
0x72: {  	_ =	shalt  }
0x73: {  	_ =	shalt  }
0x74: {  	_ =	shalt  }
0x75: {  	_ =	shalt  }
0x76: {  	_ =	shalt  }
0x77: {  	_ =	shalt  }
0x78: {  	_ =	shalt  }
0x79: {  	_ =	shalt  }
0x7a: {  	_ =	shalt  }
0x7b: {  	_ =	shalt  }
0x7c: {  	_ =	shalt  }
0x7d: {  	_ =	shalt  }
0x7e: {  	_ =	shalt  }
0x7f: {  	_ =	shalt  }
0x80: {  	_ =	shalt  }
0x81: {  	_ =	shalt  }
0x82: {  	_ =	shalt  }
0x83: {  	_ =	shalt  }
0x84: {  	_ =	shalt  }
0x85: {  	_ =	shalt  }
0x86: {  	_ =	shalt  }
0x87: {  	_ =	shalt  }
.Lfunc_end0:
.L_simem_size_0:
called_computation.2_lowered:
.L_overlay_start_0:
0x88: {  	s2 =	sld [smem:$0x3FD9]  }
0x89: {  	s3 =	sld [smem:$0x3FFE];
	_ =	sdelay $0x1  }
0x8a: {  	s1 =	srdreg.scid  }
0x8b: {  	s0 =	sand.u32 $0x1, s1  }
0x8c: {  	s17 =	sshll.u32 s0, $0xA;
	s2 =	sadd.s32 s3, s2  }
0x8d: {  	s2 =	sadd.s32 s2, s17  }
0x8e: {  	[smem:$0x3FBD] =	sst s2  }
0x8f: {  	_ = 	snop  }
0x90: {  	s2 =	sld [smem:$0x3FD0];
	(tm) =	ssettm $0x1  }
0x91: {  	s18 =	sld [smem:$0x3FFB];
	_ =	sdelay $0x3  }
0x92: {  	_ =	strace s18  }
0x93: {  	s3 =	sld [smem:$0x3FFC];
	_ =	sdelay $0x3  }
0x94: {  	_ =	strace s3  }
0x95: {  	s3 =	sld [smem:$0x3FFD];
	_ =	sdelay $0x3  }
0x96: {  	_ =	strace s3  }
0x97: {  	_ =	strace $0x8FFFFFFF  }
0x98: {  	s19 =	sld [smem:$0x3FDB];
	_ =	sdelay $0x1  }
0x99: {  	s4 =	simm.s32 $_scs_section_size  }
0x9a: {  	s5 =	simm.s32 $_size__tile_overlayer_lowered;
	s6 =	simm.s32 $_tile_overlayer_lowered  }
0x9b: {  	s22 =	simm.s32 $0x1BFF;
	s21 =	sshll.u32 s6, $0x1;
	s3 =	sadd.s32 s4, s19  }
0x9c: {  	s7 =	simm.s32 $0x0;
	s20 =	sshll.u32 s5, $0x1;
	s5 =	sadd.s32 s21, s3  }
0x9d: {  	[timem:s7], [sflag:s22] =	dma.local [hbm:s5], s20  }
0x9e: {  	_ =	swait.ge [sflag:s22], s20  }
0x9f: {  	s4 =	ssub.s32 $0x0, s20;
	[sflag:s22] =	ssyncset.done $0x0  }
0xa0: {  	[sflag:s22] =	ssyncadd.s32 s4;
	_ =	sdelay $0x1  }
0xa1: {  	s23 =	simm.s32 $0x1B8B  }
0xa2: {  	_ =	swait.ge [sflag:s23], $0x1  }
0xa3: {  	[sflag:s23] =	ssyncset.done $0x0  }
0xa4: {  	s25 =	simm.s32 $0x1B8E;
	s24 =	sld [smem:$0x3FFE];
	[sflag:s23] =	ssyncadd.s32 $0xFFFFFFFF  }
0xa5: {  	s26 =	simm.s32 $execute0_lowered;
	[smem:$0x3FD2] =	sst s25  }
0xa6: {  	s5 =	sshll.u32 s26, $0x1;
	_ =	strace $0x8000004C;
	[dreg:$0x1] =	wrdreg $0xFFFFFFFF  }
0xa7: {  	s28 =	simm.s32 $_size_execute0_lowered;
	s3 =	sadd.s32 s3, s5;
	[dreg:$0x0] =	wrdreg $0x0  }
0xa8: {  	s5 =	sshll.u32 s28, $0x1;
	[dreg:$0x2] =	wrdreg s3  }
0xa9: {  	[dreg:$0x3] =	wrdreg s5  }
0xaa: {  	[dreg:$0x4] =	wrdreg $0xC0  }
0xab: {  	_ =	task [dreg:s7], $0x5FFFF  }
0xac: {  	[dreg:$0x1] =	wrdreg $0xFFFFFFFF  }
0xad: {  	[dreg:$0x0] =	wrdreg $0x60  }
0xae: {  	[dreg:$0x2] =	wrdreg s2  }
0xaf: {  	[dreg:$0x3] =	wrdreg s24  }
0xb0: {  	[dreg:$0x4] =	wrdreg $0xC3000  }
0xb1: {  	[dreg:$0x5] =	wrdreg $0x9  }
0xb2: {  	_ =	task.clear_ibuf [dreg:s7], $0x6FFFF;
	_ =	strace $0x9000004C  }
0xb3: {  	s29 =	simm.s32 $0x9;
	_ =	strace $0x8000004E  }
0xb4: {  	_ =	swait.ge [sflag:s29], $0x1  }
0xb5: {  	[sflag:s29] =	ssyncadd.s32 $0xFFFFFFFF  }
0xb6: {  	_ =	strace $0x9000004E  }
0xb7: {  	_ =	sfence  }
0xb8: {  	s30 =	sld [smem:$0x0];
	_ =	sdelay $0x2  }
0xb9: {  	s31 =	sshll.u32 s1, $0xD;
	s1 =	sshrl.u32 s1, $0x2  }
0xba: {  	s3 =	sand.u32 $0x4000, s31;
	s1 =	sadd.s32 s1, s30  }
0xbb: {  	s0 =	sor.u32 s3, s0;
	s1 =	sshll.u32 s1, $0x11  }
0xbc: {  	s0 =	sor.u32 s1, s0  }
0xbd: {  	s0 =	sadd.s32 $0x8F2B, s0  }
0xbe: {  	[sflag:s0] =	ssyncadd.remote.s32 $0x1  }
0xbf: {  	_ =	sfence.sel $0xFFFF  }
0xc0: {  	[dreg:$0x0] =	wrdreg $0xFFFFFFFF;
	(pc) =	sbr.abs _section_cstart, $3  }
0xc1: {  	[dreg:$0x1] =	wrdreg $0xFFFFFFFF  }
0xc2: {  	_ =	task.clear_ibuf [dreg:s7], $0x2FFFF;
	_ =	strace $0x9FFFFFFF  }
0xc3: {  	(tm) =	ssettm $0x7FFFFFFF  }
tec
execute0_lowered:
.L_overlay_start_1:
0x0: {  	(tag) =	ssettag $0x1  }
0x1: {  	s1 =	rddreg [dreg:$0x0]  }
0x2: {  	s0 =	rddreg [dreg:$0x1]  }
0x3: {  	s3 =	rddreg [dreg:$0x2]  }
0x4: {  	s2 =	srdreg.scid;
	s13 =	stileid.u32  }
0x5: {  	s4 =	simm.s32 $0x0;
	s28 =	simm.s32 $0x100;
	s5 =	smul.u32 $0x2780, s13  }
0x6: {  	s29 =	simm.s32 $0x280;
	s30 =	simm.s32 $0x1;
	s7 =	smul.u32 $0x4F000, s13  }
0x7: {  	s31 =	simm.s32 $0x300;
	s2 =	sand.u32 $0x1, s2;
	s24 =	smul.u32 $0x2800, s13  }
0x8: {  	[smem:$0x7FF] =	sst s4;
	s10 =	sadd.s32 $0xD600, s0;
	s18 =	smul.u32 $0x500, s13  }
0x9: {  	s11 =	sadd.s32 $0x8600, s0;
	s9 =	sadd.s32 $0x17600, s0;
	s6 =	smul.u32 $0x27800, s2  }
0xa: {  	_ =	strace $0x8000004D;
	s8 =	smul.u32 $0x28000, s2;
	s2 =	ssub.s32 $0x2, s2  }
0xb: {  	[dreg:$0x5] =	wrdreg s9;
	s25 =	sshrl.u32 s2, $0x1;
	s26 =	sshrl.u32 s7, $0x2  }
0xc: {  	s21 =	sadd.s32 s18, s11;
	s5 =	sadd.s32 s5, s6;
	s2 =	ssub.s32 s2, s25  }
0xd: {  	s12 =	sadd.s32 s24, s8;
	s6 =	sshrl.u32 s24, $0x3;
	s8 =	sshll.u32 s13, $0x6  }
0xe: {  	[dreg:$0x4] =	wrdreg s21;
	s13 =	simm.s32 $0x7;
	s0 =	sadd.s32 s5, s0  }
0xf: {  	s5 =	sadd.s32 s26, s3;
	s7 =	sshrl.u32 s12, $0x3;
	s6 =	sadd.s32 s11, s6  }
0x10: {  	s9 =	sor.u32 $0x1C0A, s8;
	s2 =	smax.u32 s2, $0x1;
	s22 =	sor.u32 $0x280, s12  }
0x11: {  	s23 =	sor.u32 $0x200, s12;
	s24 =	sor.u32 $0x180, s12;
	s11 =	simm.s32 $0x5  }
0x12: {  	s12 =	simm.s32 $0x6;
	[dreg:$0x6] =	wrdreg s5;
	s14 =	sadd.s32 s10, s7  }
0x13: {  	s15 =	sadd.s32 $0x10, s6;
	s17 =	sadd.s32 $0x20, s6;
	[dreg:$0x8] =	wrdreg s6  }
0x14: {  	s20 =	sadd.s32 $0x4E0, s6;
	s6 =	sadd.s32 $0x4F0, s6;
	[dreg:$0x12] =	wrdreg s2  }
0x15: {  	s0 =	sadd.s32 $0x19E00, s0;
	s25 =	sshrl.u32 s23, $0x3;
	[dreg:$0xa] =	wrdreg s15  }
0x16: {  	s26 =	sshrl.u32 s24, $0x3;
	s23 =	simm.s32 $0xA;
	[dreg:$0xc] =	wrdreg s17  }
0x17: {  	s24 =	simm.s32 $0x180;
	s2 =	simm.s32 $0x4300;
	[dreg:$0xe] =	wrdreg s20  }
0x18: {  	s5 =	sadd.s32 $0x10, s14;
	s16 =	sadd.s32 $0x20, s14;
	[dreg:$0x7] =	wrdreg s14  }
0x19: {  	s19 =	sadd.s32 $0x4E0, s14;
	s7 =	sadd.s32 $0x4F0, s14;
	[dreg:$0x10] =	wrdreg s6  }
0x1a: {  	[dreg:$0x11] =	wrdreg s0;
	s0 =	sshrl.u32 s22, $0x3;
	s21 =	sadd.s32 s25, s10  }
0x1b: {  	s22 =	sadd.s32 s26, s10;
	s25 =	simm.s32 $0x80;
	[dreg:$0x9] =	wrdreg s5  }
0x1c: {  	s26 =	simm.s32 $0x200;
	s6 =	simm.s32 $0x8300;
	[dreg:$0xb] =	wrdreg s16  }
0x1d: {  	s14 =	simm.s32 $0x8;
	s15 =	simm.s32 $0x9;
	[dreg:$0xd] =	wrdreg s19  }
0x1e: {  	[dreg:$0xf] =	wrdreg s7;
	s20 =	sadd.s32 s0, s10;
	s0 =	simm.s32 $0x2  }
0x1f: {  	s5 =	simm.s32 $0x3;
	s10 =	simm.s32 $0x4;
	s16 =	simm.s32 $0x0  }
.LBB2_1:
0x20: {  	s7 =	rddreg [dreg:$0x6]  }
0x21: {  	s19 =	rddreg [dreg:$0x5];
	s17 =	sshrl.u32 s7, $0x3  }
0x22: {  	[spmem:s17], [sflag:s9] =	dma.local [hbm:s19], $0x2780  }
0x23: {  	_ =	swait.ge [sflag:s23], $0x2780  }
0x24: {  	[sflag:s23] =	ssyncset.done $0x0  }
0x25: {  	[sflag:s23] =	ssyncadd.s32 $0xFFFFD880  }
0x26: {  	[bflag:$0x0] =	sbarrier.arrive $0xFFFF  }
0x27: {  	s8 =	rddreg [dreg:$0x7]  }
0x28: {  	[tilespmem:s4], [sflag:$0x1] =	stream.linear.gather [hbm4b:s8+s4], $0x80, $0x38;
	[tilespmem:$0x1FF00] =	vst v63  }
0x29: {  	s18 =	rddreg [dreg:$0x8]  }
0x2a: {  	[tilespmem:s24], [sflag:$0x1] =	stream.linear.gather [hbm4b:s18+s4], $0x80, $0x38;
	[tilespmem:$0x1FF00] =	vst v63  }
0x2b: {  	s19 =	rddreg [dreg:$0x9]  }
0x2c: {  	[tilespmem:s25], [sflag:$0x2] =	stream.linear.gather [hbm4b:s19+s4], $0x80, $0x38;
	[tilespmem:$0x1FF00] =	vst v63  }
0x2d: {  	s8 =	rddreg [dreg:$0xa]  }
0x2e: {  	[tilespmem:s26], [sflag:$0x2] =	stream.linear.gather [hbm4b:s8+s4], $0x80, $0x38;
	[tilespmem:$0x1FF00] =	vst v63  }
0x2f: {  	s18 =	rddreg [dreg:$0xb]  }
0x30: {  	[tilespmem:s28], [sflag:$0x3] =	stream.linear.gather [hbm4b:s18+s4], $0x80, $0x38;
	[tilespmem:$0x1FF00] =	vst v63  }
0x31: {  	s19 =	rddreg [dreg:$0xc]  }
0x32: {  	[tilespmem:s29], [sflag:$0x3] =	stream.linear.gather [hbm4b:s19+s4], $0x80, $0x38;
	[tilespmem:$0x1FF00] =	vst v63  }
0x33: {  	_ =	swait.ge [sflag:s30], $0x80  }
0x34: {  	[sflag:s30] =	ssyncset.done $0x0  }
0x35: {  	[sflag:s30] =	ssyncadd.s32 $0xFFFFFF80  }
0x36: {  	_ =	swait.ge [sflag:s30], $0x80  }
0x37: {  	[sflag:s30] =	ssyncset.done $0x0  }
0x38: {  	[sflag:s30] =	ssyncadd.s32 $0xFFFFFF80  }
0x39: {  	[tilespmem:s31], [sflag:$0x4] =	stream.indirect.gather [hbm4b:s1+s25], $0x80, s4, s25, $0xb8;
	[tilespmem:$0x1FF00] =	vst v63  }
0x3a: {  	_ =	swait.ge [sflag:s0], $0x80  }
0x3b: {  	[sflag:s0] =	ssyncset.done $0x0  }
0x3c: {  	[sflag:s0] =	ssyncadd.s32 $0xFFFFFF80  }
0x3d: {  	_ =	swait.ge [sflag:s0], $0x80  }
0x3e: {  	[sflag:s0] =	ssyncset.done $0x0  }
0x3f: {  	[sflag:s0] =	ssyncadd.s32 $0xFFFFFF80  }
0x40: {  	[tilespmem:s2], [sflag:$0x5] =	stream.indirect.gather [hbm4b:s1+s25], $0x80, s25, s25, $0xb8;
	[tilespmem:$0x1FF00] =	vst v63  }
0x41: {  	_ =	swait.ge [sflag:s5], $0x80  }
0x42: {  	[sflag:s5] =	ssyncset.done $0x0  }
0x43: {  	[sflag:s5] =	ssyncadd.s32 $0xFFFFFF80  }
0x44: {  	_ =	swait.ge [sflag:s5], $0x80  }
0x45: {  	[sflag:s5] =	ssyncset.done $0x0  }
0x46: {  	[sflag:s5] =	ssyncadd.s32 $0xFFFFFF80  }
0x47: {  	[tilespmem:s6], [sflag:$0x6] =	stream.indirect.gather [hbm4b:s1+s25], $0x80, s28, s25, $0xb8;
	[tilespmem:$0x1FF00] =	vst v63  }
0x48: {  	_ =	swait.ge [sflag:s10], $0x4000  }
0x49: {  	[sflag:s10] =	ssyncset.done $0x0  }
0x4a: {  	[sflag:s10] =	ssyncadd.s32 $0xFFFFC000  }
0x4b: {  	[spmem:s3] =	stream.indirect.scatter.add.f32 [tilespmem:s31], [sflag:$0x7], $0x80, s24, s25, $0xb8;
	[tilespmem:$0x1FF00] =	vst v63  }
0x4c: {  	_ =	swait.ge [sflag:s11], $0x4000  }
0x4d: {  	[sflag:s11] =	ssyncset.done $0x0  }
0x4e: {  	[sflag:s11] =	ssyncadd.s32 $0xFFFFC000  }
0x4f: {  	[spmem:s3] =	stream.indirect.scatter.add.f32 [tilespmem:s2], [sflag:$0x8], $0x80, s26, s25, $0xb8;
	[tilespmem:$0x1FF00] =	vst v63  }
0x50: {  	_ =	swait.ge [sflag:s12], $0x4000  }
0x51: {  	[sflag:s12] =	ssyncset.done $0x0  }
0x52: {  	[sflag:s12] =	ssyncadd.s32 $0xFFFFC000  }
0x53: {  	[spmem:s3] =	stream.indirect.scatter.add.f32 [tilespmem:s6], [sflag:$0x9], $0x80, s29, s25, $0xb8;
	[tilespmem:$0x1FF00] =	vst v63  }
0x54: {  	_ =	swait.ge [sflag:s13], $0x4000  }
0x55: {  	[sflag:s13] =	ssyncset.done $0x0;
	s18 =	rddreg [dreg:$0x4]  }
0x56: {  	s19 =	sadd.s32 $0x0, s22;
	[sflag:s13] =	ssyncadd.s32 $0xFFFFC000;
	s18 =	sadd.s32 $0x0, s18  }
0x57: {  	[tilespmem:s4], [sflag:$0x1] =	stream.linear.gather [hbm4b:s19+s4], $0x80, $0x38;
	[tilespmem:$0x1FF00] =	vst v63  }
0x58: {  	s7 =	sadd.s32 $0x30, s18  }
0x59: {  	[tilespmem:s24], [sflag:$0x1] =	stream.linear.gather [hbm4b:s7+s4], $0x80, $0x38;
	[tilespmem:$0x1FF00] =	vst v63  }
0x5a: {  	_ =	swait.ge [sflag:s14], $0x4000  }
0x5b: {  	[sflag:s14] =	ssyncset.done $0x0  }
0x5c: {  	s8 =	sadd.s32 $0x0, s21;
	[sflag:s14] =	ssyncadd.s32 $0xFFFFC000  }
0x5d: {  	[tilespmem:s25], [sflag:$0x2] =	stream.linear.gather [hbm4b:s8+s4], $0x80, $0x38;
	[tilespmem:$0x1FF00] =	vst v63  }
0x5e: {  	s7 =	sadd.s32 $0x40, s18  }
0x5f: {  	[tilespmem:s26], [sflag:$0x2] =	stream.linear.gather [hbm4b:s7+s4], $0x80, $0x38;
	[tilespmem:$0x1FF00] =	vst v63  }
0x60: {  	_ =	swait.ge [sflag:s15], $0x4000  }
0x61: {  	[sflag:s15] =	ssyncset.done $0x0  }
0x62: {  	s8 =	sadd.s32 $0x0, s20;
	[sflag:s15] =	ssyncadd.s32 $0xFFFFC000  }
0x63: {  	[tilespmem:s28], [sflag:$0x3] =	stream.linear.gather [hbm4b:s8+s4], $0x80, $0x38;
	[tilespmem:$0x1FF00] =	vst v63  }
0x64: {  	s18 =	sadd.s32 $0x50, s18  }
0x65: {  	[tilespmem:s29], [sflag:$0x3] =	stream.linear.gather [hbm4b:s18+s4], $0x80, $0x38;
	[tilespmem:$0x1FF00] =	vst v63  }
0x66: {  	_ =	swait.ge [sflag:s30], $0x80  }
0x67: {  	[sflag:s30] =	ssyncset.done $0x0  }
0x68: {  	[sflag:s30] =	ssyncadd.s32 $0xFFFFFF80  }
0x69: {  	_ =	swait.ge [sflag:s30], $0x80  }
0x6a: {  	[sflag:s30] =	ssyncset.done $0x0  }
0x6b: {  	[sflag:s30] =	ssyncadd.s32 $0xFFFFFF80  }
0x6c: {  	[tilespmem:s31], [sflag:$0x4] =	stream.indirect.gather [hbm4b:s1+s25], $0x80, s4, s25, $0xb8;
	[tilespmem:$0x1FF00] =	vst v63  }
0x6d: {  	_ =	swait.ge [sflag:s0], $0x80  }
0x6e: {  	[sflag:s0] =	ssyncset.done $0x0  }
0x6f: {  	[sflag:s0] =	ssyncadd.s32 $0xFFFFFF80  }
0x70: {  	_ =	swait.ge [sflag:s0], $0x80  }
0x71: {  	[sflag:s0] =	ssyncset.done $0x0  }
0x72: {  	[sflag:s0] =	ssyncadd.s32 $0xFFFFFF80  }
0x73: {  	[tilespmem:s2], [sflag:$0x5] =	stream.indirect.gather [hbm4b:s1+s25], $0x80, s25, s25, $0xb8;
	[tilespmem:$0x1FF00] =	vst v63  }
0x74: {  	_ =	swait.ge [sflag:s5], $0x80  }
0x75: {  	[sflag:s5] =	ssyncset.done $0x0  }
0x76: {  	[sflag:s5] =	ssyncadd.s32 $0xFFFFFF80  }
0x77: {  	_ =	swait.ge [sflag:s5], $0x80  }
0x78: {  	[sflag:s5] =	ssyncset.done $0x0  }
0x79: {  	s18 =	simm.s32 $0x30;
	[sflag:s5] =	ssyncadd.s32 $0xFFFFFF80  }
.LBB2_2:
0x7a: {  	[tilespmem:s6], [sflag:$0x6] =	stream.indirect.gather [hbm4b:s1+s25], $0x80, s28, s25, $0xb8;
	[tilespmem:$0x1FF00] =	vst v63  }
0x7b: {  	_ =	swait.ge [sflag:s10], $0x4000  }
0x7c: {  	[sflag:s10] =	ssyncset.done $0x0  }
0x7d: {  	[sflag:s10] =	ssyncadd.s32 $0xFFFFC000  }
0x7e: {  	[spmem:s3] =	stream.indirect.scatter.add.f32 [tilespmem:s31], [sflag:$0x7], $0x80, s24, s25, $0xb8;
	[tilespmem:$0x1FF00] =	vst v63  }
0x7f: {  	_ =	swait.ge [sflag:s11], $0x4000  }
0x80: {  	[sflag:s11] =	ssyncset.done $0x0  }
0x81: {  	[sflag:s11] =	ssyncadd.s32 $0xFFFFC000  }
0x82: {  	[spmem:s3] =	stream.indirect.scatter.add.f32 [tilespmem:s2], [sflag:$0x8], $0x80, s26, s25, $0xb8;
	[tilespmem:$0x1FF00] =	vst v63  }
0x83: {  	_ =	swait.ge [sflag:s12], $0x4000  }
0x84: {  	[sflag:s12] =	ssyncset.done $0x0  }
0x85: {  	[sflag:s12] =	ssyncadd.s32 $0xFFFFC000  }
0x86: {  	[spmem:s3] =	stream.indirect.scatter.add.f32 [tilespmem:s6], [sflag:$0x9], $0x80, s29, s25, $0xb8;
	[tilespmem:$0x1FF00] =	vst v63  }
0x87: {  	_ =	swait.ge [sflag:s13], $0x4000  }
0x88: {  	s19 =	smov.u32 s18;
	[sflag:s13] =	ssyncset.done $0x0;
	s7 =	rddreg [dreg:$0x4]  }
0x89: {  	s8 =	sadd.s32 s19, s22;
	[sflag:s13] =	ssyncadd.s32 $0xFFFFC000;
	s7 =	sadd.s32 s19, s7  }
0x8a: {  	[tilespmem:s4], [sflag:$0x1] =	stream.linear.gather [hbm4b:s8+s4], $0x80, $0x38;
	[tilespmem:$0x1FF00] =	vst v63  }
0x8b: {  	s8 =	sadd.s32 $0x30, s7  }
0x8c: {  	[tilespmem:s24], [sflag:$0x1] =	stream.linear.gather [hbm4b:s8+s4], $0x80, $0x38;
	[tilespmem:$0x1FF00] =	vst v63  }
0x8d: {  	_ =	swait.ge [sflag:s14], $0x4000  }
0x8e: {  	[sflag:s14] =	ssyncset.done $0x0  }
0x8f: {  	s8 =	sadd.s32 s19, s21;
	[sflag:s14] =	ssyncadd.s32 $0xFFFFC000  }
0x90: {  	[tilespmem:s25], [sflag:$0x2] =	stream.linear.gather [hbm4b:s8+s4], $0x80, $0x38;
	[tilespmem:$0x1FF00] =	vst v63  }
0x91: {  	s8 =	sadd.s32 $0x40, s7  }
0x92: {  	[tilespmem:s26], [sflag:$0x2] =	stream.linear.gather [hbm4b:s8+s4], $0x80, $0x38;
	[tilespmem:$0x1FF00] =	vst v63  }
0x93: {  	_ =	swait.ge [sflag:s15], $0x4000  }
0x94: {  	[sflag:s15] =	ssyncset.done $0x0  }
0x95: {  	s19 =	sadd.s32 s19, s20;
	[sflag:s15] =	ssyncadd.s32 $0xFFFFC000  }
0x96: {  	[tilespmem:s28], [sflag:$0x3] =	stream.linear.gather [hbm4b:s19+s4], $0x80, $0x38;
	[tilespmem:$0x1FF00] =	vst v63  }
0x97: {  	s7 =	sadd.s32 $0x50, s7  }
0x98: {  	[tilespmem:s29], [sflag:$0x3] =	stream.linear.gather [hbm4b:s7+s4], $0x80, $0x38;
	[tilespmem:$0x1FF00] =	vst v63  }
0x99: {  	_ =	swait.ge [sflag:s30], $0x80  }
0x9a: {  	[sflag:s30] =	ssyncset.done $0x0  }
0x9b: {  	[sflag:s30] =	ssyncadd.s32 $0xFFFFFF80  }
0x9c: {  	_ =	swait.ge [sflag:s30], $0x80  }
0x9d: {  	[sflag:s30] =	ssyncset.done $0x0  }
0x9e: {  	[sflag:s30] =	ssyncadd.s32 $0xFFFFFF80  }
0x9f: {  	[tilespmem:s31], [sflag:$0x4] =	stream.indirect.gather [hbm4b:s1+s25], $0x80, s4, s25, $0xb8;
	[tilespmem:$0x1FF00] =	vst v63  }
0xa0: {  	_ =	swait.ge [sflag:s0], $0x80  }
0xa1: {  	[sflag:s0] =	ssyncset.done $0x0  }
0xa2: {  	[sflag:s0] =	ssyncadd.s32 $0xFFFFFF80  }
0xa3: {  	_ =	swait.ge [sflag:s0], $0x80  }
0xa4: {  	[sflag:s0] =	ssyncset.done $0x0  }
0xa5: {  	[sflag:s0] =	ssyncadd.s32 $0xFFFFFF80  }
0xa6: {  	[tilespmem:s2], [sflag:$0x5] =	stream.indirect.gather [hbm4b:s1+s25], $0x80, s25, s25, $0xb8;
	[tilespmem:$0x1FF00] =	vst v63  }
0xa7: {  	p0 =	sne.s32 s18, $0x480;
	_ =	swait.ge [sflag:s5], $0x80  }
.Ltmp0:
0xa8: {  	[sflag:s5] =	ssyncset.done $0x0;
	(pc) =	sbr.rel @p0 .LBB2_2-.Ltmp0, $4  }
0xa9: {  	[sflag:s5] =	ssyncadd.s32 $0xFFFFFF80  }
0xaa: {  	_ =	swait.ge [sflag:s5], $0x80  }
0xab: {  	[sflag:s5] =	ssyncset.done $0x0  }
0xac: {  	s18 =	sadd.s32 $0x30, s18;
	[sflag:s5] =	ssyncadd.s32 $0xFFFFFF80  }
0xad: {  	[tilespmem:s6], [sflag:$0x6] =	stream.indirect.gather [hbm4b:s1+s25], $0x80, s28, s25, $0xb8;
	[tilespmem:$0x1FF00] =	vst v63  }
0xae: {  	_ =	swait.ge [sflag:s10], $0x4000  }
0xaf: {  	[sflag:s10] =	ssyncset.done $0x0  }
0xb0: {  	[sflag:s10] =	ssyncadd.s32 $0xFFFFC000  }
0xb1: {  	[spmem:s3] =	stream.indirect.scatter.add.f32 [tilespmem:s31], [sflag:$0x7], $0x80, s24, s25, $0xb8;
	[tilespmem:$0x1FF00] =	vst v63  }
0xb2: {  	_ =	swait.ge [sflag:s11], $0x4000  }
0xb3: {  	[sflag:s11] =	ssyncset.done $0x0  }
0xb4: {  	[sflag:s11] =	ssyncadd.s32 $0xFFFFC000  }
0xb5: {  	[spmem:s3] =	stream.indirect.scatter.add.f32 [tilespmem:s2], [sflag:$0x8], $0x80, s26, s25, $0xb8;
	[tilespmem:$0x1FF00] =	vst v63  }
0xb6: {  	_ =	swait.ge [sflag:s12], $0x4000  }
0xb7: {  	[sflag:s12] =	ssyncset.done $0x0  }
0xb8: {  	[sflag:s12] =	ssyncadd.s32 $0xFFFFC000  }
0xb9: {  	[spmem:s3] =	stream.indirect.scatter.add.f32 [tilespmem:s6], [sflag:$0x9], $0x80, s29, s25, $0xb8;
	[tilespmem:$0x1FF00] =	vst v63  }
0xba: {  	_ =	swait.ge [sflag:s13], $0x4000  }
0xbb: {  	[sflag:s13] =	ssyncset.done $0x0  }
0xbc: {  	s7 =	rddreg [dreg:$0xd];
	[sflag:s13] =	ssyncadd.s32 $0xFFFFC000  }
0xbd: {  	[tilespmem:s4], [sflag:$0x1] =	stream.linear.gather [hbm4b:s7+s4], $0x80, $0x38;
	[tilespmem:$0x1FF00] =	vst v63  }
0xbe: {  	s18 =	rddreg [dreg:$0xe]  }
0xbf: {  	[tilespmem:s24], [sflag:$0x1] =	stream.linear.gather [hbm4b:s18+s4], $0x80, $0x38;
	[tilespmem:$0x1FF00] =	vst v63  }
0xc0: {  	_ =	swait.ge [sflag:s14], $0x4000  }
0xc1: {  	[sflag:s14] =	ssyncset.done $0x0  }
0xc2: {  	s19 =	rddreg [dreg:$0xf];
	[sflag:s14] =	ssyncadd.s32 $0xFFFFC000  }
0xc3: {  	[tilespmem:s25], [sflag:$0x2] =	stream.linear.gather [hbm4b:s19+s4], $0x80, $0x38;
	[tilespmem:$0x1FF00] =	vst v63  }
0xc4: {  	s8 =	rddreg [dreg:$0x10]  }
0xc5: {  	[tilespmem:s26], [sflag:$0x2] =	stream.linear.gather [hbm4b:s8+s4], $0x80, $0x38;
	[tilespmem:$0x1FF00] =	vst v63  }
0xc6: {  	_ =	swait.ge [sflag:s15], $0x4000  }
0xc7: {  	[sflag:s15] =	ssyncset.done $0x0  }
0xc8: {  	[sflag:s15] =	ssyncadd.s32 $0xFFFFC000  }
0xc9: {  	_ =	swait.ge [sflag:s30], $0x80  }
0xca: {  	[sflag:s30] =	ssyncset.done $0x0  }
0xcb: {  	[sflag:s30] =	ssyncadd.s32 $0xFFFFFF80  }
0xcc: {  	_ =	swait.ge [sflag:s30], $0x80  }
0xcd: {  	[sflag:s30] =	ssyncset.done $0x0  }
0xce: {  	[sflag:s30] =	ssyncadd.s32 $0xFFFFFF80  }
0xcf: {  	[tilespmem:s31], [sflag:$0x4] =	stream.indirect.gather [hbm4b:s1+s25], $0x80, s4, s25, $0xb8;
	[tilespmem:$0x1FF00] =	vst v63  }
0xd0: {  	_ =	swait.ge [sflag:s0], $0x80  }
0xd1: {  	[sflag:s0] =	ssyncset.done $0x0  }
0xd2: {  	[sflag:s0] =	ssyncadd.s32 $0xFFFFFF80  }
0xd3: {  	_ =	swait.ge [sflag:s0], $0x80  }
0xd4: {  	[sflag:s0] =	ssyncset.done $0x0  }
0xd5: {  	[sflag:s0] =	ssyncadd.s32 $0xFFFFFF80  }
0xd6: {  	[tilespmem:s2], [sflag:$0x5] =	stream.indirect.gather [hbm4b:s1+s25], $0x80, s25, s25, $0xb8;
	[tilespmem:$0x1FF00] =	vst v63  }
0xd7: {  	_ =	swait.ge [sflag:s10], $0x4000  }
0xd8: {  	[sflag:s10] =	ssyncset.done $0x0  }
0xd9: {  	[sflag:s10] =	ssyncadd.s32 $0xFFFFC000  }
0xda: {  	[spmem:s3] =	stream.indirect.scatter.add.f32 [tilespmem:s31], [sflag:$0x7], $0x80, s24, s25, $0xb8;
	[tilespmem:$0x1FF00] =	vst v63  }
0xdb: {  	_ =	swait.ge [sflag:s11], $0x4000  }
0xdc: {  	[sflag:s11] =	ssyncset.done $0x0  }
0xdd: {  	[sflag:s11] =	ssyncadd.s32 $0xFFFFC000  }
0xde: {  	[spmem:s3] =	stream.indirect.scatter.add.f32 [tilespmem:s2], [sflag:$0x8], $0x80, s26, s25, $0xb8;
	[tilespmem:$0x1FF00] =	vst v63  }
0xdf: {  	_ =	swait.ge [sflag:s13], $0x4000  }
0xe0: {  	[sflag:s13] =	ssyncset.done $0x0  }
0xe1: {  	[sflag:s13] =	ssyncadd.s32 $0xFFFFC000  }
0xe2: {  	_ =	swait.ge [sflag:s14], $0x4000  }
0xe3: {  	[sflag:s14] =	ssyncset.done $0x0  }
0xe4: {  	[sflag:s14] =	ssyncadd.s32 $0xFFFFC000  }
0xe5: {  	[bflag:$0x0] =	sbarrier.arrive $0xFFFF  }
0xe6: {  	s18 =	rddreg [dreg:$0x11]  }
0xe7: {  	[hbm:s18], [sflag:s9] =	dma.local [spmem:s17], $0x2780  }
0xe8: {  	_ =	swait.ge [sflag:s23], $0x2780  }
0xe9: {  	s16 =	sadd.s32 $0x1, s16;
	s19 =	rddreg [dreg:$0x12]  }
0xea: {  	p0 =	sne.s32 s16, s19  }
.Ltmp1:
0xeb: {  	_ = 	snop;
	(pc) =	sbr.rel @p0 .LBB2_1-.Ltmp1, $3  }
0xec: {  	_ =	sdelay $0x1  }
0xed: {  	[sflag:s23] =	ssyncset.done $0x0  }
0xee: {  	[sflag:s23] =	ssyncadd.s32 $0xFFFFD880  }
0xef: {  	_ =	sfence.sel $0x180000  }
0xf0: {  	[bflag:$0x0] =	sbarrier.arrive $0xFFFF  }
0xf1: {  	_ =	strace $0x9000004D  }
0xf2: {  	s0 =	stileid.u32;
	[bflag:$0x2] =	sbarrier.arrive $0xFFFF  }
0xf3: {  	p0 =	sne.s32 s0, $0x0;
	s0 =	rddreg [dreg:$0x3]  }
0xf4: {  	s0 =	sadd.s32 @!p0 $0x100000, s0  }
0xf5: {  	[sflag:s0] =	ssyncadd.tile.s32 @!p0 $0x1;
	_ =	shalt  }
.Lfunc_end2:
_tile_overlayer_lowered:
.L_overlay_start_2:
0xf6: {  	(tag) =	ssettag $0x2  }
0xf7: {  	s0 =	rddreg [dreg:$0x0];
	s2 =	stileid.u32  }
0xf8: {  	s1 =	rddreg [dreg:$0x1];
	p0 =	sne.s32 s2, $0x0  }
0xf9: {  	s3 =	rddreg [dreg:$0x2];
	[bflag:$0x3] =	sbarrier.arrive $0xFFFF;
	s2 =	simm.s32 @!p0 $0x1C0A  }
0xfa: {  	[timem:s3], [sflag:s2] =	dma.local @!p0 [hbm:s0], s1  }
0xfb: {  	s0 =	simm.s32 @!p0 $0xA  }
0xfc: {  	_ =	swait.ge @!p0 [sflag:s0], s1  }
0xfd: {  	s1 =	ssub.s32 @!p0 $0x0, s1;
	[sflag:s0] =	ssyncset.done @!p0 $0x0  }
0xfe: {  	[sflag:s0] =	ssyncadd.s32 @!p0 s1  }
0xff: {  	[bflag:$0x3] =	sbarrier.arrive $0xFFFF  }
0x100: {  	_ =	shalt  }

// kernel: kernel.18.cloned.1.call-start
scs
__scs_entry_jumppad:
0x0: {  	(pc) =	sbr.rel $0x88, $3  }
0x1: {  	(tag) =	ssettag $0x0;
	lr =	simm.s32 $0x1  }
0x2: {  	[smem:$0x3F96] =	sst lr;
	_ =	strace $0xD0000000  }
0x3: {  	_ = 	snop  }
0x4: {  	_ = 	snop  }
0x5: {  	_ = 	snop  }
0x6: {  	_ = 	snop  }
0x7: {  	_ = 	snop  }
__scs_overlays_trampoline_lowered:
0x8: {  	[smem:$0x3FA5] =	sst s0  }
0x9: {  	[smem:$0x3FA6] =	sst s1  }
0xa: {  	[smem:$0x3FA7] =	sst s2  }
0xb: {  	[smem:$0x3FA8] =	sst s3  }
0xc: {  	[smem:$0x3FA9] =	sst s4  }
0xd: {  	[smem:$0x3FAA] =	sst s5  }
0xe: {  	[smem:$0x3FAB] =	sst s6  }
0xf: {  	[smem:$0x3FAC] =	sst s7  }
0x10: {  	[smem:$0x3FAD] =	sst s8  }
0x11: {  	[smem:$0x3FAE] =	sst s9;
	s0 =	simm.s32 @!p0 $0x0  }
0x12: {  	s1 =	sld [smem:$0x3F94];
	s0 =	simm.s32 @p0 $0x1  }
0x13: {  	[smem:$0x3FAF] =	sst s0;
	s0 =	simm.s32 @!p1 $0x0  }
0x14: {  	s2 =	sld [smem:$0x3F93];
	s0 =	simm.s32 @p1 $0x1  }
0x15: {  	[smem:$0x3FB0] =	sst s0;
	s0 =	simm.s32 @!p2 $0x0  }
0x16: {  	s3 =	sld [smem:$0x3FDB];
	s0 =	simm.s32 @p2 $0x1  }
0x17: {  	s4 =	simm.s32 $0x1BF5;
	[smem:$0x3FB2] =	sst s0  }
0x18: {  	s0 =	sld [smem:$0x3F95];
	_ =	swait.ge [sflag:s4], $0x0  }
0x19: {  	s7 =	sld [smem:$0x3F96]  }
0x1a: {  	s8 =	sadd.s32 $0xFFFFE003, lr  }
0x1b: {  	s9 =	sadd.s32 $0xFFFFFEF7, lr;
	s5 =	simm.s32 $0xFFFFFFFF;
	p2 =	slt.u32 s8, $0xFFFFF086  }
0x1c: {  	p1 =	slt.u32 s9, $0xF7A;
	s5 =	simm.s32 @!p2 $0x0  }
0x1d: {  	s5 =	simm.s32 @p1 $0x1;
	p0 =	seq.s32 s7, s2  }
0x1e: {  	s7 =	smul.u32 @!p0 $0xF7A, s2;
	p2 =	seq.s32 @!p0 s5, $0x0  }
0x1f: {  	s9 =	smul.u32 $0xF7A, s1;
	s8 =	simm.s32 @!p0 $0x1BF5;
	p2 =	por !p2, p0  }
0x20: {  	[sflag:s8] =	ssyncset.s32 @!p0 $0xFFFFF086;
	s6 =	sadd.s32 @!p0 s3, s7;
	s7 =	simm.s32 @!p0 $0x108  }
0x21: {  	s3 =	sadd.s32 s3, s9;
	s6 =	sadd.s32 @!p0 $0x88, s6;
	s7 =	simm.s32 @p2 $0x1082  }
0x22: {  	[simem:s7], [sflag:s8] =	dma.local @!p0 [hbm:s6], $0xF7A  }
0x23: {  	s9 =	sor.u32 $0xD0000000, s2;
	s6 =	simm.s32 $0x108;
	_ =	swait.ge @!p0 [sflag:s8], $0x0  }
0x24: {  	s3 =	sadd.s32 $0x88, s3;
	s6 =	simm.s32 @!p1 $0x1082;
	[sflag:s4] =	ssyncset.s32 $0xFFFFF086  }
0x25: {  	[simem:s6], [sflag:s4] =	dma.local [hbm:s3], $0xF7A  }
0x26: {  	[smem:$0x3F96] =	sst s1;
	(tag) =	ssettag s2;
	_ =	strace s9  }
0x27: {  	s1 =	sld [smem:$0x3FA6]  }
0x28: {  	s2 =	sld [smem:$0x3FA7]  }
0x29: {  	s4 =	sld [smem:$0x3FA9]  }
0x2a: {  	p0 =	seq.s32 s5, $0x0;
	s5 =	sld [smem:$0x3FAA]  }
0x2b: {  	s6 =	sld [smem:$0x3FAB]  }
0x2c: {  	s7 =	sld [smem:$0x3FAC]  }
0x2d: {  	s3 =	simm.s32 $0x108;
	s8 =	sld [smem:$0x3FAD]  }
0x2e: {  	s3 =	simm.s32 @!p0 $0x1082;
	s9 =	sld [smem:$0x3FAE]  }
0x2f: {  	lr =	sadd.s32 s0, s3;
	s0 =	sld [smem:$0x3FA5]  }
0x30: {  	s3 =	sld [smem:$0x3FA8]  }
0x31: {  	[smem:$0x3FB1] =	sst s10  }
0x32: {  	s10 =	sld [smem:$0x3FAF];
	_ =	sdelay $0x3  }
0x33: {  	p0 =	seq.s32 s10, $0x1;
	s10 =	sld [smem:$0x3FB1];
	_ =	sdelay $0x3  }
0x34: {  	[smem:$0x3FB1] =	sst s10  }
0x35: {  	s10 =	sld [smem:$0x3FB0];
	_ =	sdelay $0x3  }
0x36: {  	p1 =	seq.s32 s10, $0x1;
	s10 =	sld [smem:$0x3FB1];
	_ =	sdelay $0x3  }
0x37: {  	[smem:$0x3FB1] =	sst s10  }
0x38: {  	s10 =	sld [smem:$0x3FB2]  }
0x39: {  	_ = 	snop;
	(pc) =	sbr.ind lr, $3  }
0x3a: {  	_ = 	snop  }
0x3b: {  	_ = 	snop  }
0x3c: {  	p2 =	seq.s32 s10, $0x1;
	s10 =	sld [smem:$0x3FB1]  }
0x3d: {  	_ =	shalt  }
0x3e: {  	_ =	shalt  }
0x3f: {  	_ =	shalt  }
0x40: {  	_ =	shalt  }
0x41: {  	_ =	shalt  }
0x42: {  	_ =	shalt  }
0x43: {  	_ =	shalt  }
0x44: {  	_ =	shalt  }
0x45: {  	_ =	shalt  }
0x46: {  	_ =	shalt  }
0x47: {  	_ =	shalt  }
0x48: {  	_ =	shalt  }
0x49: {  	_ =	shalt  }
0x4a: {  	_ =	shalt  }
0x4b: {  	_ =	shalt  }
0x4c: {  	_ =	shalt  }
0x4d: {  	_ =	shalt  }
0x4e: {  	_ =	shalt  }
0x4f: {  	_ =	shalt  }
0x50: {  	_ =	shalt  }
0x51: {  	_ =	shalt  }
0x52: {  	_ =	shalt  }
0x53: {  	_ =	shalt  }
0x54: {  	_ =	shalt  }
0x55: {  	_ =	shalt  }
0x56: {  	_ =	shalt  }
0x57: {  	_ =	shalt  }
0x58: {  	_ =	shalt  }
0x59: {  	_ =	shalt  }
0x5a: {  	_ =	shalt  }
0x5b: {  	_ =	shalt  }
0x5c: {  	_ =	shalt  }
0x5d: {  	_ =	shalt  }
0x5e: {  	_ =	shalt  }
0x5f: {  	_ =	shalt  }
0x60: {  	_ =	shalt  }
0x61: {  	_ =	shalt  }
0x62: {  	_ =	shalt  }
0x63: {  	_ =	shalt  }
0x64: {  	_ =	shalt  }
0x65: {  	_ =	shalt  }
0x66: {  	_ =	shalt  }
0x67: {  	_ =	shalt  }
0x68: {  	_ =	shalt  }
0x69: {  	_ =	shalt  }
0x6a: {  	_ =	shalt  }
0x6b: {  	_ =	shalt  }
0x6c: {  	_ =	shalt  }
0x6d: {  	_ =	shalt  }
0x6e: {  	_ =	shalt  }
0x6f: {  	_ =	shalt  }
0x70: {  	_ =	shalt  }
0x71: {  	_ =	shalt  }
0x72: {  	_ =	shalt  }
0x73: {  	_ =	shalt  }
0x74: {  	_ =	shalt  }
0x75: {  	_ =	shalt  }
0x76: {  	_ =	shalt  }
0x77: {  	_ =	shalt  }
0x78: {  	_ =	shalt  }
0x79: {  	_ =	shalt  }
0x7a: {  	_ =	shalt  }
0x7b: {  	_ =	shalt  }
0x7c: {  	_ =	shalt  }
0x7d: {  	_ =	shalt  }
0x7e: {  	_ =	shalt  }
0x7f: {  	_ =	shalt  }
0x80: {  	_ =	shalt  }
0x81: {  	_ =	shalt  }
0x82: {  	_ =	shalt  }
0x83: {  	_ =	shalt  }
0x84: {  	_ =	shalt  }
0x85: {  	_ =	shalt  }
0x86: {  	_ =	shalt  }
0x87: {  	_ =	shalt  }
.Lfunc_end0:
.L_simem_size_0:
called_computation.3_lowered:
.L_overlay_start_0:
0x88: {  	s2 =	sld [smem:$0x3FD9]  }
0x89: {  	s3 =	sld [smem:$0x3FFE];
	_ =	sdelay $0x1  }
0x8a: {  	s1 =	srdreg.scid  }
0x8b: {  	s0 =	sand.u32 $0x1, s1  }
0x8c: {  	s17 =	sshll.u32 s0, $0xA;
	s2 =	sadd.s32 s3, s2  }
0x8d: {  	s2 =	sadd.s32 s2, s17  }
0x8e: {  	[smem:$0x3FBD] =	sst s2  }
0x8f: {  	_ = 	snop  }
0x90: {  	s2 =	sld [smem:$0x3FD0];
	(tm) =	ssettm $0x1  }
0x91: {  	s18 =	sld [smem:$0x3FFB];
	_ =	sdelay $0x3  }
0x92: {  	_ =	strace s18  }
0x93: {  	s3 =	sld [smem:$0x3FFC];
	_ =	sdelay $0x3  }
0x94: {  	_ =	strace s3  }
0x95: {  	s3 =	sld [smem:$0x3FFD];
	_ =	sdelay $0x3  }
0x96: {  	_ =	strace s3  }
0x97: {  	_ =	strace $0x8FFFFFFF  }
0x98: {  	s19 =	sld [smem:$0x3FDB];
	_ =	sdelay $0x1  }
0x99: {  	s4 =	simm.s32 $_scs_section_size  }
0x9a: {  	s5 =	simm.s32 $_size__tile_overlayer_lowered;
	s6 =	simm.s32 $_tile_overlayer_lowered  }
0x9b: {  	s22 =	simm.s32 $0x1BFF;
	s21 =	sshll.u32 s6, $0x1;
	s3 =	sadd.s32 s4, s19  }
0x9c: {  	s7 =	simm.s32 $0x0;
	s20 =	sshll.u32 s5, $0x1;
	s5 =	sadd.s32 s21, s3  }
0x9d: {  	[timem:s7], [sflag:s22] =	dma.local [hbm:s5], s20  }
0x9e: {  	_ =	swait.ge [sflag:s22], s20  }
0x9f: {  	s4 =	ssub.s32 $0x0, s20;
	[sflag:s22] =	ssyncset.done $0x0  }
0xa0: {  	[sflag:s22] =	ssyncadd.s32 s4;
	_ =	sdelay $0x1  }
0xa1: {  	s23 =	simm.s32 $0x1B8B  }
0xa2: {  	_ =	swait.ge [sflag:s23], $0x1  }
0xa3: {  	[sflag:s23] =	ssyncset.done $0x0  }
0xa4: {  	s25 =	simm.s32 $0x1B8E;
	s24 =	sld [smem:$0x3FFE];
	[sflag:s23] =	ssyncadd.s32 $0xFFFFFFFF  }
0xa5: {  	s26 =	simm.s32 $execute0_lowered;
	[smem:$0x3FD2] =	sst s25  }
0xa6: {  	s5 =	sshll.u32 s26, $0x1;
	_ =	strace $0x8000004F;
	[dreg:$0x1] =	wrdreg $0xFFFFFFFF  }
0xa7: {  	s28 =	simm.s32 $_size_execute0_lowered;
	s3 =	sadd.s32 s3, s5;
	[dreg:$0x0] =	wrdreg $0x0  }
0xa8: {  	s5 =	sshll.u32 s28, $0x1;
	[dreg:$0x2] =	wrdreg s3  }
0xa9: {  	[dreg:$0x3] =	wrdreg s5  }
0xaa: {  	[dreg:$0x4] =	wrdreg $0xC0  }
0xab: {  	_ =	task [dreg:s7], $0x5FFFF  }
0xac: {  	[dreg:$0x1] =	wrdreg $0xFFFFFFFF  }
0xad: {  	[dreg:$0x0] =	wrdreg $0x60  }
0xae: {  	[dreg:$0x2] =	wrdreg s2  }
0xaf: {  	[dreg:$0x3] =	wrdreg s24  }
0xb0: {  	[dreg:$0x4] =	wrdreg $0xC3000  }
0xb1: {  	[dreg:$0x5] =	wrdreg $0x9  }
0xb2: {  	_ =	task.clear_ibuf [dreg:s7], $0x6FFFF;
	_ =	strace $0x9000004F  }
0xb3: {  	s29 =	simm.s32 $0x9;
	_ =	strace $0x80000051  }
0xb4: {  	_ =	swait.ge [sflag:s29], $0x1  }
0xb5: {  	[sflag:s29] =	ssyncadd.s32 $0xFFFFFFFF  }
0xb6: {  	_ =	strace $0x90000051  }
0xb7: {  	_ =	sfence  }
0xb8: {  	s30 =	sld [smem:$0x0];
	_ =	sdelay $0x2  }
0xb9: {  	s31 =	sshll.u32 s1, $0xD;
	s1 =	sshrl.u32 s1, $0x2  }
0xba: {  	s3 =	sand.u32 $0x4000, s31;
	s1 =	sadd.s32 s1, s30  }
0xbb: {  	s0 =	sor.u32 s3, s0;
	s1 =	sshll.u32 s1, $0x11  }
0xbc: {  	s0 =	sor.u32 s1, s0  }
0xbd: {  	s0 =	sadd.s32 $0x8F2B, s0  }
0xbe: {  	[sflag:s0] =	ssyncadd.remote.s32 $0x1  }
0xbf: {  	_ =	sfence.sel $0xFFFF  }
0xc0: {  	[dreg:$0x0] =	wrdreg $0xFFFFFFFF;
	(pc) =	sbr.abs _section_cstart, $3  }
0xc1: {  	[dreg:$0x1] =	wrdreg $0xFFFFFFFF  }
0xc2: {  	_ =	task.clear_ibuf [dreg:s7], $0x2FFFF;
	_ =	strace $0x9FFFFFFF  }
0xc3: {  	(tm) =	ssettm $0x7FFFFFFF  }
tec
execute0_lowered:
.L_overlay_start_1:
0x0: {  	(tag) =	ssettag $0x1  }
0x1: {  	s1 =	rddreg [dreg:$0x0]  }
0x2: {  	s0 =	rddreg [dreg:$0x1]  }
0x3: {  	s3 =	rddreg [dreg:$0x2]  }
0x4: {  	s2 =	srdreg.scid;
	s13 =	stileid.u32  }
0x5: {  	s4 =	simm.s32 $0x0;
	s28 =	simm.s32 $0x100;
	s5 =	smul.u32 $0x2780, s13  }
0x6: {  	s29 =	simm.s32 $0x280;
	s30 =	simm.s32 $0x1;
	s7 =	smul.u32 $0x4F000, s13  }
0x7: {  	s31 =	simm.s32 $0x300;
	s2 =	sand.u32 $0x1, s2;
	s24 =	smul.u32 $0x2800, s13  }
0x8: {  	[smem:$0x7FF] =	sst s4;
	s10 =	sadd.s32 $0xD600, s0;
	s18 =	smul.u32 $0x500, s13  }
0x9: {  	s11 =	sadd.s32 $0x8600, s0;
	s9 =	sadd.s32 $0x17600, s0;
	s6 =	smul.u32 $0x27800, s2  }
0xa: {  	_ =	strace $0x80000050;
	s8 =	smul.u32 $0x28000, s2;
	s2 =	ssub.s32 $0x2, s2  }
0xb: {  	[dreg:$0x5] =	wrdreg s9;
	s25 =	sshrl.u32 s2, $0x1;
	s26 =	sshrl.u32 s7, $0x2  }
0xc: {  	s21 =	sadd.s32 s18, s11;
	s5 =	sadd.s32 s5, s6;
	s2 =	ssub.s32 s2, s25  }
0xd: {  	s12 =	sadd.s32 s24, s8;
	s6 =	sshrl.u32 s24, $0x3;
	s8 =	sshll.u32 s13, $0x6  }
0xe: {  	[dreg:$0x4] =	wrdreg s21;
	s13 =	simm.s32 $0x7;
	s0 =	sadd.s32 s5, s0  }
0xf: {  	s5 =	sadd.s32 s26, s3;
	s7 =	sshrl.u32 s12, $0x3;
	s6 =	sadd.s32 s11, s6  }
0x10: {  	s9 =	sor.u32 $0x1C0A, s8;
	s2 =	smax.u32 s2, $0x1;
	s22 =	sor.u32 $0x280, s12  }
0x11: {  	s23 =	sor.u32 $0x200, s12;
	s24 =	sor.u32 $0x180, s12;
	s11 =	simm.s32 $0x5  }
0x12: {  	s12 =	simm.s32 $0x6;
	[dreg:$0x6] =	wrdreg s5;
	s14 =	sadd.s32 s10, s7  }
0x13: {  	s15 =	sadd.s32 $0x10, s6;
	s17 =	sadd.s32 $0x20, s6;
	[dreg:$0x8] =	wrdreg s6  }
0x14: {  	s20 =	sadd.s32 $0x4E0, s6;
	s6 =	sadd.s32 $0x4F0, s6;
	[dreg:$0x12] =	wrdreg s2  }
0x15: {  	s0 =	sadd.s32 $0x19E00, s0;
	s25 =	sshrl.u32 s23, $0x3;
	[dreg:$0xa] =	wrdreg s15  }
0x16: {  	s26 =	sshrl.u32 s24, $0x3;
	s23 =	simm.s32 $0xA;
	[dreg:$0xc] =	wrdreg s17  }
0x17: {  	s24 =	simm.s32 $0x180;
	s2 =	simm.s32 $0x4300;
	[dreg:$0xe] =	wrdreg s20  }
0x18: {  	s5 =	sadd.s32 $0x10, s14;
	s16 =	sadd.s32 $0x20, s14;
	[dreg:$0x7] =	wrdreg s14  }
0x19: {  	s19 =	sadd.s32 $0x4E0, s14;
	s7 =	sadd.s32 $0x4F0, s14;
	[dreg:$0x10] =	wrdreg s6  }
0x1a: {  	[dreg:$0x11] =	wrdreg s0;
	s0 =	sshrl.u32 s22, $0x3;
	s21 =	sadd.s32 s25, s10  }
0x1b: {  	s22 =	sadd.s32 s26, s10;
	s25 =	simm.s32 $0x80;
	[dreg:$0x9] =	wrdreg s5  }
0x1c: {  	s26 =	simm.s32 $0x200;
	s6 =	simm.s32 $0x8300;
	[dreg:$0xb] =	wrdreg s16  }
0x1d: {  	s14 =	simm.s32 $0x8;
	s15 =	simm.s32 $0x9;
	[dreg:$0xd] =	wrdreg s19  }
0x1e: {  	[dreg:$0xf] =	wrdreg s7;
	s20 =	sadd.s32 s0, s10;
	s0 =	simm.s32 $0x2  }
0x1f: {  	s5 =	simm.s32 $0x3;
	s10 =	simm.s32 $0x4;
	s16 =	simm.s32 $0x0  }
.LBB2_1:
0x20: {  	s7 =	rddreg [dreg:$0x6]  }
0x21: {  	s19 =	rddreg [dreg:$0x5];
	s17 =	sshrl.u32 s7, $0x3  }
0x22: {  	[spmem:s17], [sflag:s9] =	dma.local [hbm:s19], $0x2780  }
0x23: {  	_ =	swait.ge [sflag:s23], $0x2780  }
0x24: {  	[sflag:s23] =	ssyncset.done $0x0  }
0x25: {  	[sflag:s23] =	ssyncadd.s32 $0xFFFFD880  }
0x26: {  	[bflag:$0x0] =	sbarrier.arrive $0xFFFF  }
0x27: {  	s8 =	rddreg [dreg:$0x7]  }
0x28: {  	[tilespmem:s4], [sflag:$0x1] =	stream.linear.gather [hbm4b:s8+s4], $0x80, $0x38;
	[tilespmem:$0x1FF00] =	vst v63  }
0x29: {  	s18 =	rddreg [dreg:$0x8]  }
0x2a: {  	[tilespmem:s24], [sflag:$0x1] =	stream.linear.gather [hbm4b:s18+s4], $0x80, $0x38;
	[tilespmem:$0x1FF00] =	vst v63  }
0x2b: {  	s19 =	rddreg [dreg:$0x9]  }
0x2c: {  	[tilespmem:s25], [sflag:$0x2] =	stream.linear.gather [hbm4b:s19+s4], $0x80, $0x38;
	[tilespmem:$0x1FF00] =	vst v63  }
0x2d: {  	s8 =	rddreg [dreg:$0xa]  }
0x2e: {  	[tilespmem:s26], [sflag:$0x2] =	stream.linear.gather [hbm4b:s8+s4], $0x80, $0x38;
	[tilespmem:$0x1FF00] =	vst v63  }
0x2f: {  	s18 =	rddreg [dreg:$0xb]  }
0x30: {  	[tilespmem:s28], [sflag:$0x3] =	stream.linear.gather [hbm4b:s18+s4], $0x80, $0x38;
	[tilespmem:$0x1FF00] =	vst v63  }
0x31: {  	s19 =	rddreg [dreg:$0xc]  }
0x32: {  	[tilespmem:s29], [sflag:$0x3] =	stream.linear.gather [hbm4b:s19+s4], $0x80, $0x38;
	[tilespmem:$0x1FF00] =	vst v63  }
0x33: {  	_ =	swait.ge [sflag:s30], $0x80  }
0x34: {  	[sflag:s30] =	ssyncset.done $0x0  }
0x35: {  	[sflag:s30] =	ssyncadd.s32 $0xFFFFFF80  }
0x36: {  	_ =	swait.ge [sflag:s30], $0x80  }
0x37: {  	[sflag:s30] =	ssyncset.done $0x0  }
0x38: {  	[sflag:s30] =	ssyncadd.s32 $0xFFFFFF80  }
0x39: {  	[tilespmem:s31], [sflag:$0x4] =	stream.indirect.gather [hbm4b:s1+s25], $0x80, s4, s25, $0xb8;
	[tilespmem:$0x1FF00] =	vst v63  }
0x3a: {  	_ =	swait.ge [sflag:s0], $0x80  }
0x3b: {  	[sflag:s0] =	ssyncset.done $0x0  }
0x3c: {  	[sflag:s0] =	ssyncadd.s32 $0xFFFFFF80  }
0x3d: {  	_ =	swait.ge [sflag:s0], $0x80  }
0x3e: {  	[sflag:s0] =	ssyncset.done $0x0  }
0x3f: {  	[sflag:s0] =	ssyncadd.s32 $0xFFFFFF80  }
0x40: {  	[tilespmem:s2], [sflag:$0x5] =	stream.indirect.gather [hbm4b:s1+s25], $0x80, s25, s25, $0xb8;
	[tilespmem:$0x1FF00] =	vst v63  }
0x41: {  	_ =	swait.ge [sflag:s5], $0x80  }
0x42: {  	[sflag:s5] =	ssyncset.done $0x0  }
0x43: {  	[sflag:s5] =	ssyncadd.s32 $0xFFFFFF80  }
0x44: {  	_ =	swait.ge [sflag:s5], $0x80  }
0x45: {  	[sflag:s5] =	ssyncset.done $0x0  }
0x46: {  	[sflag:s5] =	ssyncadd.s32 $0xFFFFFF80  }
0x47: {  	[tilespmem:s6], [sflag:$0x6] =	stream.indirect.gather [hbm4b:s1+s25], $0x80, s28, s25, $0xb8;
	[tilespmem:$0x1FF00] =	vst v63  }
0x48: {  	_ =	swait.ge [sflag:s10], $0x4000  }
0x49: {  	[sflag:s10] =	ssyncset.done $0x0  }
0x4a: {  	[sflag:s10] =	ssyncadd.s32 $0xFFFFC000  }
0x4b: {  	[spmem:s3] =	stream.indirect.scatter.add.f32 [tilespmem:s31], [sflag:$0x7], $0x80, s24, s25, $0xb8;
	[tilespmem:$0x1FF00] =	vst v63  }
0x4c: {  	_ =	swait.ge [sflag:s11], $0x4000  }
0x4d: {  	[sflag:s11] =	ssyncset.done $0x0  }
0x4e: {  	[sflag:s11] =	ssyncadd.s32 $0xFFFFC000  }
0x4f: {  	[spmem:s3] =	stream.indirect.scatter.add.f32 [tilespmem:s2], [sflag:$0x8], $0x80, s26, s25, $0xb8;
	[tilespmem:$0x1FF00] =	vst v63  }
0x50: {  	_ =	swait.ge [sflag:s12], $0x4000  }
0x51: {  	[sflag:s12] =	ssyncset.done $0x0  }
0x52: {  	[sflag:s12] =	ssyncadd.s32 $0xFFFFC000  }
0x53: {  	[spmem:s3] =	stream.indirect.scatter.add.f32 [tilespmem:s6], [sflag:$0x9], $0x80, s29, s25, $0xb8;
	[tilespmem:$0x1FF00] =	vst v63  }
0x54: {  	_ =	swait.ge [sflag:s13], $0x4000  }
0x55: {  	[sflag:s13] =	ssyncset.done $0x0;
	s18 =	rddreg [dreg:$0x4]  }
0x56: {  	s19 =	sadd.s32 $0x0, s22;
	[sflag:s13] =	ssyncadd.s32 $0xFFFFC000;
	s18 =	sadd.s32 $0x0, s18  }
0x57: {  	[tilespmem:s4], [sflag:$0x1] =	stream.linear.gather [hbm4b:s19+s4], $0x80, $0x38;
	[tilespmem:$0x1FF00] =	vst v63  }
0x58: {  	s7 =	sadd.s32 $0x30, s18  }
0x59: {  	[tilespmem:s24], [sflag:$0x1] =	stream.linear.gather [hbm4b:s7+s4], $0x80, $0x38;
	[tilespmem:$0x1FF00] =	vst v63  }
0x5a: {  	_ =	swait.ge [sflag:s14], $0x4000  }
0x5b: {  	[sflag:s14] =	ssyncset.done $0x0  }
0x5c: {  	s8 =	sadd.s32 $0x0, s21;
	[sflag:s14] =	ssyncadd.s32 $0xFFFFC000  }
0x5d: {  	[tilespmem:s25], [sflag:$0x2] =	stream.linear.gather [hbm4b:s8+s4], $0x80, $0x38;
	[tilespmem:$0x1FF00] =	vst v63  }
0x5e: {  	s7 =	sadd.s32 $0x40, s18  }
0x5f: {  	[tilespmem:s26], [sflag:$0x2] =	stream.linear.gather [hbm4b:s7+s4], $0x80, $0x38;
	[tilespmem:$0x1FF00] =	vst v63  }
0x60: {  	_ =	swait.ge [sflag:s15], $0x4000  }
0x61: {  	[sflag:s15] =	ssyncset.done $0x0  }
0x62: {  	s8 =	sadd.s32 $0x0, s20;
	[sflag:s15] =	ssyncadd.s32 $0xFFFFC000  }
0x63: {  	[tilespmem:s28], [sflag:$0x3] =	stream.linear.gather [hbm4b:s8+s4], $0x80, $0x38;
	[tilespmem:$0x1FF00] =	vst v63  }
0x64: {  	s18 =	sadd.s32 $0x50, s18  }
0x65: {  	[tilespmem:s29], [sflag:$0x3] =	stream.linear.gather [hbm4b:s18+s4], $0x80, $0x38;
	[tilespmem:$0x1FF00] =	vst v63  }
0x66: {  	_ =	swait.ge [sflag:s30], $0x80  }
0x67: {  	[sflag:s30] =	ssyncset.done $0x0  }
0x68: {  	[sflag:s30] =	ssyncadd.s32 $0xFFFFFF80  }
0x69: {  	_ =	swait.ge [sflag:s30], $0x80  }
0x6a: {  	[sflag:s30] =	ssyncset.done $0x0  }
0x6b: {  	[sflag:s30] =	ssyncadd.s32 $0xFFFFFF80  }
0x6c: {  	[tilespmem:s31], [sflag:$0x4] =	stream.indirect.gather [hbm4b:s1+s25], $0x80, s4, s25, $0xb8;
	[tilespmem:$0x1FF00] =	vst v63  }
0x6d: {  	_ =	swait.ge [sflag:s0], $0x80  }
0x6e: {  	[sflag:s0] =	ssyncset.done $0x0  }
0x6f: {  	[sflag:s0] =	ssyncadd.s32 $0xFFFFFF80  }
0x70: {  	_ =	swait.ge [sflag:s0], $0x80  }
0x71: {  	[sflag:s0] =	ssyncset.done $0x0  }
0x72: {  	[sflag:s0] =	ssyncadd.s32 $0xFFFFFF80  }
0x73: {  	[tilespmem:s2], [sflag:$0x5] =	stream.indirect.gather [hbm4b:s1+s25], $0x80, s25, s25, $0xb8;
	[tilespmem:$0x1FF00] =	vst v63  }
0x74: {  	_ =	swait.ge [sflag:s5], $0x80  }
0x75: {  	[sflag:s5] =	ssyncset.done $0x0  }
0x76: {  	[sflag:s5] =	ssyncadd.s32 $0xFFFFFF80  }
0x77: {  	_ =	swait.ge [sflag:s5], $0x80  }
0x78: {  	[sflag:s5] =	ssyncset.done $0x0  }
0x79: {  	s18 =	simm.s32 $0x30;
	[sflag:s5] =	ssyncadd.s32 $0xFFFFFF80  }
.LBB2_2:
0x7a: {  	[tilespmem:s6], [sflag:$0x6] =	stream.indirect.gather [hbm4b:s1+s25], $0x80, s28, s25, $0xb8;
	[tilespmem:$0x1FF00] =	vst v63  }
0x7b: {  	_ =	swait.ge [sflag:s10], $0x4000  }
0x7c: {  	[sflag:s10] =	ssyncset.done $0x0  }
0x7d: {  	[sflag:s10] =	ssyncadd.s32 $0xFFFFC000  }
0x7e: {  	[spmem:s3] =	stream.indirect.scatter.add.f32 [tilespmem:s31], [sflag:$0x7], $0x80, s24, s25, $0xb8;
	[tilespmem:$0x1FF00] =	vst v63  }
0x7f: {  	_ =	swait.ge [sflag:s11], $0x4000  }
0x80: {  	[sflag:s11] =	ssyncset.done $0x0  }
0x81: {  	[sflag:s11] =	ssyncadd.s32 $0xFFFFC000  }
0x82: {  	[spmem:s3] =	stream.indirect.scatter.add.f32 [tilespmem:s2], [sflag:$0x8], $0x80, s26, s25, $0xb8;
	[tilespmem:$0x1FF00] =	vst v63  }
0x83: {  	_ =	swait.ge [sflag:s12], $0x4000  }
0x84: {  	[sflag:s12] =	ssyncset.done $0x0  }
0x85: {  	[sflag:s12] =	ssyncadd.s32 $0xFFFFC000  }
0x86: {  	[spmem:s3] =	stream.indirect.scatter.add.f32 [tilespmem:s6], [sflag:$0x9], $0x80, s29, s25, $0xb8;
	[tilespmem:$0x1FF00] =	vst v63  }
0x87: {  	_ =	swait.ge [sflag:s13], $0x4000  }
0x88: {  	s19 =	smov.u32 s18;
	[sflag:s13] =	ssyncset.done $0x0;
	s7 =	rddreg [dreg:$0x4]  }
0x89: {  	s8 =	sadd.s32 s19, s22;
	[sflag:s13] =	ssyncadd.s32 $0xFFFFC000;
	s7 =	sadd.s32 s19, s7  }
0x8a: {  	[tilespmem:s4], [sflag:$0x1] =	stream.linear.gather [hbm4b:s8+s4], $0x80, $0x38;
	[tilespmem:$0x1FF00] =	vst v63  }
0x8b: {  	s8 =	sadd.s32 $0x30, s7  }
0x8c: {  	[tilespmem:s24], [sflag:$0x1] =	stream.linear.gather [hbm4b:s8+s4], $0x80, $0x38;
	[tilespmem:$0x1FF00] =	vst v63  }
0x8d: {  	_ =	swait.ge [sflag:s14], $0x4000  }
0x8e: {  	[sflag:s14] =	ssyncset.done $0x0  }
0x8f: {  	s8 =	sadd.s32 s19, s21;
	[sflag:s14] =	ssyncadd.s32 $0xFFFFC000  }
0x90: {  	[tilespmem:s25], [sflag:$0x2] =	stream.linear.gather [hbm4b:s8+s4], $0x80, $0x38;
	[tilespmem:$0x1FF00] =	vst v63  }
0x91: {  	s8 =	sadd.s32 $0x40, s7  }
0x92: {  	[tilespmem:s26], [sflag:$0x2] =	stream.linear.gather [hbm4b:s8+s4], $0x80, $0x38;
	[tilespmem:$0x1FF00] =	vst v63  }
0x93: {  	_ =	swait.ge [sflag:s15], $0x4000  }
0x94: {  	[sflag:s15] =	ssyncset.done $0x0  }
0x95: {  	s19 =	sadd.s32 s19, s20;
	[sflag:s15] =	ssyncadd.s32 $0xFFFFC000  }
0x96: {  	[tilespmem:s28], [sflag:$0x3] =	stream.linear.gather [hbm4b:s19+s4], $0x80, $0x38;
	[tilespmem:$0x1FF00] =	vst v63  }
0x97: {  	s7 =	sadd.s32 $0x50, s7  }
0x98: {  	[tilespmem:s29], [sflag:$0x3] =	stream.linear.gather [hbm4b:s7+s4], $0x80, $0x38;
	[tilespmem:$0x1FF00] =	vst v63  }
0x99: {  	_ =	swait.ge [sflag:s30], $0x80  }
0x9a: {  	[sflag:s30] =	ssyncset.done $0x0  }
0x9b: {  	[sflag:s30] =	ssyncadd.s32 $0xFFFFFF80  }
0x9c: {  	_ =	swait.ge [sflag:s30], $0x80  }
0x9d: {  	[sflag:s30] =	ssyncset.done $0x0  }
0x9e: {  	[sflag:s30] =	ssyncadd.s32 $0xFFFFFF80  }
0x9f: {  	[tilespmem:s31], [sflag:$0x4] =	stream.indirect.gather [hbm4b:s1+s25], $0x80, s4, s25, $0xb8;
	[tilespmem:$0x1FF00] =	vst v63  }
0xa0: {  	_ =	swait.ge [sflag:s0], $0x80  }
0xa1: {  	[sflag:s0] =	ssyncset.done $0x0  }
0xa2: {  	[sflag:s0] =	ssyncadd.s32 $0xFFFFFF80  }
0xa3: {  	_ =	swait.ge [sflag:s0], $0x80  }
0xa4: {  	[sflag:s0] =	ssyncset.done $0x0  }
0xa5: {  	[sflag:s0] =	ssyncadd.s32 $0xFFFFFF80  }
0xa6: {  	[tilespmem:s2], [sflag:$0x5] =	stream.indirect.gather [hbm4b:s1+s25], $0x80, s25, s25, $0xb8;
	[tilespmem:$0x1FF00] =	vst v63  }
0xa7: {  	p0 =	sne.s32 s18, $0x480;
	_ =	swait.ge [sflag:s5], $0x80  }
.Ltmp0:
0xa8: {  	[sflag:s5] =	ssyncset.done $0x0;
	(pc) =	sbr.rel @p0 .LBB2_2-.Ltmp0, $4  }
0xa9: {  	[sflag:s5] =	ssyncadd.s32 $0xFFFFFF80  }
0xaa: {  	_ =	swait.ge [sflag:s5], $0x80  }
0xab: {  	[sflag:s5] =	ssyncset.done $0x0  }
0xac: {  	s18 =	sadd.s32 $0x30, s18;
	[sflag:s5] =	ssyncadd.s32 $0xFFFFFF80  }
0xad: {  	[tilespmem:s6], [sflag:$0x6] =	stream.indirect.gather [hbm4b:s1+s25], $0x80, s28, s25, $0xb8;
	[tilespmem:$0x1FF00] =	vst v63  }
0xae: {  	_ =	swait.ge [sflag:s10], $0x4000  }
0xaf: {  	[sflag:s10] =	ssyncset.done $0x0  }
0xb0: {  	[sflag:s10] =	ssyncadd.s32 $0xFFFFC000  }
0xb1: {  	[spmem:s3] =	stream.indirect.scatter.add.f32 [tilespmem:s31], [sflag:$0x7], $0x80, s24, s25, $0xb8;
	[tilespmem:$0x1FF00] =	vst v63  }
0xb2: {  	_ =	swait.ge [sflag:s11], $0x4000  }
0xb3: {  	[sflag:s11] =	ssyncset.done $0x0  }
0xb4: {  	[sflag:s11] =	ssyncadd.s32 $0xFFFFC000  }
0xb5: {  	[spmem:s3] =	stream.indirect.scatter.add.f32 [tilespmem:s2], [sflag:$0x8], $0x80, s26, s25, $0xb8;
	[tilespmem:$0x1FF00] =	vst v63  }
0xb6: {  	_ =	swait.ge [sflag:s12], $0x4000  }
0xb7: {  	[sflag:s12] =	ssyncset.done $0x0  }
0xb8: {  	[sflag:s12] =	ssyncadd.s32 $0xFFFFC000  }
0xb9: {  	[spmem:s3] =	stream.indirect.scatter.add.f32 [tilespmem:s6], [sflag:$0x9], $0x80, s29, s25, $0xb8;
	[tilespmem:$0x1FF00] =	vst v63  }
0xba: {  	_ =	swait.ge [sflag:s13], $0x4000  }
0xbb: {  	[sflag:s13] =	ssyncset.done $0x0  }
0xbc: {  	s7 =	rddreg [dreg:$0xd];
	[sflag:s13] =	ssyncadd.s32 $0xFFFFC000  }
0xbd: {  	[tilespmem:s4], [sflag:$0x1] =	stream.linear.gather [hbm4b:s7+s4], $0x80, $0x38;
	[tilespmem:$0x1FF00] =	vst v63  }
0xbe: {  	s18 =	rddreg [dreg:$0xe]  }
0xbf: {  	[tilespmem:s24], [sflag:$0x1] =	stream.linear.gather [hbm4b:s18+s4], $0x80, $0x38;
	[tilespmem:$0x1FF00] =	vst v63  }
0xc0: {  	_ =	swait.ge [sflag:s14], $0x4000  }
0xc1: {  	[sflag:s14] =	ssyncset.done $0x0  }
0xc2: {  	s19 =	rddreg [dreg:$0xf];
	[sflag:s14] =	ssyncadd.s32 $0xFFFFC000  }
0xc3: {  	[tilespmem:s25], [sflag:$0x2] =	stream.linear.gather [hbm4b:s19+s4], $0x80, $0x38;
	[tilespmem:$0x1FF00] =	vst v63  }
0xc4: {  	s8 =	rddreg [dreg:$0x10]  }
0xc5: {  	[tilespmem:s26], [sflag:$0x2] =	stream.linear.gather [hbm4b:s8+s4], $0x80, $0x38;
	[tilespmem:$0x1FF00] =	vst v63  }
0xc6: {  	_ =	swait.ge [sflag:s15], $0x4000  }
0xc7: {  	[sflag:s15] =	ssyncset.done $0x0  }
0xc8: {  	[sflag:s15] =	ssyncadd.s32 $0xFFFFC000  }
0xc9: {  	_ =	swait.ge [sflag:s30], $0x80  }
0xca: {  	[sflag:s30] =	ssyncset.done $0x0  }
0xcb: {  	[sflag:s30] =	ssyncadd.s32 $0xFFFFFF80  }
0xcc: {  	_ =	swait.ge [sflag:s30], $0x80  }
0xcd: {  	[sflag:s30] =	ssyncset.done $0x0  }
0xce: {  	[sflag:s30] =	ssyncadd.s32 $0xFFFFFF80  }
0xcf: {  	[tilespmem:s31], [sflag:$0x4] =	stream.indirect.gather [hbm4b:s1+s25], $0x80, s4, s25, $0xb8;
	[tilespmem:$0x1FF00] =	vst v63  }
0xd0: {  	_ =	swait.ge [sflag:s0], $0x80  }
0xd1: {  	[sflag:s0] =	ssyncset.done $0x0  }
0xd2: {  	[sflag:s0] =	ssyncadd.s32 $0xFFFFFF80  }
0xd3: {  	_ =	swait.ge [sflag:s0], $0x80  }
0xd4: {  	[sflag:s0] =	ssyncset.done $0x0  }
0xd5: {  	[sflag:s0] =	ssyncadd.s32 $0xFFFFFF80  }
0xd6: {  	[tilespmem:s2], [sflag:$0x5] =	stream.indirect.gather [hbm4b:s1+s25], $0x80, s25, s25, $0xb8;
	[tilespmem:$0x1FF00] =	vst v63  }
0xd7: {  	_ =	swait.ge [sflag:s10], $0x4000  }
0xd8: {  	[sflag:s10] =	ssyncset.done $0x0  }
0xd9: {  	[sflag:s10] =	ssyncadd.s32 $0xFFFFC000  }
0xda: {  	[spmem:s3] =	stream.indirect.scatter.add.f32 [tilespmem:s31], [sflag:$0x7], $0x80, s24, s25, $0xb8;
	[tilespmem:$0x1FF00] =	vst v63  }
0xdb: {  	_ =	swait.ge [sflag:s11], $0x4000  }
0xdc: {  	[sflag:s11] =	ssyncset.done $0x0  }
0xdd: {  	[sflag:s11] =	ssyncadd.s32 $0xFFFFC000  }
0xde: {  	[spmem:s3] =	stream.indirect.scatter.add.f32 [tilespmem:s2], [sflag:$0x8], $0x80, s26, s25, $0xb8;
	[tilespmem:$0x1FF00] =	vst v63  }
0xdf: {  	_ =	swait.ge [sflag:s13], $0x4000  }
0xe0: {  	[sflag:s13] =	ssyncset.done $0x0  }
0xe1: {  	[sflag:s13] =	ssyncadd.s32 $0xFFFFC000  }
0xe2: {  	_ =	swait.ge [sflag:s14], $0x4000  }
0xe3: {  	[sflag:s14] =	ssyncset.done $0x0  }
0xe4: {  	[sflag:s14] =	ssyncadd.s32 $0xFFFFC000  }
0xe5: {  	[bflag:$0x0] =	sbarrier.arrive $0xFFFF  }
0xe6: {  	s18 =	rddreg [dreg:$0x11]  }
0xe7: {  	[hbm:s18], [sflag:s9] =	dma.local [spmem:s17], $0x2780  }
0xe8: {  	_ =	swait.ge [sflag:s23], $0x2780  }
0xe9: {  	s16 =	sadd.s32 $0x1, s16;
	s19 =	rddreg [dreg:$0x12]  }
0xea: {  	p0 =	sne.s32 s16, s19  }
.Ltmp1:
0xeb: {  	_ = 	snop;
	(pc) =	sbr.rel @p0 .LBB2_1-.Ltmp1, $3  }
0xec: {  	_ =	sdelay $0x1  }
0xed: {  	[sflag:s23] =	ssyncset.done $0x0  }
0xee: {  	[sflag:s23] =	ssyncadd.s32 $0xFFFFD880  }
0xef: {  	_ =	sfence.sel $0x180000  }
0xf0: {  	[bflag:$0x0] =	sbarrier.arrive $0xFFFF  }
0xf1: {  	_ =	strace $0x90000050  }
0xf2: {  	s0 =	stileid.u32;
	[bflag:$0x2] =	sbarrier.arrive $0xFFFF  }
0xf3: {  	p0 =	sne.s32 s0, $0x0;
	s0 =	rddreg [dreg:$0x3]  }
0xf4: {  	s0 =	sadd.s32 @!p0 $0x100000, s0  }
0xf5: {  	[sflag:s0] =	ssyncadd.tile.s32 @!p0 $0x1;
	_ =	shalt  }
.Lfunc_end2:
_tile_overlayer_lowered:
.L_overlay_start_2:
0xf6: {  	(tag) =	ssettag $0x2  }
0xf7: {  	s0 =	rddreg [dreg:$0x0];
	s2 =	stileid.u32  }
0xf8: {  	s1 =	rddreg [dreg:$0x1];
	p0 =	sne.s32 s2, $0x0  }
0xf9: {  	s3 =	rddreg [dreg:$0x2];
	[bflag:$0x3] =	sbarrier.arrive $0xFFFF;
	s2 =	simm.s32 @!p0 $0x1C0A  }
0xfa: {  	[timem:s3], [sflag:s2] =	dma.local @!p0 [hbm:s0], s1  }
0xfb: {  	s0 =	simm.s32 @!p0 $0xA  }
0xfc: {  	_ =	swait.ge @!p0 [sflag:s0], s1  }
0xfd: {  	s1 =	ssub.s32 @!p0 $0x0, s1;
	[sflag:s0] =	ssyncset.done @!p0 $0x0  }
0xfe: {  	[sflag:s0] =	ssyncadd.s32 @!p0 s1  }
0xff: {  	[bflag:$0x3] =	sbarrier.arrive $0xFFFF  }
0x100: {  	_ =	shalt  }

// kernel: kernel.9.cloned.1.call-start
scs
__scs_entry_jumppad:
0x0: {  	(pc) =	sbr.rel $0x88, $3  }
0x1: {  	(tag) =	ssettag $0x0;
	lr =	simm.s32 $0x1  }
0x2: {  	[smem:$0x3F96] =	sst lr;
	_ =	strace $0xD0000000  }
0x3: {  	_ = 	snop  }
0x4: {  	_ = 	snop  }
0x5: {  	_ = 	snop  }
0x6: {  	_ = 	snop  }
0x7: {  	_ = 	snop  }
__scs_overlays_trampoline_lowered:
0x8: {  	[smem:$0x3FA5] =	sst s0  }
0x9: {  	[smem:$0x3FA6] =	sst s1  }
0xa: {  	[smem:$0x3FA7] =	sst s2  }
0xb: {  	[smem:$0x3FA8] =	sst s3  }
0xc: {  	[smem:$0x3FA9] =	sst s4  }
0xd: {  	[smem:$0x3FAA] =	sst s5  }
0xe: {  	[smem:$0x3FAB] =	sst s6  }
0xf: {  	[smem:$0x3FAC] =	sst s7  }
0x10: {  	[smem:$0x3FAD] =	sst s8  }
0x11: {  	[smem:$0x3FAE] =	sst s9;
	s0 =	simm.s32 @!p0 $0x0  }
0x12: {  	s1 =	sld [smem:$0x3F94];
	s0 =	simm.s32 @p0 $0x1  }
0x13: {  	[smem:$0x3FAF] =	sst s0;
	s0 =	simm.s32 @!p1 $0x0  }
0x14: {  	s2 =	sld [smem:$0x3F93];
	s0 =	simm.s32 @p1 $0x1  }
0x15: {  	[smem:$0x3FB0] =	sst s0;
	s0 =	simm.s32 @!p2 $0x0  }
0x16: {  	s3 =	sld [smem:$0x3FDB];
	s0 =	simm.s32 @p2 $0x1  }
0x17: {  	s4 =	simm.s32 $0x1BF5;
	[smem:$0x3FB2] =	sst s0  }
0x18: {  	s0 =	sld [smem:$0x3F95];
	_ =	swait.ge [sflag:s4], $0x0  }
0x19: {  	s7 =	sld [smem:$0x3F96]  }
0x1a: {  	s8 =	sadd.s32 $0xFFFFE003, lr  }
0x1b: {  	s9 =	sadd.s32 $0xFFFFFEF7, lr;
	s5 =	simm.s32 $0xFFFFFFFF;
	p2 =	slt.u32 s8, $0xFFFFF086  }
0x1c: {  	p1 =	slt.u32 s9, $0xF7A;
	s5 =	simm.s32 @!p2 $0x0  }
0x1d: {  	s5 =	simm.s32 @p1 $0x1;
	p0 =	seq.s32 s7, s2  }
0x1e: {  	s7 =	smul.u32 @!p0 $0xF7A, s2;
	p2 =	seq.s32 @!p0 s5, $0x0  }
0x1f: {  	s9 =	smul.u32 $0xF7A, s1;
	s8 =	simm.s32 @!p0 $0x1BF5;
	p2 =	por !p2, p0  }
0x20: {  	[sflag:s8] =	ssyncset.s32 @!p0 $0xFFFFF086;
	s6 =	sadd.s32 @!p0 s3, s7;
	s7 =	simm.s32 @!p0 $0x108  }
0x21: {  	s3 =	sadd.s32 s3, s9;
	s6 =	sadd.s32 @!p0 $0x88, s6;
	s7 =	simm.s32 @p2 $0x1082  }
0x22: {  	[simem:s7], [sflag:s8] =	dma.local @!p0 [hbm:s6], $0xF7A  }
0x23: {  	s9 =	sor.u32 $0xD0000000, s2;
	s6 =	simm.s32 $0x108;
	_ =	swait.ge @!p0 [sflag:s8], $0x0  }
0x24: {  	s3 =	sadd.s32 $0x88, s3;
	s6 =	simm.s32 @!p1 $0x1082;
	[sflag:s4] =	ssyncset.s32 $0xFFFFF086  }
0x25: {  	[simem:s6], [sflag:s4] =	dma.local [hbm:s3], $0xF7A  }
0x26: {  	[smem:$0x3F96] =	sst s1;
	(tag) =	ssettag s2;
	_ =	strace s9  }
0x27: {  	s1 =	sld [smem:$0x3FA6]  }
0x28: {  	s2 =	sld [smem:$0x3FA7]  }
0x29: {  	s4 =	sld [smem:$0x3FA9]  }
0x2a: {  	p0 =	seq.s32 s5, $0x0;
	s5 =	sld [smem:$0x3FAA]  }
0x2b: {  	s6 =	sld [smem:$0x3FAB]  }
0x2c: {  	s7 =	sld [smem:$0x3FAC]  }
0x2d: {  	s3 =	simm.s32 $0x108;
	s8 =	sld [smem:$0x3FAD]  }
0x2e: {  	s3 =	simm.s32 @!p0 $0x1082;
	s9 =	sld [smem:$0x3FAE]  }
0x2f: {  	lr =	sadd.s32 s0, s3;
	s0 =	sld [smem:$0x3FA5]  }
0x30: {  	s3 =	sld [smem:$0x3FA8]  }
0x31: {  	[smem:$0x3FB1] =	sst s10  }
0x32: {  	s10 =	sld [smem:$0x3FAF];
	_ =	sdelay $0x3  }
0x33: {  	p0 =	seq.s32 s10, $0x1;
	s10 =	sld [smem:$0x3FB1];
	_ =	sdelay $0x3  }
0x34: {  	[smem:$0x3FB1] =	sst s10  }
0x35: {  	s10 =	sld [smem:$0x3FB0];
	_ =	sdelay $0x3  }
0x36: {  	p1 =	seq.s32 s10, $0x1;
	s10 =	sld [smem:$0x3FB1];
	_ =	sdelay $0x3  }
0x37: {  	[smem:$0x3FB1] =	sst s10  }
0x38: {  	s10 =	sld [smem:$0x3FB2]  }
0x39: {  	_ = 	snop;
	(pc) =	sbr.ind lr, $3  }
0x3a: {  	_ = 	snop  }
0x3b: {  	_ = 	snop  }
0x3c: {  	p2 =	seq.s32 s10, $0x1;
	s10 =	sld [smem:$0x3FB1]  }
0x3d: {  	_ =	shalt  }
0x3e: {  	_ =	shalt  }
0x3f: {  	_ =	shalt  }
0x40: {  	_ =	shalt  }
0x41: {  	_ =	shalt  }
0x42: {  	_ =	shalt  }
0x43: {  	_ =	shalt  }
0x44: {  	_ =	shalt  }
0x45: {  	_ =	shalt  }
0x46: {  	_ =	shalt  }
0x47: {  	_ =	shalt  }
0x48: {  	_ =	shalt  }
0x49: {  	_ =	shalt  }
0x4a: {  	_ =	shalt  }
0x4b: {  	_ =	shalt  }
0x4c: {  	_ =	shalt  }
0x4d: {  	_ =	shalt  }
0x4e: {  	_ =	shalt  }
0x4f: {  	_ =	shalt  }
0x50: {  	_ =	shalt  }
0x51: {  	_ =	shalt  }
0x52: {  	_ =	shalt  }
0x53: {  	_ =	shalt  }
0x54: {  	_ =	shalt  }
0x55: {  	_ =	shalt  }
0x56: {  	_ =	shalt  }
0x57: {  	_ =	shalt  }
0x58: {  	_ =	shalt  }
0x59: {  	_ =	shalt  }
0x5a: {  	_ =	shalt  }
0x5b: {  	_ =	shalt  }
0x5c: {  	_ =	shalt  }
0x5d: {  	_ =	shalt  }
0x5e: {  	_ =	shalt  }
0x5f: {  	_ =	shalt  }
0x60: {  	_ =	shalt  }
0x61: {  	_ =	shalt  }
0x62: {  	_ =	shalt  }
0x63: {  	_ =	shalt  }
0x64: {  	_ =	shalt  }
0x65: {  	_ =	shalt  }
0x66: {  	_ =	shalt  }
0x67: {  	_ =	shalt  }
0x68: {  	_ =	shalt  }
0x69: {  	_ =	shalt  }
0x6a: {  	_ =	shalt  }
0x6b: {  	_ =	shalt  }
0x6c: {  	_ =	shalt  }
0x6d: {  	_ =	shalt  }
0x6e: {  	_ =	shalt  }
0x6f: {  	_ =	shalt  }
0x70: {  	_ =	shalt  }
0x71: {  	_ =	shalt  }
0x72: {  	_ =	shalt  }
0x73: {  	_ =	shalt  }
0x74: {  	_ =	shalt  }
0x75: {  	_ =	shalt  }
0x76: {  	_ =	shalt  }
0x77: {  	_ =	shalt  }
0x78: {  	_ =	shalt  }
0x79: {  	_ =	shalt  }
0x7a: {  	_ =	shalt  }
0x7b: {  	_ =	shalt  }
0x7c: {  	_ =	shalt  }
0x7d: {  	_ =	shalt  }
0x7e: {  	_ =	shalt  }
0x7f: {  	_ =	shalt  }
0x80: {  	_ =	shalt  }
0x81: {  	_ =	shalt  }
0x82: {  	_ =	shalt  }
0x83: {  	_ =	shalt  }
0x84: {  	_ =	shalt  }
0x85: {  	_ =	shalt  }
0x86: {  	_ =	shalt  }
0x87: {  	_ =	shalt  }
.Lfunc_end0:
.L_simem_size_0:
called_computation_lowered:
.L_overlay_start_0:
0x88: {  	s2 =	sld [smem:$0x3FD9]  }
0x89: {  	s3 =	sld [smem:$0x3FFE];
	_ =	sdelay $0x1  }
0x8a: {  	s1 =	srdreg.scid  }
0x8b: {  	s0 =	sand.u32 $0x1, s1  }
0x8c: {  	s17 =	sshll.u32 s0, $0xA;
	s2 =	sadd.s32 s3, s2  }
0x8d: {  	s2 =	sadd.s32 s2, s17  }
0x8e: {  	[smem:$0x3FBD] =	sst s2  }
0x8f: {  	_ = 	snop  }
0x90: {  	(tm) =	ssettm $0x1  }
0x91: {  	s18 =	sld [smem:$0x3FFB];
	_ =	sdelay $0x3  }
0x92: {  	_ =	strace s18  }
0x93: {  	s2 =	sld [smem:$0x3FFC];
	_ =	sdelay $0x3  }
0x94: {  	_ =	strace s2  }
0x95: {  	s2 =	sld [smem:$0x3FFD];
	_ =	sdelay $0x3  }
0x96: {  	_ =	strace s2  }
0x97: {  	_ =	strace $0x8FFFFFFF  }
0x98: {  	s19 =	sld [smem:$0x3FDB];
	_ =	sdelay $0x1  }
0x99: {  	s20 =	simm.s32 $_scs_section_size  }
0x9a: {  	s4 =	simm.s32 $_size__tile_overlayer_lowered;
	s5 =	simm.s32 $_tile_overlayer_lowered  }
0x9b: {  	s6 =	simm.s32 $0x1BFF;
	s21 =	sshll.u32 s5, $0x1;
	s3 =	sadd.s32 s20, s19  }
0x9c: {  	s22 =	simm.s32 $0x0;
	s4 =	sshll.u32 s4, $0x1;
	s5 =	sadd.s32 s21, s3  }
0x9d: {  	[timem:s22], [sflag:s6] =	dma.local [hbm:s5], s4  }
0x9e: {  	_ =	swait.ge [sflag:s6], s4  }
0x9f: {  	s4 =	ssub.s32 $0x0, s4;
	[sflag:s6] =	ssyncset.done $0x0  }
0xa0: {  	[sflag:s6] =	ssyncadd.s32 s4;
	_ =	sdelay $0x1  }
0xa1: {  	s23 =	simm.s32 $0x1B8B  }
0xa2: {  	_ =	swait.ge [sflag:s23], $0x1  }
0xa3: {  	[sflag:s23] =	ssyncset.done $0x0  }
0xa4: {  	[sflag:s23] =	ssyncadd.s32 $0xFFFFFFFF  }
0xa5: {  	s4 =	sld [smem:$0x0]  }
0xa6: {  	s5 =	sand.u32 $0xFFFFFFFE, s1  }
0xa7: {  	p0 =	sne.s32 s1, s5  }
0xa8: {  	s5 =	sshll.u32 @p0 s5, $0xE  }
0xa9: {  	s5 =	sadd.s32 @p0 $0x11B8D, s5;
	s6 =	sshll.u32 @p0 s4, $0x11  }
0xaa: {  	s5 =	sor.u32 @p0 s6, s5  }
0xab: {  	[sflag:s5] =	ssyncadd.remote.s32 @p0 $0x1;
	_ =	sdelay $0x1  }
0xac: {  	s5 =	simm.s32 @p0 $0x1B8D  }
0xad: {  	_ =	swait.eq @p0 [sflag:s5], $0x1  }
0xae: {  	[sflag:s5] =	ssyncadd.s32 @p0 $0xFFFFFFFF  }
0xaf: {  	s6 =	sshll.u32 @!p0 s1, $0xE  }
0xb0: {  	s6 =	sor.u32 @!p0 $0x4000, s6;
	s5 =	simm.s32 @!p0 $0x1B8D  }
0xb1: {  	s4 =	sshll.u32 @!p0 s4, $0x11;
	s6 =	sadd.s32 @!p0 $0x11B8D, s6;
	_ =	swait.eq @!p0 [sflag:s5], $0x1  }
0xb2: {  	s4 =	sor.u32 @!p0 s4, s6;
	[sflag:s5] =	ssyncadd.s32 @!p0 $0xFFFFFFFF  }
0xb3: {  	s25 =	simm.s32 $0x1B8E;
	s24 =	sld [smem:$0x3FFE];
	[sflag:s4] =	ssyncadd.remote.s32 @!p0 $0x1  }
0xb4: {  	s26 =	simm.s32 $execute0_lowered;
	[smem:$0x3FD2] =	sst s25  }
0xb5: {  	s5 =	sshll.u32 s26, $0x1;
	_ =	strace $0x80000049;
	[dreg:$0x1] =	wrdreg $0xFFFFFFFF  }
0xb6: {  	s28 =	simm.s32 $_size_execute0_lowered;
	s3 =	sadd.s32 s3, s5;
	[dreg:$0x0] =	wrdreg $0x0  }
0xb7: {  	s5 =	sshll.u32 s28, $0x1;
	[dreg:$0x2] =	wrdreg s3  }
0xb8: {  	[dreg:$0x3] =	wrdreg s5  }
0xb9: {  	[dreg:$0x4] =	wrdreg $0xC0  }
0xba: {  	_ =	task [dreg:s22], $0x5FFFF  }
0xbb: {  	[dreg:$0x1] =	wrdreg $0xFFFFFFFF  }
0xbc: {  	[dreg:$0x0] =	wrdreg $0x60  }
0xbd: {  	[dreg:$0x2] =	wrdreg s24  }
0xbe: {  	[dreg:$0x3] =	wrdreg $0x54000  }
0xbf: {  	[dreg:$0x4] =	wrdreg $0x9  }
0xc0: {  	_ =	task.clear_ibuf [dreg:s22], $0x5FFFF;
	_ =	strace $0x90000049  }
0xc1: {  	s29 =	simm.s32 $0x9;
	_ =	strace $0x8000004B  }
0xc2: {  	_ =	swait.ge [sflag:s29], $0x1  }
0xc3: {  	[sflag:s29] =	ssyncadd.s32 $0xFFFFFFFF  }
0xc4: {  	_ =	strace $0x9000004B  }
0xc5: {  	_ =	sfence  }
0xc6: {  	s30 =	sld [smem:$0x0];
	_ =	sdelay $0x2  }
0xc7: {  	s31 =	sshll.u32 s1, $0xD;
	s1 =	sshrl.u32 s1, $0x2  }
0xc8: {  	s4 =	sand.u32 $0x4000, s31;
	s1 =	sadd.s32 s1, s30  }
0xc9: {  	s0 =	sor.u32 s4, s0;
	s1 =	sshll.u32 s1, $0x11  }
0xca: {  	s0 =	sor.u32 s1, s0  }
0xcb: {  	s0 =	sadd.s32 $0x8F2B, s0  }
0xcc: {  	[sflag:s0] =	ssyncadd.remote.s32 $0x1  }
0xcd: {  	_ =	sfence.sel $0xFFFF  }
0xce: {  	[dreg:$0x0] =	wrdreg $0xFFFFFFFF;
	(pc) =	sbr.abs _section_cstart, $3  }
0xcf: {  	[dreg:$0x1] =	wrdreg $0xFFFFFFFF  }
0xd0: {  	_ =	task.clear_ibuf [dreg:s22], $0x2FFFF;
	_ =	strace $0x9FFFFFFF  }
0xd1: {  	(tm) =	ssettm $0x7FFFFFFF  }
tec
execute0_lowered:
.L_overlay_start_1:
0x0: {  	(tag) =	ssettag $0x1  }
0x1: {  	s6 =	rddreg [dreg:$0x0]  }
0x2: {  	s0 =	srdreg.scid;
	s1 =	stileid.u32  }
0x3: {  	s2 =	rddreg [dreg:$0x1];
	s5 =	smul.u32 $0x280, s1  }
0x4: {  	s3 =	simm.s32 $0x0;
	s13 =	simm.s32 $0x80;
	s8 =	smul.u32 $0x2780, s1  }
0x5: {  	s7 =	sand.u32 $0x1, s0;
	s0 =	rddreg [dreg:$0x2];
	s11 =	smul.u32 $0x4F000, s1  }
0x6: {  	s14 =	simm.s32 $0x0;
	[smem:$0x7FF] =	sst s3;
	s4 =	smul.u32 $0x2800, s7  }
0x7: {  	s31 =	sshll.u32 s1, $0x6;
	s9 =	smul.u32 $0x27800, s7;
	s7 =	ssub.s32 $0x2, s7  }
0x8: {  	_ =	strace $0x8000004A;
	s28 =	sshrl.u32 s7, $0x1;
	s29 =	sshrl.u32 s11, $0x2  }
0x9: {  	s11 =	simm.s32 $0x1;
	s4 =	sadd.s32 s5, s4;
	s5 =	sadd.s32 $0x17600, s6  }
0xa: {  	s8 =	sadd.s32 s8, s9;
	s30 =	ssub.s32 s7, s28;
	s12 =	sadd.s32 s29, s2  }
0xb: {  	s10 =	sadd.s32 s4, s6;
	s4 =	sadd.s32 $0x68E00, s6;
	s8 =	sadd.s32 s8, s6  }
0xc: {  	s6 =	sor.u32 $0x1C01, s31;
	s9 =	smax.u32 s30, $0x1;
	s7 =	sadd.s32 $0x3600, s10  }
0xd: {  	s8 =	sadd.s32 $0x69600, s8;
	s10 =	sshrl.u32 s12, $0x3;
	s12 =	simm.s32 $0x1400  }
.LBB2_1:
0xe: {  	[spmem:s10], [sflag:s6] =	dma.local [hbm:s5], $0x2780  }
0xf: {  	_ =	swait.ge [sflag:s11], $0x2780  }
0x10: {  	[sflag:s11] =	ssyncset.done $0x0  }
0x11: {  	[sflag:s11] =	ssyncadd.s32 $0xFFFFD880  }
0x12: {  	[tilespmem:s3], [sflag:$0x1] =	stream.linear.gather [hbm4b:s7+s3], $0x1400, $0x38;
	[tilespmem:$0x19000] =	vst v63  }
0x13: {  	_ =	swait.ge [sflag:s11], $0x1400  }
0x14: {  	[sflag:s11] =	ssyncset.done $0x0  }
0x15: {  	[sflag:s11] =	ssyncadd.s32 $0xFFFFEC00  }
0x16: {  	[tilespmem:s12], [sflag:$0x1] =	stream.linear.gather [hbm4b:s4+s3], $0x4000, $0x38;
	[tilespmem:$0x19000] =	vst v63  }
0x17: {  	_ =	swait.ge [sflag:s11], $0x4000  }
0x18: {  	[sflag:s11] =	ssyncset.done $0x0  }
0x19: {  	[sflag:s11] =	ssyncadd.s32 $0xFFFFC000  }
0x1a: {  	s15 =	simm.s32 $0x0;
	[bflag:$0x0] =	sbarrier.arrive $0xFFFF  }
0x1b: {  	[spmem:s2] =	stream.indirect.scatter.add.f32 [tilespmem:s12], [sflag:$0x1], $0x80, s15, s13, $0xb8;
	[tilespmem:$0x19000] =	vst v63  }
0x1c: {  	_ =	swait.ge [sflag:s11], $0x4000  }
0x1d: {  	s15 =	simm.s32 $0x200;
	[sflag:s11] =	ssyncset.done $0x0  }
.LBB2_2:
0x1e: {  	s16 =	sshra.s32 s15, $0x2;
	[sflag:s11] =	ssyncadd.s32 $0xFFFFC000;
	p0 =	sne.s32 s15, $0x4E00  }
0x1f: {  	[spmem:s2] =	stream.indirect.scatter.add.f32 [tilespmem:s12], [sflag:$0x1], $0x80, s16, s13, $0xb8;
	[tilespmem:$0x19000] =	vst v63  }
.Ltmp0:
0x20: {  	_ = 	snop;
	(pc) =	sbr.rel @p0 .LBB2_2-.Ltmp0, $4  }
0x21: {  	_ = 	snop  }
0x22: {  	s15 =	sadd.s32 $0x200, s15  }
0x23: {  	_ =	swait.ge [sflag:s11], $0x4000  }
0x24: {  	[sflag:s11] =	ssyncset.done $0x0  }
0x25: {  	s14 =	sadd.s32 $0x1, s14  }
0x26: {  	[sflag:s11] =	ssyncadd.s32 $0xFFFFC000;
	p0 =	sne.s32 s14, s9  }
.Ltmp1:
0x27: {  	[bflag:$0x0] =	sbarrier.arrive $0xFFFF;
	(pc) =	sbr.rel @p0 .LBB2_1-.Ltmp1, $4  }
0x28: {  	[hbm:s8], [sflag:s6] =	dma.local [spmem:s10], $0x2780  }
0x29: {  	_ =	swait.ge [sflag:s11], $0x2780  }
0x2a: {  	[sflag:s11] =	ssyncset.done $0x0  }
0x2b: {  	[sflag:s11] =	ssyncadd.s32 $0xFFFFD880  }
0x2c: {  	_ =	sfence.sel $0x180000  }
0x2d: {  	[bflag:$0x0] =	sbarrier.arrive $0xFFFF  }
0x2e: {  	p0 =	sne.s32 s1, $0x0;
	_ =	strace $0x9000004A  }
0x2f: {  	s0 =	sadd.s32 @!p0 $0x100000, s0;
	[bflag:$0x2] =	sbarrier.arrive $0xFFFF  }
0x30: {  	[sflag:s0] =	ssyncadd.tile.s32 @!p0 $0x1;
	_ =	shalt  }
.Lfunc_end2:
_tile_overlayer_lowered:
.L_overlay_start_2:
0x31: {  	(tag) =	ssettag $0x2  }
0x32: {  	s0 =	rddreg [dreg:$0x0];
	s2 =	stileid.u32  }
0x33: {  	s1 =	rddreg [dreg:$0x1];
	p0 =	sne.s32 s2, $0x0  }
0x34: {  	s3 =	rddreg [dreg:$0x2];
	[bflag:$0x3] =	sbarrier.arrive $0xFFFF;
	s2 =	simm.s32 @!p0 $0x1C01  }
0x35: {  	[timem:s3], [sflag:s2] =	dma.local @!p0 [hbm:s0], s1  }
0x36: {  	s0 =	simm.s32 @!p0 $0x1  }
0x37: {  	_ =	swait.ge @!p0 [sflag:s0], s1  }
0x38: {  	s1 =	ssub.s32 @!p0 $0x0, s1;
	[sflag:s0] =	ssyncset.done @!p0 $0x0  }
0x39: {  	[sflag:s0] =	ssyncadd.s32 @!p0 s1  }
0x3a: {  	[bflag:$0x3] =	sbarrier.arrive $0xFFFF  }
0x3b: {  	_ =	shalt  }

</sc_bundles>
